<compile_context>
chip_gen: v7x
topology: tpu7x:2x2x1
jax: 0.10.2.dev20260603
libtpu: 0.0.44.dev20260713+nightly
codegen_flags: <defaults>
</compile_context>

<pallas_src>
import functools

import jax
import jax.numpy as jnp
from jax import lax
from jax.experimental import pallas as pl
from jax.experimental.pallas import tpu as pltpu
from jax.experimental.pallas import tpu_sc as plsc

_NC = 2
_NS = 16
_NW = _NC * _NS
_MINOR = 125


def _gather_body(x0_hbm, src_hbm, out_hbm, idx_v, rows_v, sem):
    c = lax.axis_index("c")
    s = lax.axis_index("s")
    epw = rows_v.shape[0]
    ebase = (s * _NC + c) * epw
    pltpu.sync_copy(src_hbm.at[pl.ds(ebase, epw)], idx_v)
    pltpu.async_copy(x0_hbm.at[idx_v], rows_v, sem).wait()
    pltpu.sync_copy(rows_v, out_hbm.at[pl.ds(ebase, epw)])


def _scatter_body(msg_hbm, dst_hbm, zero_hbm, out_hbm, idx_v, msg_v, agg_sh, sem):
    c = lax.axis_index("c")
    s = lax.axis_index("s")
    rpw = idx_v.shape[0]
    epw = msg_v.shape[0]
    base = (s * _NC + c) * rpw
    ebase = (s * _NC + c) * epw
    pltpu.sync_copy(dst_hbm.at[pl.ds(base, rpw)], idx_v)
    pltpu.sync_copy(msg_hbm.at[pl.ds(ebase, epw)], msg_v)

    @pl.when(s == 0)
    def _():
        pltpu.sync_copy(zero_hbm, agg_sh)

    plsc.subcore_barrier()

    def fire(j, carry):
        pltpu.async_copy(
            msg_v.at[pl.ds(j * _MINOR, _MINOR)], agg_sh.at[idx_v.at[j]], sem, add=True)
        return carry

    lax.fori_loop(0, rpw, fire, 0)

    def drain(j, carry):
        pltpu.make_async_copy(
            msg_v.at[pl.ds(j * _MINOR, _MINOR)], agg_sh.at[idx_v.at[j]], sem).wait()
        return carry

    lax.fori_loop(0, rpw, drain, 0)
    plsc.subcore_barrier()
    n_rows = agg_sh.shape[0]
    npt = n_rows // _NS
    pltpu.sync_copy(agg_sh.at[pl.ds(s * npt, npt)], out_hbm.at[c, pl.ds(s * npt, npt)])


def _msg_body(attr_ref, xg_ref, w1_ref, w2_ref, b2_ref, out_ref, pm_s):
    f_dim = 16
    h_dim = 16
    fh = f_dim * h_dim

    @pl.when(pl.program_id(0) == 0)
    def _():
        col = lax.broadcasted_iota(jnp.int32, (f_dim, fh), 1)
        row = lax.broadcasted_iota(jnp.int32, (f_dim, fh), 0)
        rmat = jnp.where(col // h_dim == row, 1.0, 0.0)
        colS = lax.broadcasted_iota(jnp.int32, (fh, h_dim), 1)
        rowS = lax.broadcasted_iota(jnp.int32, (fh, h_dim), 0)
        smat = jnp.where(rowS % h_dim == colS, 1.0, 0.0)
        pvec = jnp.dot(jnp.maximum(w1_ref[...], 0.0), w2_ref[...],
                       preferred_element_type=jnp.float32)
        mvec = jnp.dot(jnp.maximum(-w1_ref[...], 0.0), w2_ref[...],
                       preferred_element_type=jnp.float32)
        pmat = jnp.dot(rmat, pvec.T * smat, preferred_element_type=jnp.float32)
        mmat = jnp.dot(rmat, mvec.T * smat, preferred_element_type=jnp.float32)
        bmat = jnp.dot(rmat, b2_ref[...].T * smat, preferred_element_type=jnp.float32)
        i128 = lax.broadcasted_iota(jnp.int32, (128, f_dim), 0)
        f128 = lax.broadcasted_iota(jnp.int32, (128, f_dim), 1)
        k1 = jnp.where(i128 % f_dim == f128, 1.0, 0.0)
        h128 = lax.broadcasted_iota(jnp.int32, (h_dim, 128), 0)
        j128 = lax.broadcasted_iota(jnp.int32, (h_dim, 128), 1)
        k2 = jnp.where(j128 % h_dim == h128, 1.0, 0.0)
        bi = lax.broadcasted_iota(jnp.int32, (128, 128), 0) // f_dim
        bj = lax.broadcasted_iota(jnp.int32, (128, 128), 1) // h_dim
        dmask = jnp.where(bi == bj, 1.0, 0.0)
        for idx, m in ((0, pmat), (1, mmat), (2, bmat)):
            big = jnp.dot(jnp.dot(k1, m, preferred_element_type=jnp.float32), k2,
                          preferred_element_type=jnp.float32)
            pm_s[idx] = big * dmask

    a = attr_ref[...]
    xg = xg_ref[...]
    u = jnp.dot(xg, pm_s[0], preferred_element_type=jnp.float32)
    v = jnp.dot(xg, pm_s[1], preferred_element_type=jnp.float32)
    bb = jnp.dot(xg, pm_s[2], preferred_element_type=jnp.float32)
    out_ref[...] = jnp.abs(a) * jnp.where(a >= 0.0, u, v) + bb


def _bdiag(m, h_dim):
    i128 = lax.broadcasted_iota(jnp.int32, (128, h_dim), 0)
    f128 = lax.broadcasted_iota(jnp.int32, (128, h_dim), 1)
    k1 = jnp.where(i128 % h_dim == f128, 1.0, 0.0)
    h128 = lax.broadcasted_iota(jnp.int32, (h_dim, 128), 0)
    j128 = lax.broadcasted_iota(jnp.int32, (h_dim, 128), 1)
    k2 = jnp.where(j128 % h_dim == h128, 1.0, 0.0)
    bi = lax.broadcasted_iota(jnp.int32, (128, 128), 0) // h_dim
    bj = lax.broadcasted_iota(jnp.int32, (128, 128), 1) // h_dim
    dmask = jnp.where(bi == bj, 1.0, 0.0)
    big = jnp.dot(jnp.dot(k1, m, preferred_element_type=jnp.float32), k2,
                  preferred_element_type=jnp.float32)
    return big * dmask


def _gru_body(x_ref, agg_ref, h0_ref, root_ref, bconv_ref,
              wir, wiz, win, whr, whz, whn,
              bir, biz, bin_, bhr, bhz, bhn, out_ref, w_s):
    h_dim = root_ref.shape[1]

    @pl.when(pl.program_id(0) == 0)
    def _():
        for idx, m in ((0, root_ref), (1, wir), (2, wiz), (3, win),
                       (4, whr), (5, whz), (6, whn)):
            w_s[idx] = _bdiag(m[...], h_dim)

    agg = agg_ref[0] + agg_ref[1]
    h = h0_ref[0]
    nt = x_ref.shape[0]
    for t in range(nt):
        xr = jnp.dot(x_ref[t], w_s[0], preferred_element_type=jnp.float32) + bconv_ref[...]
        if t == 0:
            xr = xr + agg
        st = jnp.maximum(xr, 0.0)
        r = jax.nn.sigmoid(jnp.dot(st, w_s[1], preferred_element_type=jnp.float32) + bir[...]
                           + jnp.dot(h, w_s[4], preferred_element_type=jnp.float32) + bhr[...])
        z = jax.nn.sigmoid(jnp.dot(st, w_s[2], preferred_element_type=jnp.float32) + biz[...]
                           + jnp.dot(h, w_s[5], preferred_element_type=jnp.float32) + bhz[...])
        n = jnp.tanh(jnp.dot(st, w_s[3], preferred_element_type=jnp.float32) + bin_[...]
                     + r * (jnp.dot(h, w_s[6], preferred_element_type=jnp.float32) + bhn[...]))
        h = (1.0 - z) * n + z * h
        out_ref[t] = h


def _heads_body(flat_ref, wa_ref, wv1_ref, ba_ref, bv1_ref,
                wv2t_ref, bv2_ref, wv3t_ref, bv3_ref, out_ref, acc_a, acc_v):
    i = pl.program_id(0)

    @pl.when(i == 0)
    def _():
        acc_a[...] = jnp.zeros_like(acc_a)
        acc_v[...] = jnp.zeros_like(acc_v)

    fl = flat_ref[...]
    dn = (((1,), (1,)), ((), ()))
    acc_a[...] += lax.dot_general(fl, wa_ref[...], dn, precision=lax.Precision.HIGHEST,
                                  preferred_element_type=jnp.float32)
    acc_v[...] += lax.dot_general(fl, wv1_ref[...], dn, precision=lax.Precision.HIGHEST,
                                  preferred_element_type=jnp.float32)

    @pl.when(i == pl.num_programs(0) - 1)
    def _():
        na = out_ref.shape[1]
        adv = jnp.maximum(acc_a[...] + ba_ref[...], 0.0)
        gi = lax.broadcasted_iota(jnp.int32, (na, na), 0) // 10
        gj = lax.broadcasted_iota(jnp.int32, (na, na), 1) // 10
        gmat = jnp.where(gi == gj, 0.1, 0.0)
        advm = jnp.dot(adv, gmat, preferred_element_type=jnp.float32)
        val = jnp.maximum(acc_v[...] + bv1_ref[...], 0.0)
        val = jnp.maximum(
            jnp.dot(val, wv2t_ref[...], preferred_element_type=jnp.float32) + bv2_ref[...], 0.0)
        val = jnp.dot(val, wv3t_ref[...], preferred_element_type=jnp.float32) + bv3_ref[...]
        out_ref[...] = val + adv - advm


def kernel(x, edge_index, edge_attr, h0, W1, b1, W2, b2, root, bconv,
           W_ih, W_hh, b_ih, b_hh, W_adv, b_adv, Wv1, bv1, Wv2, bv2, Wv3, bv3):
    B, N, F = x.shape
    H = root.shape[1]
    E = edge_index.shape[1]
    rows = E // _MINOR
    rpw = rows // _NW
    epw = E // _NW

    dst = edge_index[1].reshape(rows, _MINOR)
    xp = x.reshape(B, N // 8, 8 * F)
    x0 = xp[0].reshape(N, F)

    mesh = plsc.VectorSubcoreMesh(core_axis_name="c", subcore_axis_name="s")

    gather = pl.kernel(
        _gather_body,
        out_type=jax.ShapeDtypeStruct((E, F), jnp.float32),
        mesh=mesh,
        compiler_params=pltpu.CompilerParams(use_tc_tiling_on_sc=False),
        scratch_types=[
            pltpu.VMEM((epw,), jnp.int32),
            pltpu.VMEM((epw, F), jnp.float32),
            pltpu.SemaphoreType.DMA,
        ],
    )
    xg = gather(x0, edge_index[0])
    xg_p = xg.reshape(E // 8, 8 * F)
    ase = jnp.broadcast_to(edge_attr, (E, H)).reshape(E // 8, 8 * H)

    ebr = 2000
    msg_p = pl.pallas_call(
        _msg_body,
        grid=(E // 8 // ebr,),
        in_specs=[
            pl.BlockSpec((ebr, 8 * H), lambda i: (i, 0)),
            pl.BlockSpec((ebr, 8 * F), lambda i: (i, 0)),
            pl.BlockSpec((1, 64), lambda i: (0, 0)),
            pl.BlockSpec((64, F * H), lambda i: (0, 0)),
            pl.BlockSpec((1, F * H), lambda i: (0, 0)),
        ],
        out_specs=pl.BlockSpec((ebr, 8 * H), lambda i: (i, 0)),
        out_shape=jax.ShapeDtypeStruct((E // 8, 8 * H), jnp.float32),
        scratch_shapes=[pltpu.VMEM((3, 8 * F, 8 * H), jnp.float32)],
    )(ase, xg_p, W1, W2, b2.reshape(1, F * H))
    msg = msg_p.reshape(E, H)

    scatter = pl.kernel(
        _scatter_body,
        out_type=jax.ShapeDtypeStruct((_NC, N, H), jnp.float32),
        mesh=mesh,
        compiler_params=pltpu.CompilerParams(use_tc_tiling_on_sc=False),
        scratch_types=[
            pltpu.VMEM((rpw, _MINOR), jnp.int32),
            pltpu.VMEM((epw, H), jnp.float32),
            pltpu.VMEM_SHARED((N, H), jnp.float32),
            pltpu.SemaphoreType.DMA,
        ],
    )
    aggp = scatter(msg, dst, jnp.zeros((N // 8, 8 * H), jnp.float32).reshape(N, H))

    nr = N // 8
    ncr = nr
    tile8 = lambda v: jnp.tile(v.reshape(1, H), (1, 8))
    outg = pl.pallas_call(
        _gru_body,
        grid=(nr // ncr,),
        in_specs=[
            pl.BlockSpec((B, ncr, 8 * F), lambda i: (0, i, 0)),
            pl.BlockSpec((_NC, ncr, 8 * H), lambda i: (0, i, 0)),
            pl.BlockSpec((1, ncr, 8 * H), lambda i: (0, i, 0)),
            pl.BlockSpec((F, H), lambda i: (0, 0)),
            pl.BlockSpec((1, 8 * H), lambda i: (0, 0)),
        ] + [pl.BlockSpec((H, H), lambda i: (0, 0))] * 6
          + [pl.BlockSpec((1, 8 * H), lambda i: (0, 0))] * 6,
        out_specs=pl.BlockSpec((B, ncr, 8 * H), lambda i: (0, i, 0)),
        out_shape=jax.ShapeDtypeStruct((B, nr, 8 * H), jnp.float32),
        scratch_shapes=[pltpu.VMEM((7, 8 * F, 8 * H), jnp.float32)],
    )(xp, aggp.reshape(_NC, nr, 8 * H), h0.reshape(1, nr, 8 * H), root, tile8(bconv),
      W_ih[:H].T, W_ih[H:2 * H].T, W_ih[2 * H:].T,
      W_hh[:H].T, W_hh[H:2 * H].T, W_hh[2 * H:].T,
      tile8(b_ih[:H]), tile8(b_ih[H:2 * H]), tile8(b_ih[2 * H:]),
      tile8(b_hh[:H]), tile8(b_hh[H:2 * H]), tile8(b_hh[2 * H:]))

    flat = outg.reshape(B, N * H)
    na = W_adv.shape[0]
    nv = Wv1.shape[0]
    kb = 32000
    q30 = pl.pallas_call(
        _heads_body,
        grid=(N * H // kb,),
        in_specs=[
            pl.BlockSpec((B, kb), lambda i: (0, i)),
            pl.BlockSpec((na, kb), lambda i: (0, i)),
            pl.BlockSpec((nv, kb), lambda i: (0, i)),
            pl.BlockSpec((1, na), lambda i: (0, 0)),
            pl.BlockSpec((1, nv), lambda i: (0, 0)),
            pl.BlockSpec((nv, nv), lambda i: (0, 0)),
            pl.BlockSpec((1, nv), lambda i: (0, 0)),
            pl.BlockSpec((nv, 1), lambda i: (0, 0)),
            pl.BlockSpec((1, 1), lambda i: (0, 0)),
        ],
        out_specs=pl.BlockSpec((B, na), lambda i: (0, 0)),
        out_shape=jax.ShapeDtypeStruct((B, na), jnp.float32),
        scratch_shapes=[
            pltpu.VMEM((B, na), jnp.float32),
            pltpu.VMEM((B, nv), jnp.float32),
        ],
    )(flat, W_adv, Wv1, b_adv.reshape(1, na), bv1.reshape(1, nv),
      Wv2.T, bv2.reshape(1, nv), Wv3.T, bv3.reshape(1, 1))

    return q30.reshape(B, 3, na // 3)

# --- scband reference (transcript-rebuilt; emitter-appended) ---
"""Pipeline reference for scband-bhs-test-16724602651186 (READ-ONLY COPY).

The authoritative reference and input builder live on the scoring server;
editing this copy changes nothing except your own understanding.
"""

import jax, jax.numpy as jnp
import numpy as np

B, N, F, H, E = 4, 10000, 16, 16, 160000
NUM_ACTIONS = [10, 10, 10]


def setup_inputs(seed: int = 0) -> dict:
    key = jax.random.key(seed)
    ks = jax.random.split(key, 24)
    d = {}
    d["x"] = jax.random.normal(ks[0], (B, N, F), dtype=jnp.float32)
    d["edge_index"] = jax.random.randint(ks[1], (2, E), 0, N, dtype=jnp.int32)
    d["edge_attr"] = jax.random.normal(ks[2], (E, 1), dtype=jnp.float32)
    d["h0"] = 0.1 * jax.random.normal(ks[3], (1, N, H), dtype=jnp.float32)
    # nn1: Linear(1,64) -> ReLU -> Linear(64, F*H)
    d["W1"] = 0.5 * jax.random.normal(ks[4], (1, 64), dtype=jnp.float32)
    d["b1"] = jnp.zeros((64,), dtype=jnp.float32)
    d["W2"] = 0.05 * jax.random.normal(ks[5], (64, F * H), dtype=jnp.float32)
    d["b2"] = jnp.zeros((F * H,), dtype=jnp.float32)
    # NNConv root weight + bias
    d["root"] = 0.1 * jax.random.normal(ks[6], (F, H), dtype=jnp.float32)
    d["bconv"] = jnp.zeros((H,), dtype=jnp.float32)
    # GRU (1 layer, input H, hidden H) with PyTorch [r|z|n] gate ordering
    d["W_ih"] = 0.1 * jax.random.normal(ks[7], (3 * H, H), dtype=jnp.float32)
    d["W_hh"] = 0.1 * jax.random.normal(ks[8], (3 * H, H), dtype=jnp.float32)
    d["b_ih"] = jnp.zeros((3 * H,), dtype=jnp.float32)
    d["b_hh"] = jnp.zeros((3 * H,), dtype=jnp.float32)
    feat = N * H
    d["W_adv"] = 0.001 * jax.random.normal(ks[9], (sum(NUM_ACTIONS), feat), dtype=jnp.float32)
    d["b_adv"] = jnp.zeros((sum(NUM_ACTIONS),), dtype=jnp.float32)
    d["Wv1"] = 0.001 * jax.random.normal(ks[10], (64, feat), dtype=jnp.float32)
    d["bv1"] = jnp.zeros((64,), dtype=jnp.float32)
    d["Wv2"] = 0.1 * jax.random.normal(ks[11], (64, 64), dtype=jnp.float32)
    d["bv2"] = jnp.zeros((64,), dtype=jnp.float32)
    d["Wv3"] = 0.1 * jax.random.normal(ks[12], (1, 64), dtype=jnp.float32)
    d["bv3"] = jnp.zeros((1,), dtype=jnp.float32)
    return d


def reference(x, edge_index, edge_attr, h0, W1, b1, W2, b2, root, bconv,
              W_ih, W_hh, b_ih, b_hh, W_adv, b_adv, Wv1, bv1, Wv2, bv2, Wv3, bv3):
    Bs, Ns, Fs = x.shape
    Hs = root.shape[1]
    xf = x.reshape(Bs * Ns, Fs)
    # NNConv: edge-conditioned weights
    hmid = jax.nn.relu(edge_attr @ W1 + b1)
    w = (hmid @ W2 + b2).reshape(-1, Fs, Hs)
    src = edge_index[0]
    dst = edge_index[1]
    msg = jnp.einsum('ef,efh->eh', xf[src], w)
    agg = jax.ops.segment_sum(msg, dst, num_segments=Bs * Ns)
    conv = jax.nn.relu(agg + xf @ root + bconv)
    seq = conv.reshape(Bs, Ns, Hs)  # (seq_len=B, batch=N, H)
    h = h0[0]
    outs = []
    for t in range(Bs):
        gi = seq[t] @ W_ih.T + b_ih
        gh = h @ W_hh.T + b_hh
        r = jax.nn.sigmoid(gi[:, :Hs] + gh[:, :Hs])
        z = jax.nn.sigmoid(gi[:, Hs:2 * Hs] + gh[:, Hs:2 * Hs])
        n = jnp.tanh(gi[:, 2 * Hs:] + r * gh[:, 2 * Hs:])
        h = (1.0 - z) * n + z * h
        outs.append(h)
    out = jnp.stack(outs, axis=0)
    flat = out.reshape(Bs, -1)
    adv = jax.nn.relu(flat @ W_adv.T + b_adv)
    adv = adv.reshape(Bs, len(NUM_ACTIONS), -1)
    val = jax.nn.relu(flat @ Wv1.T + bv1)
    val = jax.nn.relu(val @ Wv2.T + bv2)
    val = val @ Wv3.T + bv3
    q = val[:, :, None] + adv - adv.mean(axis=-1, keepdims=True)
    return q

if __name__ == "__main__":
    import jax
    _d = setup_inputs()
    print(jax.jit(kernel)(*tuple(_d.values())))

</pallas_src>

<mosaic_0001>
#map = affine_map<(d0, d1) -> (0, 0)>
#map1 = affine_map<(d0, d1) -> (0, 0, 0)>
module attributes {stable_mosaic.version = 14 : i64} {
  func.func @_scatter_body(%arg0: i32, %arg1: i32, %arg2: memref<160000x16xf32, #tpu.memory_space<hbm>>, %arg3: memref<1280x125xi32, #tpu.memory_space<hbm>>, %arg4: memref<10000x16xf32, #tpu.memory_space<hbm>>, %arg5: memref<2x10000x16xf32, #tpu.memory_space<hbm>>, %arg6: memref<40x125xi32, #tpu.memory_space<vmem>>, %arg7: memref<5000x16xf32, #tpu.memory_space<vmem>>, %arg8: memref<10000x16xf32, #tpu.memory_space<vmem_shared>>, %arg9: memref<!tpu.dma_semaphore, #tpu.memory_space<semaphore_mem>>) attributes {dimension_semantics = [#tpu.dimension_semantics<core_parallel>, #tpu.dimension_semantics<subcore_parallel>], iteration_bounds = array<i64: 2, 16>, scalar_prefetch = 0 : i64, scratch_operands = 4 : i64, tpu.core_type = #tpu.core_type<sc_vector_subcore>, window_params = [{transform_indices = #map}, {transform_indices = #map}, {transform_indices = #map}, {transform_indices = #map1}]} {
    %mul3A = arith.constant 2 : i32
    %mul3A_0 = arith.muli %arg1, %mul3A : i32
    %add3A = arith.addi %mul3A_0, %arg0 : i32
    %mul3A_1 = arith.constant 40 : i32
    %mul3A_2 = arith.muli %add3A, %mul3A_1 : i32
    %mul3A_3 = arith.constant 2 : i32
    %mul3A_4 = arith.muli %arg1, %mul3A_3 : i32
    %add3A_5 = arith.addi %mul3A_4, %arg0 : i32
    %mul3A_6 = arith.constant 5000 : i32
    %mul3A_7 = arith.muli %add3A_5, %mul3A_6 : i32
    "tpu.region"() ({
      %run_scoped3A = tpu.sem_alloc : memref<!tpu.dma_semaphore, #tpu.memory_space<semaphore_mem>>
      %dma_start3A = arith.constant 0 : i32
      %dma_start3A_26 = tpu.memref_slice %arg3[%mul3A_2, %dma_start3A] : memref<1280x125xi32, #tpu.memory_space<hbm>> -> memref<40x125xi32, #tpu.memory_space<hbm>>
      %dma_start3A_27 = arith.constant 0 : i32
      %dma_start3A_28 = tpu.memref_slice %arg3[%mul3A_2, %dma_start3A_27] : memref<1280x125xi32, #tpu.memory_space<hbm>> -> memref<40x125xi32, #tpu.memory_space<hbm>>
      tpu.enqueue_dma source(%dma_start3A_28 : memref<40x125xi32, #tpu.memory_space<hbm>>) target(%arg6 : memref<40x125xi32, #tpu.memory_space<vmem>>) target_semaphore(%run_scoped3A : memref<!tpu.dma_semaphore, #tpu.memory_space<semaphore_mem>>)
      %dma_wait3A = arith.constant 0 : i32
      %dma_wait3A_29 = tpu.memref_slice %arg3[%mul3A_2, %dma_wait3A] : memref<1280x125xi32, #tpu.memory_space<hbm>> -> memref<40x125xi32, #tpu.memory_space<hbm>>
      %dma_wait3A_30 = arith.constant 0 : i32
      %dma_wait3A_31 = tpu.memref_slice %arg3[%mul3A_2, %dma_wait3A_30] : memref<1280x125xi32, #tpu.memory_space<hbm>> -> memref<40x125xi32, #tpu.memory_space<hbm>>
      tpu.wait_dma2 semaphore(%run_scoped3A : memref<!tpu.dma_semaphore, #tpu.memory_space<semaphore_mem>>) src(%dma_wait3A_31 : memref<40x125xi32, #tpu.memory_space<hbm>>) dst(%arg6 : memref<40x125xi32, #tpu.memory_space<vmem>>)
      tpu.yield
    }) : () -> ()
    "tpu.region"() ({
      %run_scoped3A = tpu.sem_alloc : memref<!tpu.dma_semaphore, #tpu.memory_space<semaphore_mem>>
      %dma_start3A = arith.constant 0 : i32
      %dma_start3A_26 = tpu.memref_slice %arg2[%mul3A_7, %dma_start3A] : memref<160000x16xf32, #tpu.memory_space<hbm>> -> memref<5000x16xf32, #tpu.memory_space<hbm>>
      %dma_start3A_27 = arith.constant 0 : i32
      %dma_start3A_28 = tpu.memref_slice %arg2[%mul3A_7, %dma_start3A_27] : memref<160000x16xf32, #tpu.memory_space<hbm>> -> memref<5000x16xf32, #tpu.memory_space<hbm>>
      tpu.enqueue_dma source(%dma_start3A_28 : memref<5000x16xf32, #tpu.memory_space<hbm>>) target(%arg7 : memref<5000x16xf32, #tpu.memory_space<vmem>>) target_semaphore(%run_scoped3A : memref<!tpu.dma_semaphore, #tpu.memory_space<semaphore_mem>>)
      %dma_wait3A = arith.constant 0 : i32
      %dma_wait3A_29 = tpu.memref_slice %arg2[%mul3A_7, %dma_wait3A] : memref<160000x16xf32, #tpu.memory_space<hbm>> -> memref<5000x16xf32, #tpu.memory_space<hbm>>
      %dma_wait3A_30 = arith.constant 0 : i32
      %dma_wait3A_31 = tpu.memref_slice %arg2[%mul3A_7, %dma_wait3A_30] : memref<160000x16xf32, #tpu.memory_space<hbm>> -> memref<5000x16xf32, #tpu.memory_space<hbm>>
      tpu.wait_dma2 semaphore(%run_scoped3A : memref<!tpu.dma_semaphore, #tpu.memory_space<semaphore_mem>>) src(%dma_wait3A_31 : memref<5000x16xf32, #tpu.memory_space<hbm>>) dst(%arg7 : memref<5000x16xf32, #tpu.memory_space<vmem>>)
      tpu.yield
    }) : () -> ()
    %eq3A = arith.constant 0 : i32
    %eq3A_8 = arith.cmpi eq, %arg1, %eq3A : i32
    %convert_element_type3A = arith.extui %eq3A_8 : i1 to i32
    %cond3A = arith.constant 0 : i32
    %cond3A_9 = arith.cmpi ne, %convert_element_type3A, %cond3A : i32
    scf.if %cond3A_9 {
      "tpu.region"() ({
        %run_scoped3A = tpu.sem_alloc : memref<!tpu.dma_semaphore, #tpu.memory_space<semaphore_mem>>
        tpu.enqueue_dma source(%arg4 : memref<10000x16xf32, #tpu.memory_space<hbm>>) target(%arg8 : memref<10000x16xf32, #tpu.memory_space<vmem_shared>>) target_semaphore(%run_scoped3A : memref<!tpu.dma_semaphore, #tpu.memory_space<semaphore_mem>>)
        tpu.wait_dma2 semaphore(%run_scoped3A : memref<!tpu.dma_semaphore, #tpu.memory_space<semaphore_mem>>) src(%arg4 : memref<10000x16xf32, #tpu.memory_space<hbm>>) dst(%arg8 : memref<10000x16xf32, #tpu.memory_space<vmem_shared>>)
        tpu.yield
      }) : () -> ()
    } else {
    }
    %barrier3A = arith.constant 0 : index
    tpu.barrier barrier_id(%barrier3A)
    %scan3A = arith.constant 0 : i32
    %scan3A_10 = arith.constant 0 : i32
    %scan3A_11 = arith.constant 40 : i32
    %scan3A_12 = arith.addi %scan3A_10, %scan3A_11 : i32
    %scan3A_13 = arith.constant 1 : i32
    scf.for %scan3A_26 = %scan3A_10 to %scan3A_12 step %scan3A_13  : i32 {
      %mul3A_27 = arith.constant 125 : i32
      %mul3A_28 = arith.muli %scan3A_26, %mul3A_27 : i32
      %dma_start3A = arith.constant 0 : i32
      %dma_start3A_29 = tpu.memref_slice %arg7[%mul3A_28, %dma_start3A] : memref<5000x16xf32, #tpu.memory_space<vmem>> -> memref<125x16xf32, #tpu.memory_space<vmem>>
      %dma_start3A_30 = arith.constant 0 : i32
      %dma_start3A_31 = tpu.memref_slice %arg6[%scan3A_26, %dma_start3A_30] : memref<40x125xi32, #tpu.memory_space<vmem>> -> memref<1x125xi32, #tpu.memory_space<vmem>>
      %dma_start3A_32 = tpu.memref_squeeze %dma_start3A_31 : memref<1x125xi32, #tpu.memory_space<vmem>> -> memref<125xi32, #tpu.memory_space<vmem>>
      %dma_start3A_33 = arith.constant 0 : i32
      %dma_start3A_34 = arith.constant 0 : i32
      %dma_start3A_35 = tpu.memref_slice %arg8[%dma_start3A_33, %dma_start3A_34] : memref<10000x16xf32, #tpu.memory_space<vmem_shared>> -> memref<10000x16xf32, #tpu.memory_space<vmem_shared>>
      tpu.enqueue_indirect_dma source(%dma_start3A_29 : memref<125x16xf32, #tpu.memory_space<vmem>>) target(%dma_start3A_35 : memref<10000x16xf32, #tpu.memory_space<vmem_shared>>) offsets(%dma_start3A_32 : memref<125xi32, #tpu.memory_space<vmem>>) semaphore(%arg9 : memref<!tpu.dma_semaphore, #tpu.memory_space<semaphore_mem>>) {add = true}
    }
    %scan3A_14 = arith.constant 40 : i32
    %scan3A_15 = arith.constant 0 : i32
    %scan3A_16 = arith.constant 0 : i32
    %scan3A_17 = arith.constant 40 : i32
    %scan3A_18 = arith.addi %scan3A_16, %scan3A_17 : i32
    %scan3A_19 = arith.constant 1 : i32
    scf.for %scan3A_26 = %scan3A_16 to %scan3A_18 step %scan3A_19  : i32 {
      %mul3A_27 = arith.constant 125 : i32
      %mul3A_28 = arith.muli %scan3A_26, %mul3A_27 : i32
      %dma_wait3A = arith.constant 0 : i32
      %dma_wait3A_29 = tpu.memref_slice %arg7[%mul3A_28, %dma_wait3A] : memref<5000x16xf32, #tpu.memory_space<vmem>> -> memref<125x16xf32, #tpu.memory_space<vmem>>
      %dma_wait3A_30 = arith.constant 0 : i32
      %dma_wait3A_31 = tpu.memref_slice %arg6[%scan3A_26, %dma_wait3A_30] : memref<40x125xi32, #tpu.memory_space<vmem>> -> memref<1x125xi32, #tpu.memory_space<vmem>>
      %dma_wait3A_32 = tpu.memref_squeeze %dma_wait3A_31 : memref<1x125xi32, #tpu.memory_space<vmem>> -> memref<125xi32, #tpu.memory_space<vmem>>
      %dma_wait3A_33 = arith.constant 0 : i32
      %dma_wait3A_34 = arith.constant 0 : i32
      %dma_wait3A_35 = tpu.memref_slice %arg8[%dma_wait3A_33, %dma_wait3A_34] : memref<10000x16xf32, #tpu.memory_space<vmem_shared>> -> memref<10000x16xf32, #tpu.memory_space<vmem_shared>>
      tpu.wait_indirect_dma semaphore(%arg9 : memref<!tpu.dma_semaphore, #tpu.memory_space<semaphore_mem>>) src(%dma_wait3A_29 : memref<125x16xf32, #tpu.memory_space<vmem>>) dst(%dma_wait3A_35 : memref<10000x16xf32, #tpu.memory_space<vmem_shared>>)
    }
    %scan3A_20 = arith.constant 40 : i32
    %barrier3A_21 = arith.constant 0 : index
    tpu.barrier barrier_id(%barrier3A_21)
    %mul3A_22 = arith.constant 625 : i32
    %mul3A_23 = arith.muli %arg1, %mul3A_22 : i32
    %mul3A_24 = arith.constant 625 : i32
    %mul3A_25 = arith.muli %arg1, %mul3A_24 : i32
    "tpu.region"() ({
      %run_scoped3A = tpu.sem_alloc : memref<!tpu.dma_semaphore, #tpu.memory_space<semaphore_mem>>
      %dma_start3A = arith.constant 0 : i32
      %dma_start3A_26 = tpu.memref_slice %arg5[%arg0, %mul3A_25, %dma_start3A] : memref<2x10000x16xf32, #tpu.memory_space<hbm>> -> memref<1x625x16xf32, #tpu.memory_space<hbm>>
      %dma_start3A_27 = tpu.memref_squeeze %dma_start3A_26 : memref<1x625x16xf32, #tpu.memory_space<hbm>> -> memref<625x16xf32, #tpu.memory_space<hbm>>
      %dma_start3A_28 = arith.constant 0 : i32
      %dma_start3A_29 = tpu.memref_slice %arg8[%mul3A_23, %dma_start3A_28] : memref<10000x16xf32, #tpu.memory_space<vmem_shared>> -> memref<625x16xf32, #tpu.memory_space<vmem_shared>>
      tpu.enqueue_dma source(%dma_start3A_29 : memref<625x16xf32, #tpu.memory_space<vmem_shared>>) target(%dma_start3A_27 : memref<625x16xf32, #tpu.memory_space<hbm>>) target_semaphore(%run_scoped3A : memref<!tpu.dma_semaphore, #tpu.memory_space<semaphore_mem>>)
      %dma_wait3A = arith.constant 0 : i32
      %dma_wait3A_30 = tpu.memref_slice %arg5[%arg0, %mul3A_25, %dma_wait3A] : memref<2x10000x16xf32, #tpu.memory_space<hbm>> -> memref<1x625x16xf32, #tpu.memory_space<hbm>>
      %dma_wait3A_31 = tpu.memref_squeeze %dma_wait3A_30 : memref<1x625x16xf32, #tpu.memory_space<hbm>> -> memref<625x16xf32, #tpu.memory_space<hbm>>
      %dma_wait3A_32 = arith.constant 0 : i32
      %dma_wait3A_33 = tpu.memref_slice %arg8[%mul3A_23, %dma_wait3A_32] : memref<10000x16xf32, #tpu.memory_space<vmem_shared>> -> memref<625x16xf32, #tpu.memory_space<vmem_shared>>
      tpu.wait_dma2 semaphore(%run_scoped3A : memref<!tpu.dma_semaphore, #tpu.memory_space<semaphore_mem>>) src(%dma_wait3A_33 : memref<625x16xf32, #tpu.memory_space<vmem_shared>>) dst(%dma_wait3A_31 : memref<625x16xf32, #tpu.memory_space<hbm>>)
      tpu.yield
    }) : () -> ()
    return
  }
}

#map = affine_map<(d0, d1) -> (0, 0)>
#map1 = affine_map<(d0, d1) -> (0)>
module attributes {stable_mosaic.version = 14 : i64} {
  func.func @_gather_body(%arg0: i32, %arg1: i32, %arg2: memref<10000x16xf32, #tpu.memory_space<hbm>>, %arg3: memref<160000xi32, #tpu.memory_space<hbm>>, %arg4: memref<160000x16xf32, #tpu.memory_space<hbm>>, %arg5: memref<5000xi32, #tpu.memory_space<vmem>>, %arg6: memref<5000x16xf32, #tpu.memory_space<vmem>>, %arg7: memref<!tpu.dma_semaphore, #tpu.memory_space<semaphore_mem>>) attributes {dimension_semantics = [#tpu.dimension_semantics<core_parallel>, #tpu.dimension_semantics<subcore_parallel>], iteration_bounds = array<i64: 2, 16>, scalar_prefetch = 0 : i64, scratch_operands = 3 : i64, tpu.core_type = #tpu.core_type<sc_vector_subcore>, window_params = [{transform_indices = #map}, {transform_indices = #map1}, {transform_indices = #map}]} {
    %mul3A = arith.constant 2 : i32
    %mul3A_0 = arith.muli %arg1, %mul3A : i32
    %add3A = arith.addi %mul3A_0, %arg0 : i32
    %mul3A_1 = arith.constant 5000 : i32
    %mul3A_2 = arith.muli %add3A, %mul3A_1 : i32
    "tpu.region"() ({
      %run_scoped3A = tpu.sem_alloc : memref<!tpu.dma_semaphore, #tpu.memory_space<semaphore_mem>>
      %dma_start3A_7 = tpu.memref_slice %arg3[%mul3A_2] : memref<160000xi32, #tpu.memory_space<hbm>> -> memref<5000xi32, #tpu.memory_space<hbm>>
      %dma_start3A_8 = tpu.memref_slice %arg3[%mul3A_2] : memref<160000xi32, #tpu.memory_space<hbm>> -> memref<5000xi32, #tpu.memory_space<hbm>>
      tpu.enqueue_dma source(%dma_start3A_8 : memref<5000xi32, #tpu.memory_space<hbm>>) target(%arg5 : memref<5000xi32, #tpu.memory_space<vmem>>) target_semaphore(%run_scoped3A : memref<!tpu.dma_semaphore, #tpu.memory_space<semaphore_mem>>)
      %dma_wait3A_9 = tpu.memref_slice %arg3[%mul3A_2] : memref<160000xi32, #tpu.memory_space<hbm>> -> memref<5000xi32, #tpu.memory_space<hbm>>
      %dma_wait3A_10 = tpu.memref_slice %arg3[%mul3A_2] : memref<160000xi32, #tpu.memory_space<hbm>> -> memref<5000xi32, #tpu.memory_space<hbm>>
      tpu.wait_dma2 semaphore(%run_scoped3A : memref<!tpu.dma_semaphore, #tpu.memory_space<semaphore_mem>>) src(%dma_wait3A_10 : memref<5000xi32, #tpu.memory_space<hbm>>) dst(%arg5 : memref<5000xi32, #tpu.memory_space<vmem>>)
      tpu.yield
    }) : () -> ()
    %dma_start3A = arith.constant 0 : i32
    %dma_start3A_3 = arith.constant 0 : i32
    %dma_start3A_4 = tpu.memref_slice %arg2[%dma_start3A, %dma_start3A_3] : memref<10000x16xf32, #tpu.memory_space<hbm>> -> memref<10000x16xf32, #tpu.memory_space<hbm>>
    tpu.enqueue_indirect_dma source(%dma_start3A_4 : memref<10000x16xf32, #tpu.memory_space<hbm>>) target(%arg6 : memref<5000x16xf32, #tpu.memory_space<vmem>>) offsets(%arg5 : memref<5000xi32, #tpu.memory_space<vmem>>) semaphore(%arg7 : memref<!tpu.dma_semaphore, #tpu.memory_space<semaphore_mem>>)
    %dma_wait3A = arith.constant 0 : i32
    %dma_wait3A_5 = arith.constant 0 : i32
    %dma_wait3A_6 = tpu.memref_slice %arg2[%dma_wait3A, %dma_wait3A_5] : memref<10000x16xf32, #tpu.memory_space<hbm>> -> memref<10000x16xf32, #tpu.memory_space<hbm>>
    tpu.wait_indirect_dma semaphore(%arg7 : memref<!tpu.dma_semaphore, #tpu.memory_space<semaphore_mem>>) src(%dma_wait3A_6 : memref<10000x16xf32, #tpu.memory_space<hbm>>) dst(%arg6 : memref<5000x16xf32, #tpu.memory_space<vmem>>)
    "tpu.region"() ({
      %run_scoped3A = tpu.sem_alloc : memref<!tpu.dma_semaphore, #tpu.memory_space<semaphore_mem>>
      %dma_start3A_7 = arith.constant 0 : i32
      %dma_start3A_8 = tpu.memref_slice %arg4[%mul3A_2, %dma_start3A_7] : memref<160000x16xf32, #tpu.memory_space<hbm>> -> memref<5000x16xf32, #tpu.memory_space<hbm>>
      %dma_start3A_9 = arith.constant 0 : i32
      %dma_start3A_10 = tpu.memref_slice %arg4[%mul3A_2, %dma_start3A_9] : memref<160000x16xf32, #tpu.memory_space<hbm>> -> memref<5000x16xf32, #tpu.memory_space<hbm>>
      tpu.enqueue_dma source(%arg6 : memref<5000x16xf32, #tpu.memory_space<vmem>>) target(%dma_start3A_10 : memref<5000x16xf32, #tpu.memory_space<hbm>>) target_semaphore(%run_scoped3A : memref<!tpu.dma_semaphore, #tpu.memory_space<semaphore_mem>>)
      %dma_wait3A_11 = arith.constant 0 : i32
      %dma_wait3A_12 = tpu.memref_slice %arg4[%mul3A_2, %dma_wait3A_11] : memref<160000x16xf32, #tpu.memory_space<hbm>> -> memref<5000x16xf32, #tpu.memory_space<hbm>>
      %dma_wait3A_13 = arith.constant 0 : i32
      %dma_wait3A_14 = tpu.memref_slice %arg4[%mul3A_2, %dma_wait3A_13] : memref<160000x16xf32, #tpu.memory_space<hbm>> -> memref<5000x16xf32, #tpu.memory_space<hbm>>
      tpu.wait_dma2 semaphore(%run_scoped3A : memref<!tpu.dma_semaphore, #tpu.memory_space<semaphore_mem>>) src(%arg6 : memref<5000x16xf32, #tpu.memory_space<vmem>>) dst(%dma_wait3A_14 : memref<5000x16xf32, #tpu.memory_space<hbm>>)
      tpu.yield
    }) : () -> ()
    return
  }
}

module attributes {stable_mosaic.version = 14 : i64} {
  func.func @_msg_body(%arg0: i32, %arg1: memref<2000x128xf32, #tpu.memory_space<vmem>>, %arg2: memref<2000x128xf32, #tpu.memory_space<vmem>>, %arg3: memref<1x64xf32, #tpu.memory_space<vmem>>, %arg4: memref<64x256xf32, #tpu.memory_space<vmem>>, %arg5: memref<1x256xf32, #tpu.memory_space<vmem>>, %arg6: memref<2000x128xf32, #tpu.memory_space<vmem>>, %arg7: memref<3x128x128xf32, #tpu.memory_space<vmem>>) attributes {dimension_semantics = [#tpu.dimension_semantics<arbitrary>], iteration_bounds = array<i64: 10>, scalar_prefetch = 0 : i64, scratch_operands = 1 : i64, tpu.core_type = #tpu.core_type<tc>, window_params = [{transform_indices = @transform_0, window_bounds = array<i64: 2000, 128>}, {transform_indices = @transform_1, window_bounds = array<i64: 2000, 128>}, {pipeline_mode = #tpu.pipeline_mode<synchronous>, transform_indices = @transform_2, window_bounds = array<i64: 1, 64>}, {pipeline_mode = #tpu.pipeline_mode<synchronous>, transform_indices = @transform_3, window_bounds = array<i64: 64, 256>}, {pipeline_mode = #tpu.pipeline_mode<synchronous>, transform_indices = @transform_4, window_bounds = array<i64: 1, 256>}, {transform_indices = @transform_5, window_bounds = array<i64: 2000, 128>}]} {
    %eq3A = arith.constant 0 : i32
    %eq3A_0 = arith.cmpi eq, %arg0, %eq3A : i32
    %convert_element_type3A = arith.extui %eq3A_0 : i1 to i32
    %cond3A = arith.constant 0 : i32
    %cond3A_1 = arith.cmpi ne, %convert_element_type3A, %cond3A : i32
    scf.if %cond3A_1 {
      %iota3A = tpu.iota {dimensions = array<i32: 1>} : vector<16x256xi32>
      %iota3A_31 = tpu.iota {dimensions = array<i32: 0>} : vector<16x256xi32>
      %jit3A = arith.constant 16 : i32
      %div3A = vector.broadcast %jit3A : i32 to vector<16x256xi32>
      %div3A_32 = arith.divsi %iota3A, %div3A : vector<16x256xi32>
      %sign3A = arith.constant 0 : i32
      %sign3A_33 = vector.broadcast %sign3A : i32 to vector<16x256xi32>
      %sign3A_34 = arith.cmpi sgt, %iota3A, %sign3A_33 : vector<16x256xi32>
      %sign3A_35 = arith.extui %sign3A_34 : vector<16x256xi1> to vector<16x256xi32>
      %sign3A_36 = arith.constant 0 : i32
      %sign3A_37 = vector.broadcast %sign3A_36 : i32 to vector<16x256xi32>
      %sign3A_38 = arith.cmpi slt, %iota3A, %sign3A_37 : vector<16x256xi32>
      %sign3A_39 = arith.extui %sign3A_38 : vector<16x256xi1> to vector<16x256xi32>
      %sign3A_40 = arith.subi %sign3A_35, %sign3A_39 : vector<16x256xi32>
      %sign3A_41 = arith.constant 0 : i32
      %sign3A_42 = arith.cmpi sgt, %jit3A, %sign3A_41 : i32
      %sign3A_43 = arith.extui %sign3A_42 : i1 to i32
      %sign3A_44 = arith.constant 0 : i32
      %sign3A_45 = arith.cmpi slt, %jit3A, %sign3A_44 : i32
      %sign3A_46 = arith.extui %sign3A_45 : i1 to i32
      %sign3A_47 = arith.subi %sign3A_43, %sign3A_46 : i32
      %ne3A = vector.broadcast %sign3A_47 : i32 to vector<16x256xi32>
      %ne3A_48 = arith.cmpi ne, %sign3A_40, %ne3A : vector<16x256xi32>
      %rem3A = vector.broadcast %jit3A : i32 to vector<16x256xi32>
      %rem3A_49 = arith.remsi %iota3A, %rem3A : vector<16x256xi32>
      %ne3A_50 = arith.constant 0 : i32
      %ne3A_51 = vector.broadcast %ne3A_50 : i32 to vector<16x256xi32>
      %ne3A_52 = arith.cmpi ne, %rem3A_49, %ne3A_51 : vector<16x256xi32>
      %and3A = arith.andi %ne3A_48, %ne3A_52 : vector<16x256xi1>
      %sub3A = arith.constant 1 : i32
      %sub3A_53 = vector.broadcast %sub3A : i32 to vector<16x256xi32>
      %sub3A_54 = arith.subi %div3A_32, %sub3A_53 : vector<16x256xi32>
      %select_n3A_55 = arith.select %and3A, %sub3A_54, %div3A_32 : vector<16x256xi1>, vector<16x256xi32>
      %eq3A_56 = arith.cmpi eq, %select_n3A_55, %iota3A_31 : vector<16x256xi32>
      %jit3A_57 = arith.constant 1.000000e+00 : f32
      %jit3A_58 = arith.constant 0.000000e+00 : f32
      %broadcast_in_dim3A = vector.broadcast %jit3A_57 : f32 to vector<16x256xf32>
      %broadcast_in_dim3A_59 = vector.broadcast %jit3A_58 : f32 to vector<16x256xf32>
      %select_n3A_60 = arith.select %eq3A_56, %broadcast_in_dim3A, %broadcast_in_dim3A_59 : vector<16x256xi1>, vector<16x256xf32>
      %iota3A_61 = tpu.iota {dimensions = array<i32: 1>} : vector<256x16xi32>
      %iota3A_62 = tpu.iota {dimensions = array<i32: 0>} : vector<256x16xi32>
      %jit3A_63 = arith.constant 16 : i32
      %eq3A_64 = arith.constant 0 : i32
      %eq3A_65 = arith.cmpi eq, %jit3A_63, %eq3A_64 : i32
      %jit3A_66 = arith.constant 1 : i32
      %select_n3A_67 = arith.select %eq3A_65, %jit3A_66, %jit3A_63 : i32
      %rem3A_68 = vector.broadcast %select_n3A_67 : i32 to vector<256x16xi32>
      %rem3A_69 = arith.remsi %iota3A_62, %rem3A_68 : vector<256x16xi32>
      %ne3A_70 = arith.constant 0 : i32
      %ne3A_71 = vector.broadcast %ne3A_70 : i32 to vector<256x16xi32>
      %ne3A_72 = arith.cmpi ne, %rem3A_69, %ne3A_71 : vector<256x16xi32>
      %lt3A = arith.constant 0 : i32
      %lt3A_73 = vector.broadcast %lt3A : i32 to vector<256x16xi32>
      %lt3A_74 = arith.cmpi slt, %rem3A_69, %lt3A_73 : vector<256x16xi32>
      %lt3A_75 = arith.constant 0 : i32
      %lt3A_76 = arith.cmpi slt, %select_n3A_67, %lt3A_75 : i32
      %ne3A_77 = vector.broadcast %lt3A_76 : i1 to vector<256x16xi1>
      %ne3A_78 = vector.broadcast %ne3A_77 : vector<256x16xi1> to vector<256x16xi1>
      %ne3A_79 = arith.xori %lt3A_74, %ne3A_78 : vector<256x16xi1>
      %and3A_80 = arith.andi %ne3A_79, %ne3A_72 : vector<256x16xi1>
      %add3A_81 = vector.broadcast %select_n3A_67 : i32 to vector<256x16xi32>
      %add3A_82 = arith.addi %rem3A_69, %add3A_81 : vector<256x16xi32>
      %select_n3A_83 = arith.select %and3A_80, %add3A_82, %rem3A_69 : vector<256x16xi1>, vector<256x16xi32>
      %eq3A_84 = arith.cmpi eq, %select_n3A_83, %iota3A_61 : vector<256x16xi32>
      %jit3A_85 = arith.constant 1.000000e+00 : f32
      %jit3A_86 = arith.constant 0.000000e+00 : f32
      %broadcast_in_dim3A_87 = vector.broadcast %jit3A_85 : f32 to vector<256x16xf32>
      %broadcast_in_dim3A_88 = vector.broadcast %jit3A_86 : f32 to vector<256x16xf32>
      %select_n3A_89 = arith.select %eq3A_84, %broadcast_in_dim3A_87, %broadcast_in_dim3A_88 : vector<256x16xi1>, vector<256x16xf32>
      %get3A_90 = arith.constant 0 : index
      %get3A_91 = arith.constant 0 : index
      %get3A_92 = vector.load %arg3[%get3A_90, %get3A_91] : memref<1x64xf32, #tpu.memory_space<vmem>>, vector<1x64xf32>
      %max3A = arith.constant 0.000000e+00 : f32
      %max3A_93 = vector.broadcast %max3A : f32 to vector<1x64xf32>
      %max3A_94 = arith.maximumf %get3A_92, %max3A_93 : vector<1x64xf32>
      %get3A_95 = arith.constant 0 : index
      %get3A_96 = arith.constant 0 : index
      %get3A_97 = vector.load %arg4[%get3A_95, %get3A_96] : memref<64x256xf32, #tpu.memory_space<vmem>>, vector<64x256xf32>
      %dot_general3A_98 = arith.constant dense<0.000000e+00> : vector<1x256xf32>
      %dot_general3A_99 = tpu.matmul %max3A_94, %get3A_97, %dot_general3A_98 {dimension_numbers = #tpu.dot_dimension_numbers<[1], [0], [0], [1], [0, 0, 1, 1], [], []>, transpose_lhs_hint = false} : vector<1x64xf32>, vector<64x256xf32>, vector<1x256xf32> -> vector<1x256xf32>
      %get3A_100 = arith.constant 0 : index
      %get3A_101 = arith.constant 0 : index
      %get3A_102 = vector.load %arg3[%get3A_100, %get3A_101] : memref<1x64xf32, #tpu.memory_space<vmem>>, vector<1x64xf32>
      %neg3A = arith.constant 0.000000e+00 : f32
      %neg3A_103 = vector.broadcast %neg3A : f32 to vector<1x64xf32>
      %neg3A_104 = arith.subf %neg3A_103, %get3A_102 : vector<1x64xf32>
      %max3A_105 = arith.constant 0.000000e+00 : f32
      %max3A_106 = vector.broadcast %max3A_105 : f32 to vector<1x64xf32>
      %max3A_107 = arith.maximumf %neg3A_104, %max3A_106 : vector<1x64xf32>
      %get3A_108 = arith.constant 0 : index
      %get3A_109 = arith.constant 0 : index
      %get3A_110 = vector.load %arg4[%get3A_108, %get3A_109] : memref<64x256xf32, #tpu.memory_space<vmem>>, vector<64x256xf32>
      %dot_general3A_111 = arith.constant dense<0.000000e+00> : vector<1x256xf32>
      %dot_general3A_112 = tpu.matmul %max3A_107, %get3A_110, %dot_general3A_111 {dimension_numbers = #tpu.dot_dimension_numbers<[1], [0], [0], [1], [0, 0, 1, 1], [], []>, transpose_lhs_hint = false} : vector<1x64xf32>, vector<64x256xf32>, vector<1x256xf32> -> vector<1x256xf32>
      %transpose3A = tpu.transpose %dot_general3A_99, [1, 0] : vector<1x256xf32> -> vector<256x1xf32>
      %mul3A_113 = vector.broadcast %transpose3A : vector<256x1xf32> to vector<256x16xf32>
      %mul3A_114 = arith.mulf %mul3A_113, %select_n3A_89 : vector<256x16xf32>
      %dot_general3A_115 = arith.constant dense<0.000000e+00> : vector<16x16xf32>
      %dot_general3A_116 = tpu.matmul %select_n3A_60, %mul3A_114, %dot_general3A_115 {dimension_numbers = #tpu.dot_dimension_numbers<[1], [0], [0], [1], [0, 0, 1, 1], [], []>, transpose_lhs_hint = false} : vector<16x256xf32>, vector<256x16xf32>, vector<16x16xf32> -> vector<16x16xf32>
      %transpose3A_117 = tpu.transpose %dot_general3A_112, [1, 0] : vector<1x256xf32> -> vector<256x1xf32>
      %mul3A_118 = vector.broadcast %transpose3A_117 : vector<256x1xf32> to vector<256x16xf32>
      %mul3A_119 = arith.mulf %mul3A_118, %select_n3A_89 : vector<256x16xf32>
      %dot_general3A_120 = arith.constant dense<0.000000e+00> : vector<16x16xf32>
      %dot_general3A_121 = tpu.matmul %select_n3A_60, %mul3A_119, %dot_general3A_120 {dimension_numbers = #tpu.dot_dimension_numbers<[1], [0], [0], [1], [0, 0, 1, 1], [], []>, transpose_lhs_hint = false} : vector<16x256xf32>, vector<256x16xf32>, vector<16x16xf32> -> vector<16x16xf32>
      %get3A_122 = arith.constant 0 : index
      %get3A_123 = arith.constant 0 : index
      %get3A_124 = vector.load %arg5[%get3A_122, %get3A_123] : memref<1x256xf32, #tpu.memory_space<vmem>>, vector<1x256xf32>
      %transpose3A_125 = tpu.transpose %get3A_124, [1, 0] : vector<1x256xf32> -> vector<256x1xf32>
      %mul3A_126 = vector.broadcast %transpose3A_125 : vector<256x1xf32> to vector<256x16xf32>
      %mul3A_127 = arith.mulf %mul3A_126, %select_n3A_89 : vector<256x16xf32>
      %dot_general3A_128 = arith.constant dense<0.000000e+00> : vector<16x16xf32>
      %dot_general3A_129 = tpu.matmul %select_n3A_60, %mul3A_127, %dot_general3A_128 {dimension_numbers = #tpu.dot_dimension_numbers<[1], [0], [0], [1], [0, 0, 1, 1], [], []>, transpose_lhs_hint = false} : vector<16x256xf32>, vector<256x16xf32>, vector<16x16xf32> -> vector<16x16xf32>
      %iota3A_130 = tpu.iota {dimensions = array<i32: 0>} : vector<128x16xi32>
      %iota3A_131 = tpu.iota {dimensions = array<i32: 1>} : vector<128x16xi32>
      %jit3A_132 = arith.constant 16 : i32
      %eq3A_133 = arith.constant 0 : i32
      %eq3A_134 = arith.cmpi eq, %jit3A_132, %eq3A_133 : i32
      %jit3A_135 = arith.constant 1 : i32
      %select_n3A_136 = arith.select %eq3A_134, %jit3A_135, %jit3A_132 : i32
      %rem3A_137 = vector.broadcast %select_n3A_136 : i32 to vector<128x16xi32>
      %rem3A_138 = arith.remsi %iota3A_130, %rem3A_137 : vector<128x16xi32>
      %ne3A_139 = arith.constant 0 : i32
      %ne3A_140 = vector.broadcast %ne3A_139 : i32 to vector<128x16xi32>
      %ne3A_141 = arith.cmpi ne, %rem3A_138, %ne3A_140 : vector<128x16xi32>
      %lt3A_142 = arith.constant 0 : i32
      %lt3A_143 = vector.broadcast %lt3A_142 : i32 to vector<128x16xi32>
      %lt3A_144 = arith.cmpi slt, %rem3A_138, %lt3A_143 : vector<128x16xi32>
      %lt3A_145 = arith.constant 0 : i32
      %lt3A_146 = arith.cmpi slt, %select_n3A_136, %lt3A_145 : i32
      %ne3A_147 = vector.broadcast %lt3A_146 : i1 to vector<128x16xi1>
      %ne3A_148 = vector.broadcast %ne3A_147 : vector<128x16xi1> to vector<128x16xi1>
      %ne3A_149 = arith.xori %lt3A_144, %ne3A_148 : vector<128x16xi1>
      %and3A_150 = arith.andi %ne3A_149, %ne3A_141 : vector<128x16xi1>
      %add3A_151 = vector.broadcast %select_n3A_136 : i32 to vector<128x16xi32>
      %add3A_152 = arith.addi %rem3A_138, %add3A_151 : vector<128x16xi32>
      %select_n3A_153 = arith.select %and3A_150, %add3A_152, %rem3A_138 : vector<128x16xi1>, vector<128x16xi32>
      %eq3A_154 = arith.cmpi eq, %select_n3A_153, %iota3A_131 : vector<128x16xi32>
      %jit3A_155 = arith.constant 1.000000e+00 : f32
      %jit3A_156 = arith.constant 0.000000e+00 : f32
      %broadcast_in_dim3A_157 = vector.broadcast %jit3A_155 : f32 to vector<128x16xf32>
      %broadcast_in_dim3A_158 = vector.broadcast %jit3A_156 : f32 to vector<128x16xf32>
      %select_n3A_159 = arith.select %eq3A_154, %broadcast_in_dim3A_157, %broadcast_in_dim3A_158 : vector<128x16xi1>, vector<128x16xf32>
      %iota3A_160 = tpu.iota {dimensions = array<i32: 0>} : vector<16x128xi32>
      %iota3A_161 = tpu.iota {dimensions = array<i32: 1>} : vector<16x128xi32>
      %jit3A_162 = arith.constant 16 : i32
      %eq3A_163 = arith.constant 0 : i32
      %eq3A_164 = arith.cmpi eq, %jit3A_162, %eq3A_163 : i32
      %jit3A_165 = arith.constant 1 : i32
      %select_n3A_166 = arith.select %eq3A_164, %jit3A_165, %jit3A_162 : i32
      %rem3A_167 = vector.broadcast %select_n3A_166 : i32 to vector<16x128xi32>
      %rem3A_168 = arith.remsi %iota3A_161, %rem3A_167 : vector<16x128xi32>
      %ne3A_169 = arith.constant 0 : i32
      %ne3A_170 = vector.broadcast %ne3A_169 : i32 to vector<16x128xi32>
      %ne3A_171 = arith.cmpi ne, %rem3A_168, %ne3A_170 : vector<16x128xi32>
      %lt3A_172 = arith.constant 0 : i32
      %lt3A_173 = vector.broadcast %lt3A_172 : i32 to vector<16x128xi32>
      %lt3A_174 = arith.cmpi slt, %rem3A_168, %lt3A_173 : vector<16x128xi32>
      %lt3A_175 = arith.constant 0 : i32
      %lt3A_176 = arith.cmpi slt, %select_n3A_166, %lt3A_175 : i32
      %ne3A_177 = vector.broadcast %lt3A_176 : i1 to vector<16x128xi1>
      %ne3A_178 = vector.broadcast %ne3A_177 : vector<16x128xi1> to vector<16x128xi1>
      %ne3A_179 = arith.xori %lt3A_174, %ne3A_178 : vector<16x128xi1>
      %and3A_180 = arith.andi %ne3A_179, %ne3A_171 : vector<16x128xi1>
      %add3A_181 = vector.broadcast %select_n3A_166 : i32 to vector<16x128xi32>
      %add3A_182 = arith.addi %rem3A_168, %add3A_181 : vector<16x128xi32>
      %select_n3A_183 = arith.select %and3A_180, %add3A_182, %rem3A_168 : vector<16x128xi1>, vector<16x128xi32>
      %eq3A_184 = arith.cmpi eq, %select_n3A_183, %iota3A_160 : vector<16x128xi32>
      %jit3A_185 = arith.constant 1.000000e+00 : f32
      %jit3A_186 = arith.constant 0.000000e+00 : f32
      %broadcast_in_dim3A_187 = vector.broadcast %jit3A_185 : f32 to vector<16x128xf32>
      %broadcast_in_dim3A_188 = vector.broadcast %jit3A_186 : f32 to vector<16x128xf32>
      %select_n3A_189 = arith.select %eq3A_184, %broadcast_in_dim3A_187, %broadcast_in_dim3A_188 : vector<16x128xi1>, vector<16x128xf32>
      %iota3A_190 = tpu.iota {dimensions = array<i32: 0>} : vector<128x128xi32>
      %jit3A_191 = arith.constant 16 : i32
      %div3A_192 = vector.broadcast %jit3A_191 : i32 to vector<128x128xi32>
      %div3A_193 = arith.divsi %iota3A_190, %div3A_192 : vector<128x128xi32>
      %sign3A_194 = arith.constant 0 : i32
      %sign3A_195 = vector.broadcast %sign3A_194 : i32 to vector<128x128xi32>
      %sign3A_196 = arith.cmpi sgt, %iota3A_190, %sign3A_195 : vector<128x128xi32>
      %sign3A_197 = arith.extui %sign3A_196 : vector<128x128xi1> to vector<128x128xi32>
      %sign3A_198 = arith.constant 0 : i32
      %sign3A_199 = vector.broadcast %sign3A_198 : i32 to vector<128x128xi32>
      %sign3A_200 = arith.cmpi slt, %iota3A_190, %sign3A_199 : vector<128x128xi32>
      %sign3A_201 = arith.extui %sign3A_200 : vector<128x128xi1> to vector<128x128xi32>
      %sign3A_202 = arith.subi %sign3A_197, %sign3A_201 : vector<128x128xi32>
      %sign3A_203 = arith.constant 0 : i32
      %sign3A_204 = arith.cmpi sgt, %jit3A_191, %sign3A_203 : i32
      %sign3A_205 = arith.extui %sign3A_204 : i1 to i32
      %sign3A_206 = arith.constant 0 : i32
      %sign3A_207 = arith.cmpi slt, %jit3A_191, %sign3A_206 : i32
      %sign3A_208 = arith.extui %sign3A_207 : i1 to i32
      %sign3A_209 = arith.subi %sign3A_205, %sign3A_208 : i32
      %ne3A_210 = vector.broadcast %sign3A_209 : i32 to vector<128x128xi32>
      %ne3A_211 = arith.cmpi ne, %sign3A_202, %ne3A_210 : vector<128x128xi32>
      %rem3A_212 = vector.broadcast %jit3A_191 : i32 to vector<128x128xi32>
      %rem3A_213 = arith.remsi %iota3A_190, %rem3A_212 : vector<128x128xi32>
      %ne3A_214 = arith.constant 0 : i32
      %ne3A_215 = vector.broadcast %ne3A_214 : i32 to vector<128x128xi32>
      %ne3A_216 = arith.cmpi ne, %rem3A_213, %ne3A_215 : vector<128x128xi32>
      %and3A_217 = arith.andi %ne3A_211, %ne3A_216 : vector<128x128xi1>
      %sub3A_218 = arith.constant 1 : i32
      %sub3A_219 = vector.broadcast %sub3A_218 : i32 to vector<128x128xi32>
      %sub3A_220 = arith.subi %div3A_193, %sub3A_219 : vector<128x128xi32>
      %select_n3A_221 = arith.select %and3A_217, %sub3A_220, %div3A_193 : vector<128x128xi1>, vector<128x128xi32>
      %iota3A_222 = tpu.iota {dimensions = array<i32: 1>} : vector<128x128xi32>
      %jit3A_223 = arith.constant 16 : i32
      %div3A_224 = vector.broadcast %jit3A_223 : i32 to vector<128x128xi32>
      %div3A_225 = arith.divsi %iota3A_222, %div3A_224 : vector<128x128xi32>
      %sign3A_226 = arith.constant 0 : i32
      %sign3A_227 = vector.broadcast %sign3A_226 : i32 to vector<128x128xi32>
      %sign3A_228 = arith.cmpi sgt, %iota3A_222, %sign3A_227 : vector<128x128xi32>
      %sign3A_229 = arith.extui %sign3A_228 : vector<128x128xi1> to vector<128x128xi32>
      %sign3A_230 = arith.constant 0 : i32
      %sign3A_231 = vector.broadcast %sign3A_230 : i32 to vector<128x128xi32>
      %sign3A_232 = arith.cmpi slt, %iota3A_222, %sign3A_231 : vector<128x128xi32>
      %sign3A_233 = arith.extui %sign3A_232 : vector<128x128xi1> to vector<128x128xi32>
      %sign3A_234 = arith.subi %sign3A_229, %sign3A_233 : vector<128x128xi32>
      %sign3A_235 = arith.constant 0 : i32
      %sign3A_236 = arith.cmpi sgt, %jit3A_223, %sign3A_235 : i32
      %sign3A_237 = arith.extui %sign3A_236 : i1 to i32
      %sign3A_238 = arith.constant 0 : i32
      %sign3A_239 = arith.cmpi slt, %jit3A_223, %sign3A_238 : i32
      %sign3A_240 = arith.extui %sign3A_239 : i1 to i32
      %sign3A_241 = arith.subi %sign3A_237, %sign3A_240 : i32
      %ne3A_242 = vector.broadcast %sign3A_241 : i32 to vector<128x128xi32>
      %ne3A_243 = arith.cmpi ne, %sign3A_234, %ne3A_242 : vector<128x128xi32>
      %rem3A_244 = vector.broadcast %jit3A_223 : i32 to vector<128x128xi32>
      %rem3A_245 = arith.remsi %iota3A_222, %rem3A_244 : vector<128x128xi32>
      %ne3A_246 = arith.constant 0 : i32
      %ne3A_247 = vector.broadcast %ne3A_246 : i32 to vector<128x128xi32>
      %ne3A_248 = arith.cmpi ne, %rem3A_245, %ne3A_247 : vector<128x128xi32>
      %and3A_249 = arith.andi %ne3A_243, %ne3A_248 : vector<128x128xi1>
      %sub3A_250 = arith.constant 1 : i32
      %sub3A_251 = vector.broadcast %sub3A_250 : i32 to vector<128x128xi32>
      %sub3A_252 = arith.subi %div3A_225, %sub3A_251 : vector<128x128xi32>
      %select_n3A_253 = arith.select %and3A_249, %sub3A_252, %div3A_225 : vector<128x128xi1>, vector<128x128xi32>
      %eq3A_254 = arith.cmpi eq, %select_n3A_221, %select_n3A_253 : vector<128x128xi32>
      %jit3A_255 = arith.constant 1.000000e+00 : f32
      %jit3A_256 = arith.constant 0.000000e+00 : f32
      %broadcast_in_dim3A_257 = vector.broadcast %jit3A_255 : f32 to vector<128x128xf32>
      %broadcast_in_dim3A_258 = vector.broadcast %jit3A_256 : f32 to vector<128x128xf32>
      %select_n3A_259 = arith.select %eq3A_254, %broadcast_in_dim3A_257, %broadcast_in_dim3A_258 : vector<128x128xi1>, vector<128x128xf32>
      %dot_general3A_260 = arith.constant dense<0.000000e+00> : vector<128x16xf32>
      %dot_general3A_261 = tpu.matmul %select_n3A_159, %dot_general3A_116, %dot_general3A_260 {dimension_numbers = #tpu.dot_dimension_numbers<[1], [0], [0], [1], [0, 0, 1, 1], [], []>, transpose_lhs_hint = false} : vector<128x16xf32>, vector<16x16xf32>, vector<128x16xf32> -> vector<128x16xf32>
      %dot_general3A_262 = arith.constant dense<0.000000e+00> : vector<128x128xf32>
      %dot_general3A_263 = tpu.matmul %dot_general3A_261, %select_n3A_189, %dot_general3A_262 {dimension_numbers = #tpu.dot_dimension_numbers<[1], [0], [0], [1], [0, 0, 1, 1], [], []>, transpose_lhs_hint = false} : vector<128x16xf32>, vector<16x128xf32>, vector<128x128xf32> -> vector<128x128xf32>
      %mul3A_264 = arith.mulf %dot_general3A_263, %select_n3A_259 : vector<128x128xf32>
      %swap3A_265 = arith.constant 0 : index
      %swap3A_266 = arith.constant 0 : index
      %swap3A_267 = arith.constant 0 : index
      %swap3A_268 = vector.load %arg7[%swap3A_265, %swap3A_266, %swap3A_267] : memref<3x128x128xf32, #tpu.memory_space<vmem>>, vector<1x128x128xf32>
      %swap3A_269 = vector.shape_cast %swap3A_268 : vector<1x128x128xf32> to vector<128x128xf32>
      %swap3A_270 = vector.shape_cast %mul3A_264 : vector<128x128xf32> to vector<1x128x128xf32>
      tpu.vector_store %arg7[%swap3A_265, %swap3A_266, %swap3A_267], %swap3A_270 {strides = array<i32>} : memref<3x128x128xf32, #tpu.memory_space<vmem>>, vector<1x128x128xf32>,
      %dot_general3A_271 = arith.constant dense<0.000000e+00> : vector<128x16xf32>
      %dot_general3A_272 = tpu.matmul %select_n3A_159, %dot_general3A_121, %dot_general3A_271 {dimension_numbers = #tpu.dot_dimension_numbers<[1], [0], [0], [1], [0, 0, 1, 1], [], []>, transpose_lhs_hint = false} : vector<128x16xf32>, vector<16x16xf32>, vector<128x16xf32> -> vector<128x16xf32>
      %dot_general3A_273 = arith.constant dense<0.000000e+00> : vector<128x128xf32>
      %dot_general3A_274 = tpu.matmul %dot_general3A_272, %select_n3A_189, %dot_general3A_273 {dimension_numbers = #tpu.dot_dimension_numbers<[1], [0], [0], [1], [0, 0, 1, 1], [], []>, transpose_lhs_hint = false} : vector<128x16xf32>, vector<16x128xf32>, vector<128x128xf32> -> vector<128x128xf32>
      %mul3A_275 = arith.mulf %dot_general3A_274, %select_n3A_259 : vector<128x128xf32>
      %swap3A_276 = arith.constant 1 : index
      %swap3A_277 = arith.constant 0 : index
      %swap3A_278 = arith.constant 0 : index
      %swap3A_279 = vector.load %arg7[%swap3A_276, %swap3A_277, %swap3A_278] : memref<3x128x128xf32, #tpu.memory_space<vmem>>, vector<1x128x128xf32>
      %swap3A_280 = vector.shape_cast %swap3A_279 : vector<1x128x128xf32> to vector<128x128xf32>
      %swap3A_281 = vector.shape_cast %mul3A_275 : vector<128x128xf32> to vector<1x128x128xf32>
      tpu.vector_store %arg7[%swap3A_276, %swap3A_277, %swap3A_278], %swap3A_281 {strides = array<i32>} : memref<3x128x128xf32, #tpu.memory_space<vmem>>, vector<1x128x128xf32>,
      %dot_general3A_282 = arith.constant dense<0.000000e+00> : vector<128x16xf32>
      %dot_general3A_283 = tpu.matmul %select_n3A_159, %dot_general3A_129, %dot_general3A_282 {dimension_numbers = #tpu.dot_dimension_numbers<[1], [0], [0], [1], [0, 0, 1, 1], [], []>, transpose_lhs_hint = false} : vector<128x16xf32>, vector<16x16xf32>, vector<128x16xf32> -> vector<128x16xf32>
      %dot_general3A_284 = arith.constant dense<0.000000e+00> : vector<128x128xf32>
      %dot_general3A_285 = tpu.matmul %dot_general3A_283, %select_n3A_189, %dot_general3A_284 {dimension_numbers = #tpu.dot_dimension_numbers<[1], [0], [0], [1], [0, 0, 1, 1], [], []>, transpose_lhs_hint = false} : vector<128x16xf32>, vector<16x128xf32>, vector<128x128xf32> -> vector<128x128xf32>
      %mul3A_286 = arith.mulf %dot_general3A_285, %select_n3A_259 : vector<128x128xf32>
      %swap3A_287 = arith.constant 2 : index
      %swap3A_288 = arith.constant 0 : index
      %swap3A_289 = arith.constant 0 : index
      %swap3A_290 = vector.load %arg7[%swap3A_287, %swap3A_288, %swap3A_289] : memref<3x128x128xf32, #tpu.memory_space<vmem>>, vector<1x128x128xf32>
      %swap3A_291 = vector.shape_cast %swap3A_290 : vector<1x128x128xf32> to vector<128x128xf32>
      %swap3A_292 = vector.shape_cast %mul3A_286 : vector<128x128xf32> to vector<1x128x128xf32>
      tpu.vector_store %arg7[%swap3A_287, %swap3A_288, %swap3A_289], %swap3A_292 {strides = array<i32>} : memref<3x128x128xf32, #tpu.memory_space<vmem>>, vector<1x128x128xf32>,
    } else {
    }
    %get3A = arith.constant 0 : index
    %get3A_2 = arith.constant 0 : index
    %get3A_3 = vector.load %arg1[%get3A, %get3A_2] : memref<2000x128xf32, #tpu.memory_space<vmem>>, vector<2000x128xf32>
    %get3A_4 = arith.constant 0 : index
    %get3A_5 = arith.constant 0 : index
    %get3A_6 = vector.load %arg2[%get3A_4, %get3A_5] : memref<2000x128xf32, #tpu.memory_space<vmem>>, vector<2000x128xf32>
    %get3A_7 = arith.constant 0 : index
    %get3A_8 = arith.constant 0 : index
    %get3A_9 = arith.constant 0 : index
    %get3A_10 = vector.load %arg7[%get3A_7, %get3A_8, %get3A_9] : memref<3x128x128xf32, #tpu.memory_space<vmem>>, vector<1x128x128xf32>
    %get3A_11 = vector.shape_cast %get3A_10 : vector<1x128x128xf32> to vector<128x128xf32>
    %dot_general3A = arith.constant dense<0.000000e+00> : vector<2000x128xf32>
    %dot_general3A_12 = tpu.matmul %get3A_6, %get3A_11, %dot_general3A {dimension_numbers = #tpu.dot_dimension_numbers<[1], [0], [0], [1], [0, 0, 1, 1], [], []>, transpose_lhs_hint = false} : vector<2000x128xf32>, vector<128x128xf32>, vector<2000x128xf32> -> vector<2000x128xf32>
    %get3A_13 = arith.constant 1 : index
    %get3A_14 = arith.constant 0 : index
    %get3A_15 = arith.constant 0 : index
    %get3A_16 = vector.load %arg7[%get3A_13, %get3A_14, %get3A_15] : memref<3x128x128xf32, #tpu.memory_space<vmem>>, vector<1x128x128xf32>
    %get3A_17 = vector.shape_cast %get3A_16 : vector<1x128x128xf32> to vector<128x128xf32>
    %dot_general3A_18 = arith.constant dense<0.000000e+00> : vector<2000x128xf32>
    %dot_general3A_19 = tpu.matmul %get3A_6, %get3A_17, %dot_general3A_18 {dimension_numbers = #tpu.dot_dimension_numbers<[1], [0], [0], [1], [0, 0, 1, 1], [], []>, transpose_lhs_hint = false} : vector<2000x128xf32>, vector<128x128xf32>, vector<2000x128xf32> -> vector<2000x128xf32>
    %get3A_20 = arith.constant 2 : index
    %get3A_21 = arith.constant 0 : index
    %get3A_22 = arith.constant 0 : index
    %get3A_23 = vector.load %arg7[%get3A_20, %get3A_21, %get3A_22] : memref<3x128x128xf32, #tpu.memory_space<vmem>>, vector<1x128x128xf32>
    %get3A_24 = vector.shape_cast %get3A_23 : vector<1x128x128xf32> to vector<128x128xf32>
    %dot_general3A_25 = arith.constant dense<0.000000e+00> : vector<2000x128xf32>
    %dot_general3A_26 = tpu.matmul %get3A_6, %get3A_24, %dot_general3A_25 {dimension_numbers = #tpu.dot_dimension_numbers<[1], [0], [0], [1], [0, 0, 1, 1], [], []>, transpose_lhs_hint = false} : vector<2000x128xf32>, vector<128x128xf32>, vector<2000x128xf32> -> vector<2000x128xf32>
    %abs3A = math.absf %get3A_3 : vector<2000x128xf32>
    %ge3A = arith.constant 0.000000e+00 : f32
    %ge3A_27 = vector.broadcast %ge3A : f32 to vector<2000x128xf32>
    %ge3A_28 = arith.cmpf oge, %get3A_3, %ge3A_27 : vector<2000x128xf32>
    %select_n3A = arith.select %ge3A_28, %dot_general3A_12, %dot_general3A_19 : vector<2000x128xi1>, vector<2000x128xf32>
    %mul3A = arith.mulf %abs3A, %select_n3A : vector<2000x128xf32>
    %add3A = arith.addf %mul3A, %dot_general3A_26 : vector<2000x128xf32>
    %swap3A = arith.constant 0 : index
    %swap3A_29 = arith.constant 0 : index
    %swap3A_30 = vector.load %arg6[%swap3A, %swap3A_29] : memref<2000x128xf32, #tpu.memory_space<vmem>>, vector<2000x128xf32>
    tpu.vector_store %arg6[%swap3A, %swap3A_29], %add3A {strides = array<i32>} : memref<2000x128xf32, #tpu.memory_space<vmem>>, vector<2000x128xf32>,
    return
  }
  func.func @transform_0(%arg0: i32) -> (i32, i32) {
    %c0_i32 = arith.constant 0 : i32
    %c0_i32_0 = arith.constant 0 : i32
    return %arg0, %c0_i32 : i32, i32
  }
  func.func @transform_1(%arg0: i32) -> (i32, i32) {
    %c0_i32 = arith.constant 0 : i32
    %c0_i32_0 = arith.constant 0 : i32
    return %arg0, %c0_i32 : i32, i32
  }
  func.func @transform_2(%arg0: i32) -> (i32, i32) {
    %c0_i32 = arith.constant 0 : i32
    %c0_i32_0 = arith.constant 0 : i32
    %c0_i32_1 = arith.constant 0 : i32
    return %c0_i32, %c0_i32_0 : i32, i32
  }
  func.func @transform_3(%arg0: i32) -> (i32, i32) {
    %c0_i32 = arith.constant 0 : i32
    %c0_i32_0 = arith.constant 0 : i32
    %c0_i32_1 = arith.constant 0 : i32
    return %c0_i32, %c0_i32_0 : i32, i32
  }
  func.func @transform_4(%arg0: i32) -> (i32, i32) {
    %c0_i32 = arith.constant 0 : i32
    %c0_i32_0 = arith.constant 0 : i32
    %c0_i32_1 = arith.constant 0 : i32
    return %c0_i32, %c0_i32_0 : i32, i32
  }
  func.func @transform_5(%arg0: i32) -> (i32, i32) {
    %c0_i32 = arith.constant 0 : i32
    %c0_i32_0 = arith.constant 0 : i32
    return %arg0, %c0_i32 : i32, i32
  }
}

module attributes {stable_mosaic.version = 14 : i64} {
  func.func @_gru_body(%arg0: i32, %arg1: memref<4x1250x128xf32, #tpu.memory_space<vmem>>, %arg2: memref<2x1250x128xf32, #tpu.memory_space<vmem>>, %arg3: memref<1x1250x128xf32, #tpu.memory_space<vmem>>, %arg4: memref<16x16xf32, #tpu.memory_space<vmem>>, %arg5: memref<1x128xf32, #tpu.memory_space<vmem>>, %arg6: memref<16x16xf32, #tpu.memory_space<vmem>>, %arg7: memref<16x16xf32, #tpu.memory_space<vmem>>, %arg8: memref<16x16xf32, #tpu.memory_space<vmem>>, %arg9: memref<16x16xf32, #tpu.memory_space<vmem>>, %arg10: memref<16x16xf32, #tpu.memory_space<vmem>>, %arg11: memref<16x16xf32, #tpu.memory_space<vmem>>, %arg12: memref<1x128xf32, #tpu.memory_space<vmem>>, %arg13: memref<1x128xf32, #tpu.memory_space<vmem>>, %arg14: memref<1x128xf32, #tpu.memory_space<vmem>>, %arg15: memref<1x128xf32, #tpu.memory_space<vmem>>, %arg16: memref<1x128xf32, #tpu.memory_space<vmem>>, %arg17: memref<1x128xf32, #tpu.memory_space<vmem>>, %arg18: memref<4x1250x128xf32, #tpu.memory_space<vmem>>, %arg19: memref<7x128x128xf32, #tpu.memory_space<vmem>>) attributes {dimension_semantics = [#tpu.dimension_semantics<arbitrary>], iteration_bounds = array<i64: 1>, scalar_prefetch = 0 : i64, scratch_operands = 1 : i64, tpu.core_type = #tpu.core_type<tc>, window_params = [{transform_indices = @transform_0, window_bounds = array<i64: 4, 1250, 128>}, {transform_indices = @transform_1, window_bounds = array<i64: 2, 1250, 128>}, {transform_indices = @transform_2, window_bounds = array<i64: 1, 1250, 128>}, {pipeline_mode = #tpu.pipeline_mode<synchronous>, transform_indices = @transform_3, window_bounds = array<i64: 16, 16>}, {pipeline_mode = #tpu.pipeline_mode<synchronous>, transform_indices = @transform_4, window_bounds = array<i64: 1, 128>}, {pipeline_mode = #tpu.pipeline_mode<synchronous>, transform_indices = @transform_5, window_bounds = array<i64: 16, 16>}, {pipeline_mode = #tpu.pipeline_mode<synchronous>, transform_indices = @transform_6, window_bounds = array<i64: 16, 16>}, {pipeline_mode = #tpu.pipeline_mode<synchronous>, transform_indices = @transform_7, window_bounds = array<i64: 16, 16>}, {pipeline_mode = #tpu.pipeline_mode<synchronous>, transform_indices = @transform_8, window_bounds = array<i64: 16, 16>}, {pipeline_mode = #tpu.pipeline_mode<synchronous>, transform_indices = @transform_9, window_bounds = array<i64: 16, 16>}, {pipeline_mode = #tpu.pipeline_mode<synchronous>, transform_indices = @transform_10, window_bounds = array<i64: 16, 16>}, {pipeline_mode = #tpu.pipeline_mode<synchronous>, transform_indices = @transform_11, window_bounds = array<i64: 1, 128>}, {pipeline_mode = #tpu.pipeline_mode<synchronous>, transform_indices = @transform_12, window_bounds = array<i64: 1, 128>}, {pipeline_mode = #tpu.pipeline_mode<synchronous>, transform_indices = @transform_13, window_bounds = array<i64: 1, 128>}, {pipeline_mode = #tpu.pipeline_mode<synchronous>, transform_indices = @transform_14, window_bounds = array<i64: 1, 128>}, {pipeline_mode = #tpu.pipeline_mode<synchronous>, transform_indices = @transform_15, window_bounds = array<i64: 1, 128>}, {pipeline_mode = #tpu.pipeline_mode<synchronous>, transform_indices = @transform_16, window_bounds = array<i64: 1, 128>}, {transform_indices = @transform_17, window_bounds = array<i64: 4, 1250, 128>}]} {
    %eq3A = arith.constant 0 : i32
    %eq3A_0 = arith.cmpi eq, %arg0, %eq3A : i32
    %convert_element_type3A = arith.extui %eq3A_0 : i1 to i32
    %cond3A = arith.constant 0 : i32
    %cond3A_1 = arith.cmpi ne, %convert_element_type3A, %cond3A : i32
    scf.if %cond3A_1 {
      %get3A_494 = arith.constant 0 : index
      %get3A_495 = arith.constant 0 : index
      %get3A_496 = vector.load %arg4[%get3A_494, %get3A_495] : memref<16x16xf32, #tpu.memory_space<vmem>>, vector<16x16xf32>
      %iota3A = tpu.iota {dimensions = array<i32: 0>} : vector<128x16xi32>
      %iota3A_497 = tpu.iota {dimensions = array<i32: 1>} : vector<128x16xi32>
      %jit3A = arith.constant 16 : i32
      %eq3A_498 = arith.constant 0 : i32
      %eq3A_499 = arith.cmpi eq, %jit3A, %eq3A_498 : i32
      %jit3A_500 = arith.constant 1 : i32
      %select_n3A = arith.select %eq3A_499, %jit3A_500, %jit3A : i32
      %rem3A = vector.broadcast %select_n3A : i32 to vector<128x16xi32>
      %rem3A_501 = arith.remsi %iota3A, %rem3A : vector<128x16xi32>
      %ne3A = arith.constant 0 : i32
      %ne3A_502 = vector.broadcast %ne3A : i32 to vector<128x16xi32>
      %ne3A_503 = arith.cmpi ne, %rem3A_501, %ne3A_502 : vector<128x16xi32>
      %lt3A = arith.constant 0 : i32
      %lt3A_504 = vector.broadcast %lt3A : i32 to vector<128x16xi32>
      %lt3A_505 = arith.cmpi slt, %rem3A_501, %lt3A_504 : vector<128x16xi32>
      %lt3A_506 = arith.constant 0 : i32
      %lt3A_507 = arith.cmpi slt, %select_n3A, %lt3A_506 : i32
      %ne3A_508 = vector.broadcast %lt3A_507 : i1 to vector<128x16xi1>
      %ne3A_509 = vector.broadcast %ne3A_508 : vector<128x16xi1> to vector<128x16xi1>
      %ne3A_510 = arith.xori %lt3A_505, %ne3A_509 : vector<128x16xi1>
      %and3A = arith.andi %ne3A_510, %ne3A_503 : vector<128x16xi1>
      %add3A_511 = vector.broadcast %select_n3A : i32 to vector<128x16xi32>
      %add3A_512 = arith.addi %rem3A_501, %add3A_511 : vector<128x16xi32>
      %select_n3A_513 = arith.select %and3A, %add3A_512, %rem3A_501 : vector<128x16xi1>, vector<128x16xi32>
      %eq3A_514 = arith.cmpi eq, %select_n3A_513, %iota3A_497 : vector<128x16xi32>
      %jit3A_515 = arith.constant 1.000000e+00 : f32
      %jit3A_516 = arith.constant 0.000000e+00 : f32
      %broadcast_in_dim3A = vector.broadcast %jit3A_515 : f32 to vector<128x16xf32>
      %broadcast_in_dim3A_517 = vector.broadcast %jit3A_516 : f32 to vector<128x16xf32>
      %select_n3A_518 = arith.select %eq3A_514, %broadcast_in_dim3A, %broadcast_in_dim3A_517 : vector<128x16xi1>, vector<128x16xf32>
      %iota3A_519 = tpu.iota {dimensions = array<i32: 0>} : vector<16x128xi32>
      %iota3A_520 = tpu.iota {dimensions = array<i32: 1>} : vector<16x128xi32>
      %jit3A_521 = arith.constant 16 : i32
      %eq3A_522 = arith.constant 0 : i32
      %eq3A_523 = arith.cmpi eq, %jit3A_521, %eq3A_522 : i32
      %jit3A_524 = arith.constant 1 : i32
      %select_n3A_525 = arith.select %eq3A_523, %jit3A_524, %jit3A_521 : i32
      %rem3A_526 = vector.broadcast %select_n3A_525 : i32 to vector<16x128xi32>
      %rem3A_527 = arith.remsi %iota3A_520, %rem3A_526 : vector<16x128xi32>
      %ne3A_528 = arith.constant 0 : i32
      %ne3A_529 = vector.broadcast %ne3A_528 : i32 to vector<16x128xi32>
      %ne3A_530 = arith.cmpi ne, %rem3A_527, %ne3A_529 : vector<16x128xi32>
      %lt3A_531 = arith.constant 0 : i32
      %lt3A_532 = vector.broadcast %lt3A_531 : i32 to vector<16x128xi32>
      %lt3A_533 = arith.cmpi slt, %rem3A_527, %lt3A_532 : vector<16x128xi32>
      %lt3A_534 = arith.constant 0 : i32
      %lt3A_535 = arith.cmpi slt, %select_n3A_525, %lt3A_534 : i32
      %ne3A_536 = vector.broadcast %lt3A_535 : i1 to vector<16x128xi1>
      %ne3A_537 = vector.broadcast %ne3A_536 : vector<16x128xi1> to vector<16x128xi1>
      %ne3A_538 = arith.xori %lt3A_533, %ne3A_537 : vector<16x128xi1>
      %and3A_539 = arith.andi %ne3A_538, %ne3A_530 : vector<16x128xi1>
      %add3A_540 = vector.broadcast %select_n3A_525 : i32 to vector<16x128xi32>
      %add3A_541 = arith.addi %rem3A_527, %add3A_540 : vector<16x128xi32>
      %select_n3A_542 = arith.select %and3A_539, %add3A_541, %rem3A_527 : vector<16x128xi1>, vector<16x128xi32>
      %eq3A_543 = arith.cmpi eq, %select_n3A_542, %iota3A_519 : vector<16x128xi32>
      %jit3A_544 = arith.constant 1.000000e+00 : f32
      %jit3A_545 = arith.constant 0.000000e+00 : f32
      %broadcast_in_dim3A_546 = vector.broadcast %jit3A_544 : f32 to vector<16x128xf32>
      %broadcast_in_dim3A_547 = vector.broadcast %jit3A_545 : f32 to vector<16x128xf32>
      %select_n3A_548 = arith.select %eq3A_543, %broadcast_in_dim3A_546, %broadcast_in_dim3A_547 : vector<16x128xi1>, vector<16x128xf32>
      %iota3A_549 = tpu.iota {dimensions = array<i32: 0>} : vector<128x128xi32>
      %jit3A_550 = arith.constant 16 : i32
      %div3A = vector.broadcast %jit3A_550 : i32 to vector<128x128xi32>
      %div3A_551 = arith.divsi %iota3A_549, %div3A : vector<128x128xi32>
      %sign3A = arith.constant 0 : i32
      %sign3A_552 = vector.broadcast %sign3A : i32 to vector<128x128xi32>
      %sign3A_553 = arith.cmpi sgt, %iota3A_549, %sign3A_552 : vector<128x128xi32>
      %sign3A_554 = arith.extui %sign3A_553 : vector<128x128xi1> to vector<128x128xi32>
      %sign3A_555 = arith.constant 0 : i32
      %sign3A_556 = vector.broadcast %sign3A_555 : i32 to vector<128x128xi32>
      %sign3A_557 = arith.cmpi slt, %iota3A_549, %sign3A_556 : vector<128x128xi32>
      %sign3A_558 = arith.extui %sign3A_557 : vector<128x128xi1> to vector<128x128xi32>
      %sign3A_559 = arith.subi %sign3A_554, %sign3A_558 : vector<128x128xi32>
      %sign3A_560 = arith.constant 0 : i32
      %sign3A_561 = arith.cmpi sgt, %jit3A_550, %sign3A_560 : i32
      %sign3A_562 = arith.extui %sign3A_561 : i1 to i32
      %sign3A_563 = arith.constant 0 : i32
      %sign3A_564 = arith.cmpi slt, %jit3A_550, %sign3A_563 : i32
      %sign3A_565 = arith.extui %sign3A_564 : i1 to i32
      %sign3A_566 = arith.subi %sign3A_562, %sign3A_565 : i32
      %ne3A_567 = vector.broadcast %sign3A_566 : i32 to vector<128x128xi32>
      %ne3A_568 = arith.cmpi ne, %sign3A_559, %ne3A_567 : vector<128x128xi32>
      %rem3A_569 = vector.broadcast %jit3A_550 : i32 to vector<128x128xi32>
      %rem3A_570 = arith.remsi %iota3A_549, %rem3A_569 : vector<128x128xi32>
      %ne3A_571 = arith.constant 0 : i32
      %ne3A_572 = vector.broadcast %ne3A_571 : i32 to vector<128x128xi32>
      %ne3A_573 = arith.cmpi ne, %rem3A_570, %ne3A_572 : vector<128x128xi32>
      %and3A_574 = arith.andi %ne3A_568, %ne3A_573 : vector<128x128xi1>
      %sub3A_575 = arith.constant 1 : i32
      %sub3A_576 = vector.broadcast %sub3A_575 : i32 to vector<128x128xi32>
      %sub3A_577 = arith.subi %div3A_551, %sub3A_576 : vector<128x128xi32>
      %select_n3A_578 = arith.select %and3A_574, %sub3A_577, %div3A_551 : vector<128x128xi1>, vector<128x128xi32>
      %iota3A_579 = tpu.iota {dimensions = array<i32: 1>} : vector<128x128xi32>
      %jit3A_580 = arith.constant 16 : i32
      %div3A_581 = vector.broadcast %jit3A_580 : i32 to vector<128x128xi32>
      %div3A_582 = arith.divsi %iota3A_579, %div3A_581 : vector<128x128xi32>
      %sign3A_583 = arith.constant 0 : i32
      %sign3A_584 = vector.broadcast %sign3A_583 : i32 to vector<128x128xi32>
      %sign3A_585 = arith.cmpi sgt, %iota3A_579, %sign3A_584 : vector<128x128xi32>
      %sign3A_586 = arith.extui %sign3A_585 : vector<128x128xi1> to vector<128x128xi32>
      %sign3A_587 = arith.constant 0 : i32
      %sign3A_588 = vector.broadcast %sign3A_587 : i32 to vector<128x128xi32>
      %sign3A_589 = arith.cmpi slt, %iota3A_579, %sign3A_588 : vector<128x128xi32>
      %sign3A_590 = arith.extui %sign3A_589 : vector<128x128xi1> to vector<128x128xi32>
      %sign3A_591 = arith.subi %sign3A_586, %sign3A_590 : vector<128x128xi32>
      %sign3A_592 = arith.constant 0 : i32
      %sign3A_593 = arith.cmpi sgt, %jit3A_580, %sign3A_592 : i32
      %sign3A_594 = arith.extui %sign3A_593 : i1 to i32
      %sign3A_595 = arith.constant 0 : i32
      %sign3A_596 = arith.cmpi slt, %jit3A_580, %sign3A_595 : i32
      %sign3A_597 = arith.extui %sign3A_596 : i1 to i32
      %sign3A_598 = arith.subi %sign3A_594, %sign3A_597 : i32
      %ne3A_599 = vector.broadcast %sign3A_598 : i32 to vector<128x128xi32>
      %ne3A_600 = arith.cmpi ne, %sign3A_591, %ne3A_599 : vector<128x128xi32>
      %rem3A_601 = vector.broadcast %jit3A_580 : i32 to vector<128x128xi32>
      %rem3A_602 = arith.remsi %iota3A_579, %rem3A_601 : vector<128x128xi32>
      %ne3A_603 = arith.constant 0 : i32
      %ne3A_604 = vector.broadcast %ne3A_603 : i32 to vector<128x128xi32>
      %ne3A_605 = arith.cmpi ne, %rem3A_602, %ne3A_604 : vector<128x128xi32>
      %and3A_606 = arith.andi %ne3A_600, %ne3A_605 : vector<128x128xi1>
      %sub3A_607 = arith.constant 1 : i32
      %sub3A_608 = vector.broadcast %sub3A_607 : i32 to vector<128x128xi32>
      %sub3A_609 = arith.subi %div3A_582, %sub3A_608 : vector<128x128xi32>
      %select_n3A_610 = arith.select %and3A_606, %sub3A_609, %div3A_582 : vector<128x128xi1>, vector<128x128xi32>
      %eq3A_611 = arith.cmpi eq, %select_n3A_578, %select_n3A_610 : vector<128x128xi32>
      %jit3A_612 = arith.constant 1.000000e+00 : f32
      %jit3A_613 = arith.constant 0.000000e+00 : f32
      %broadcast_in_dim3A_614 = vector.broadcast %jit3A_612 : f32 to vector<128x128xf32>
      %broadcast_in_dim3A_615 = vector.broadcast %jit3A_613 : f32 to vector<128x128xf32>
      %select_n3A_616 = arith.select %eq3A_611, %broadcast_in_dim3A_614, %broadcast_in_dim3A_615 : vector<128x128xi1>, vector<128x128xf32>
      %dot_general3A_617 = arith.constant dense<0.000000e+00> : vector<128x16xf32>
      %dot_general3A_618 = tpu.matmul %select_n3A_518, %get3A_496, %dot_general3A_617 {dimension_numbers = #tpu.dot_dimension_numbers<[1], [0], [0], [1], [0, 0, 1, 1], [], []>, transpose_lhs_hint = false} : vector<128x16xf32>, vector<16x16xf32>, vector<128x16xf32> -> vector<128x16xf32>
      %dot_general3A_619 = arith.constant dense<0.000000e+00> : vector<128x128xf32>
      %dot_general3A_620 = tpu.matmul %dot_general3A_618, %select_n3A_548, %dot_general3A_619 {dimension_numbers = #tpu.dot_dimension_numbers<[1], [0], [0], [1], [0, 0, 1, 1], [], []>, transpose_lhs_hint = false} : vector<128x16xf32>, vector<16x128xf32>, vector<128x128xf32> -> vector<128x128xf32>
      %mul3A_621 = arith.mulf %dot_general3A_620, %select_n3A_616 : vector<128x128xf32>
      %swap3A_622 = arith.constant 0 : index
      %swap3A_623 = arith.constant 0 : index
      %swap3A_624 = arith.constant 0 : index
      %swap3A_625 = vector.load %arg19[%swap3A_622, %swap3A_623, %swap3A_624] : memref<7x128x128xf32, #tpu.memory_space<vmem>>, vector<1x128x128xf32>
      %swap3A_626 = vector.shape_cast %swap3A_625 : vector<1x128x128xf32> to vector<128x128xf32>
      %swap3A_627 = vector.shape_cast %mul3A_621 : vector<128x128xf32> to vector<1x128x128xf32>
      tpu.vector_store %arg19[%swap3A_622, %swap3A_623, %swap3A_624], %swap3A_627 {strides = array<i32>} : memref<7x128x128xf32, #tpu.memory_space<vmem>>, vector<1x128x128xf32>,
      %get3A_628 = arith.constant 0 : index
      %get3A_629 = arith.constant 0 : index
      %get3A_630 = vector.load %arg6[%get3A_628, %get3A_629] : memref<16x16xf32, #tpu.memory_space<vmem>>, vector<16x16xf32>
      %iota3A_631 = tpu.iota {dimensions = array<i32: 0>} : vector<128x16xi32>
      %iota3A_632 = tpu.iota {dimensions = array<i32: 1>} : vector<128x16xi32>
      %jit3A_633 = arith.constant 16 : i32
      %eq3A_634 = arith.constant 0 : i32
      %eq3A_635 = arith.cmpi eq, %jit3A_633, %eq3A_634 : i32
      %jit3A_636 = arith.constant 1 : i32
      %select_n3A_637 = arith.select %eq3A_635, %jit3A_636, %jit3A_633 : i32
      %rem3A_638 = vector.broadcast %select_n3A_637 : i32 to vector<128x16xi32>
      %rem3A_639 = arith.remsi %iota3A_631, %rem3A_638 : vector<128x16xi32>
      %ne3A_640 = arith.constant 0 : i32
      %ne3A_641 = vector.broadcast %ne3A_640 : i32 to vector<128x16xi32>
      %ne3A_642 = arith.cmpi ne, %rem3A_639, %ne3A_641 : vector<128x16xi32>
      %lt3A_643 = arith.constant 0 : i32
      %lt3A_644 = vector.broadcast %lt3A_643 : i32 to vector<128x16xi32>
      %lt3A_645 = arith.cmpi slt, %rem3A_639, %lt3A_644 : vector<128x16xi32>
      %lt3A_646 = arith.constant 0 : i32
      %lt3A_647 = arith.cmpi slt, %select_n3A_637, %lt3A_646 : i32
      %ne3A_648 = vector.broadcast %lt3A_647 : i1 to vector<128x16xi1>
      %ne3A_649 = vector.broadcast %ne3A_648 : vector<128x16xi1> to vector<128x16xi1>
      %ne3A_650 = arith.xori %lt3A_645, %ne3A_649 : vector<128x16xi1>
      %and3A_651 = arith.andi %ne3A_650, %ne3A_642 : vector<128x16xi1>
      %add3A_652 = vector.broadcast %select_n3A_637 : i32 to vector<128x16xi32>
      %add3A_653 = arith.addi %rem3A_639, %add3A_652 : vector<128x16xi32>
      %select_n3A_654 = arith.select %and3A_651, %add3A_653, %rem3A_639 : vector<128x16xi1>, vector<128x16xi32>
      %eq3A_655 = arith.cmpi eq, %select_n3A_654, %iota3A_632 : vector<128x16xi32>
      %jit3A_656 = arith.constant 1.000000e+00 : f32
      %jit3A_657 = arith.constant 0.000000e+00 : f32
      %broadcast_in_dim3A_658 = vector.broadcast %jit3A_656 : f32 to vector<128x16xf32>
      %broadcast_in_dim3A_659 = vector.broadcast %jit3A_657 : f32 to vector<128x16xf32>
      %select_n3A_660 = arith.select %eq3A_655, %broadcast_in_dim3A_658, %broadcast_in_dim3A_659 : vector<128x16xi1>, vector<128x16xf32>
      %iota3A_661 = tpu.iota {dimensions = array<i32: 0>} : vector<16x128xi32>
      %iota3A_662 = tpu.iota {dimensions = array<i32: 1>} : vector<16x128xi32>
      %jit3A_663 = arith.constant 16 : i32
      %eq3A_664 = arith.constant 0 : i32
      %eq3A_665 = arith.cmpi eq, %jit3A_663, %eq3A_664 : i32
      %jit3A_666 = arith.constant 1 : i32
      %select_n3A_667 = arith.select %eq3A_665, %jit3A_666, %jit3A_663 : i32
      %rem3A_668 = vector.broadcast %select_n3A_667 : i32 to vector<16x128xi32>
      %rem3A_669 = arith.remsi %iota3A_662, %rem3A_668 : vector<16x128xi32>
      %ne3A_670 = arith.constant 0 : i32
      %ne3A_671 = vector.broadcast %ne3A_670 : i32 to vector<16x128xi32>
      %ne3A_672 = arith.cmpi ne, %rem3A_669, %ne3A_671 : vector<16x128xi32>
      %lt3A_673 = arith.constant 0 : i32
      %lt3A_674 = vector.broadcast %lt3A_673 : i32 to vector<16x128xi32>
      %lt3A_675 = arith.cmpi slt, %rem3A_669, %lt3A_674 : vector<16x128xi32>
      %lt3A_676 = arith.constant 0 : i32
      %lt3A_677 = arith.cmpi slt, %select_n3A_667, %lt3A_676 : i32
      %ne3A_678 = vector.broadcast %lt3A_677 : i1 to vector<16x128xi1>
      %ne3A_679 = vector.broadcast %ne3A_678 : vector<16x128xi1> to vector<16x128xi1>
      %ne3A_680 = arith.xori %lt3A_675, %ne3A_679 : vector<16x128xi1>
      %and3A_681 = arith.andi %ne3A_680, %ne3A_672 : vector<16x128xi1>
      %add3A_682 = vector.broadcast %select_n3A_667 : i32 to vector<16x128xi32>
      %add3A_683 = arith.addi %rem3A_669, %add3A_682 : vector<16x128xi32>
      %select_n3A_684 = arith.select %and3A_681, %add3A_683, %rem3A_669 : vector<16x128xi1>, vector<16x128xi32>
      %eq3A_685 = arith.cmpi eq, %select_n3A_684, %iota3A_661 : vector<16x128xi32>
      %jit3A_686 = arith.constant 1.000000e+00 : f32
      %jit3A_687 = arith.constant 0.000000e+00 : f32
      %broadcast_in_dim3A_688 = vector.broadcast %jit3A_686 : f32 to vector<16x128xf32>
      %broadcast_in_dim3A_689 = vector.broadcast %jit3A_687 : f32 to vector<16x128xf32>
      %select_n3A_690 = arith.select %eq3A_685, %broadcast_in_dim3A_688, %broadcast_in_dim3A_689 : vector<16x128xi1>, vector<16x128xf32>
      %iota3A_691 = tpu.iota {dimensions = array<i32: 0>} : vector<128x128xi32>
      %jit3A_692 = arith.constant 16 : i32
      %div3A_693 = vector.broadcast %jit3A_692 : i32 to vector<128x128xi32>
      %div3A_694 = arith.divsi %iota3A_691, %div3A_693 : vector<128x128xi32>
      %sign3A_695 = arith.constant 0 : i32
      %sign3A_696 = vector.broadcast %sign3A_695 : i32 to vector<128x128xi32>
      %sign3A_697 = arith.cmpi sgt, %iota3A_691, %sign3A_696 : vector<128x128xi32>
      %sign3A_698 = arith.extui %sign3A_697 : vector<128x128xi1> to vector<128x128xi32>
      %sign3A_699 = arith.constant 0 : i32
      %sign3A_700 = vector.broadcast %sign3A_699 : i32 to vector<128x128xi32>
      %sign3A_701 = arith.cmpi slt, %iota3A_691, %sign3A_700 : vector<128x128xi32>
      %sign3A_702 = arith.extui %sign3A_701 : vector<128x128xi1> to vector<128x128xi32>
      %sign3A_703 = arith.subi %sign3A_698, %sign3A_702 : vector<128x128xi32>
      %sign3A_704 = arith.constant 0 : i32
      %sign3A_705 = arith.cmpi sgt, %jit3A_692, %sign3A_704 : i32
      %sign3A_706 = arith.extui %sign3A_705 : i1 to i32
      %sign3A_707 = arith.constant 0 : i32
      %sign3A_708 = arith.cmpi slt, %jit3A_692, %sign3A_707 : i32
      %sign3A_709 = arith.extui %sign3A_708 : i1 to i32
      %sign3A_710 = arith.subi %sign3A_706, %sign3A_709 : i32
      %ne3A_711 = vector.broadcast %sign3A_710 : i32 to vector<128x128xi32>
      %ne3A_712 = arith.cmpi ne, %sign3A_703, %ne3A_711 : vector<128x128xi32>
      %rem3A_713 = vector.broadcast %jit3A_692 : i32 to vector<128x128xi32>
      %rem3A_714 = arith.remsi %iota3A_691, %rem3A_713 : vector<128x128xi32>
      %ne3A_715 = arith.constant 0 : i32
      %ne3A_716 = vector.broadcast %ne3A_715 : i32 to vector<128x128xi32>
      %ne3A_717 = arith.cmpi ne, %rem3A_714, %ne3A_716 : vector<128x128xi32>
      %and3A_718 = arith.andi %ne3A_712, %ne3A_717 : vector<128x128xi1>
      %sub3A_719 = arith.constant 1 : i32
      %sub3A_720 = vector.broadcast %sub3A_719 : i32 to vector<128x128xi32>
      %sub3A_721 = arith.subi %div3A_694, %sub3A_720 : vector<128x128xi32>
      %select_n3A_722 = arith.select %and3A_718, %sub3A_721, %div3A_694 : vector<128x128xi1>, vector<128x128xi32>
      %iota3A_723 = tpu.iota {dimensions = array<i32: 1>} : vector<128x128xi32>
      %jit3A_724 = arith.constant 16 : i32
      %div3A_725 = vector.broadcast %jit3A_724 : i32 to vector<128x128xi32>
      %div3A_726 = arith.divsi %iota3A_723, %div3A_725 : vector<128x128xi32>
      %sign3A_727 = arith.constant 0 : i32
      %sign3A_728 = vector.broadcast %sign3A_727 : i32 to vector<128x128xi32>
      %sign3A_729 = arith.cmpi sgt, %iota3A_723, %sign3A_728 : vector<128x128xi32>
      %sign3A_730 = arith.extui %sign3A_729 : vector<128x128xi1> to vector<128x128xi32>
      %sign3A_731 = arith.constant 0 : i32
      %sign3A_732 = vector.broadcast %sign3A_731 : i32 to vector<128x128xi32>
      %sign3A_733 = arith.cmpi slt, %iota3A_723, %sign3A_732 : vector<128x128xi32>
      %sign3A_734 = arith.extui %sign3A_733 : vector<128x128xi1> to vector<128x128xi32>
      %sign3A_735 = arith.subi %sign3A_730, %sign3A_734 : vector<128x128xi32>
      %sign3A_736 = arith.constant 0 : i32
      %sign3A_737 = arith.cmpi sgt, %jit3A_724, %sign3A_736 : i32
      %sign3A_738 = arith.extui %sign3A_737 : i1 to i32
      %sign3A_739 = arith.constant 0 : i32
      %sign3A_740 = arith.cmpi slt, %jit3A_724, %sign3A_739 : i32
      %sign3A_741 = arith.extui %sign3A_740 : i1 to i32
      %sign3A_742 = arith.subi %sign3A_738, %sign3A_741 : i32
      %ne3A_743 = vector.broadcast %sign3A_742 : i32 to vector<128x128xi32>
      %ne3A_744 = arith.cmpi ne, %sign3A_735, %ne3A_743 : vector<128x128xi32>
      %rem3A_745 = vector.broadcast %jit3A_724 : i32 to vector<128x128xi32>
      %rem3A_746 = arith.remsi %iota3A_723, %rem3A_745 : vector<128x128xi32>
      %ne3A_747 = arith.constant 0 : i32
      %ne3A_748 = vector.broadcast %ne3A_747 : i32 to vector<128x128xi32>
      %ne3A_749 = arith.cmpi ne, %rem3A_746, %ne3A_748 : vector<128x128xi32>
      %and3A_750 = arith.andi %ne3A_744, %ne3A_749 : vector<128x128xi1>
      %sub3A_751 = arith.constant 1 : i32
      %sub3A_752 = vector.broadcast %sub3A_751 : i32 to vector<128x128xi32>
      %sub3A_753 = arith.subi %div3A_726, %sub3A_752 : vector<128x128xi32>
      %select_n3A_754 = arith.select %and3A_750, %sub3A_753, %div3A_726 : vector<128x128xi1>, vector<128x128xi32>
      %eq3A_755 = arith.cmpi eq, %select_n3A_722, %select_n3A_754 : vector<128x128xi32>
      %jit3A_756 = arith.constant 1.000000e+00 : f32
      %jit3A_757 = arith.constant 0.000000e+00 : f32
      %broadcast_in_dim3A_758 = vector.broadcast %jit3A_756 : f32 to vector<128x128xf32>
      %broadcast_in_dim3A_759 = vector.broadcast %jit3A_757 : f32 to vector<128x128xf32>
      %select_n3A_760 = arith.select %eq3A_755, %broadcast_in_dim3A_758, %broadcast_in_dim3A_759 : vector<128x128xi1>, vector<128x128xf32>
      %dot_general3A_761 = arith.constant dense<0.000000e+00> : vector<128x16xf32>
      %dot_general3A_762 = tpu.matmul %select_n3A_660, %get3A_630, %dot_general3A_761 {dimension_numbers = #tpu.dot_dimension_numbers<[1], [0], [0], [1], [0, 0, 1, 1], [], []>, transpose_lhs_hint = false} : vector<128x16xf32>, vector<16x16xf32>, vector<128x16xf32> -> vector<128x16xf32>
      %dot_general3A_763 = arith.constant dense<0.000000e+00> : vector<128x128xf32>
      %dot_general3A_764 = tpu.matmul %dot_general3A_762, %select_n3A_690, %dot_general3A_763 {dimension_numbers = #tpu.dot_dimension_numbers<[1], [0], [0], [1], [0, 0, 1, 1], [], []>, transpose_lhs_hint = false} : vector<128x16xf32>, vector<16x128xf32>, vector<128x128xf32> -> vector<128x128xf32>
      %mul3A_765 = arith.mulf %dot_general3A_764, %select_n3A_760 : vector<128x128xf32>
      %swap3A_766 = arith.constant 1 : index
      %swap3A_767 = arith.constant 0 : index
      %swap3A_768 = arith.constant 0 : index
      %swap3A_769 = vector.load %arg19[%swap3A_766, %swap3A_767, %swap3A_768] : memref<7x128x128xf32, #tpu.memory_space<vmem>>, vector<1x128x128xf32>
      %swap3A_770 = vector.shape_cast %swap3A_769 : vector<1x128x128xf32> to vector<128x128xf32>
      %swap3A_771 = vector.shape_cast %mul3A_765 : vector<128x128xf32> to vector<1x128x128xf32>
      tpu.vector_store %arg19[%swap3A_766, %swap3A_767, %swap3A_768], %swap3A_771 {strides = array<i32>} : memref<7x128x128xf32, #tpu.memory_space<vmem>>, vector<1x128x128xf32>,
      %get3A_772 = arith.constant 0 : index
      %get3A_773 = arith.constant 0 : index
      %get3A_774 = vector.load %arg7[%get3A_772, %get3A_773] : memref<16x16xf32, #tpu.memory_space<vmem>>, vector<16x16xf32>
      %iota3A_775 = tpu.iota {dimensions = array<i32: 0>} : vector<128x16xi32>
      %iota3A_776 = tpu.iota {dimensions = array<i32: 1>} : vector<128x16xi32>
      %jit3A_777 = arith.constant 16 : i32
      %eq3A_778 = arith.constant 0 : i32
      %eq3A_779 = arith.cmpi eq, %jit3A_777, %eq3A_778 : i32
      %jit3A_780 = arith.constant 1 : i32
      %select_n3A_781 = arith.select %eq3A_779, %jit3A_780, %jit3A_777 : i32
      %rem3A_782 = vector.broadcast %select_n3A_781 : i32 to vector<128x16xi32>
      %rem3A_783 = arith.remsi %iota3A_775, %rem3A_782 : vector<128x16xi32>
      %ne3A_784 = arith.constant 0 : i32
      %ne3A_785 = vector.broadcast %ne3A_784 : i32 to vector<128x16xi32>
      %ne3A_786 = arith.cmpi ne, %rem3A_783, %ne3A_785 : vector<128x16xi32>
      %lt3A_787 = arith.constant 0 : i32
      %lt3A_788 = vector.broadcast %lt3A_787 : i32 to vector<128x16xi32>
      %lt3A_789 = arith.cmpi slt, %rem3A_783, %lt3A_788 : vector<128x16xi32>
      %lt3A_790 = arith.constant 0 : i32
      %lt3A_791 = arith.cmpi slt, %select_n3A_781, %lt3A_790 : i32
      %ne3A_792 = vector.broadcast %lt3A_791 : i1 to vector<128x16xi1>
      %ne3A_793 = vector.broadcast %ne3A_792 : vector<128x16xi1> to vector<128x16xi1>
      %ne3A_794 = arith.xori %lt3A_789, %ne3A_793 : vector<128x16xi1>
      %and3A_795 = arith.andi %ne3A_794, %ne3A_786 : vector<128x16xi1>
      %add3A_796 = vector.broadcast %select_n3A_781 : i32 to vector<128x16xi32>
      %add3A_797 = arith.addi %rem3A_783, %add3A_796 : vector<128x16xi32>
      %select_n3A_798 = arith.select %and3A_795, %add3A_797, %rem3A_783 : vector<128x16xi1>, vector<128x16xi32>
      %eq3A_799 = arith.cmpi eq, %select_n3A_798, %iota3A_776 : vector<128x16xi32>
      %jit3A_800 = arith.constant 1.000000e+00 : f32
      %jit3A_801 = arith.constant 0.000000e+00 : f32
      %broadcast_in_dim3A_802 = vector.broadcast %jit3A_800 : f32 to vector<128x16xf32>
      %broadcast_in_dim3A_803 = vector.broadcast %jit3A_801 : f32 to vector<128x16xf32>
      %select_n3A_804 = arith.select %eq3A_799, %broadcast_in_dim3A_802, %broadcast_in_dim3A_803 : vector<128x16xi1>, vector<128x16xf32>
      %iota3A_805 = tpu.iota {dimensions = array<i32: 0>} : vector<16x128xi32>
      %iota3A_806 = tpu.iota {dimensions = array<i32: 1>} : vector<16x128xi32>
      %jit3A_807 = arith.constant 16 : i32
      %eq3A_808 = arith.constant 0 : i32
      %eq3A_809 = arith.cmpi eq, %jit3A_807, %eq3A_808 : i32
      %jit3A_810 = arith.constant 1 : i32
      %select_n3A_811 = arith.select %eq3A_809, %jit3A_810, %jit3A_807 : i32
      %rem3A_812 = vector.broadcast %select_n3A_811 : i32 to vector<16x128xi32>
      %rem3A_813 = arith.remsi %iota3A_806, %rem3A_812 : vector<16x128xi32>
      %ne3A_814 = arith.constant 0 : i32
      %ne3A_815 = vector.broadcast %ne3A_814 : i32 to vector<16x128xi32>
      %ne3A_816 = arith.cmpi ne, %rem3A_813, %ne3A_815 : vector<16x128xi32>
      %lt3A_817 = arith.constant 0 : i32
      %lt3A_818 = vector.broadcast %lt3A_817 : i32 to vector<16x128xi32>
      %lt3A_819 = arith.cmpi slt, %rem3A_813, %lt3A_818 : vector<16x128xi32>
      %lt3A_820 = arith.constant 0 : i32
      %lt3A_821 = arith.cmpi slt, %select_n3A_811, %lt3A_820 : i32
      %ne3A_822 = vector.broadcast %lt3A_821 : i1 to vector<16x128xi1>
      %ne3A_823 = vector.broadcast %ne3A_822 : vector<16x128xi1> to vector<16x128xi1>
      %ne3A_824 = arith.xori %lt3A_819, %ne3A_823 : vector<16x128xi1>
      %and3A_825 = arith.andi %ne3A_824, %ne3A_816 : vector<16x128xi1>
      %add3A_826 = vector.broadcast %select_n3A_811 : i32 to vector<16x128xi32>
      %add3A_827 = arith.addi %rem3A_813, %add3A_826 : vector<16x128xi32>
      %select_n3A_828 = arith.select %and3A_825, %add3A_827, %rem3A_813 : vector<16x128xi1>, vector<16x128xi32>
      %eq3A_829 = arith.cmpi eq, %select_n3A_828, %iota3A_805 : vector<16x128xi32>
      %jit3A_830 = arith.constant 1.000000e+00 : f32
      %jit3A_831 = arith.constant 0.000000e+00 : f32
      %broadcast_in_dim3A_832 = vector.broadcast %jit3A_830 : f32 to vector<16x128xf32>
      %broadcast_in_dim3A_833 = vector.broadcast %jit3A_831 : f32 to vector<16x128xf32>
      %select_n3A_834 = arith.select %eq3A_829, %broadcast_in_dim3A_832, %broadcast_in_dim3A_833 : vector<16x128xi1>, vector<16x128xf32>
      %iota3A_835 = tpu.iota {dimensions = array<i32: 0>} : vector<128x128xi32>
      %jit3A_836 = arith.constant 16 : i32
      %div3A_837 = vector.broadcast %jit3A_836 : i32 to vector<128x128xi32>
      %div3A_838 = arith.divsi %iota3A_835, %div3A_837 : vector<128x128xi32>
      %sign3A_839 = arith.constant 0 : i32
      %sign3A_840 = vector.broadcast %sign3A_839 : i32 to vector<128x128xi32>
      %sign3A_841 = arith.cmpi sgt, %iota3A_835, %sign3A_840 : vector<128x128xi32>
      %sign3A_842 = arith.extui %sign3A_841 : vector<128x128xi1> to vector<128x128xi32>
      %sign3A_843 = arith.constant 0 : i32
      %sign3A_844 = vector.broadcast %sign3A_843 : i32 to vector<128x128xi32>
      %sign3A_845 = arith.cmpi slt, %iota3A_835, %sign3A_844 : vector<128x128xi32>
      %sign3A_846 = arith.extui %sign3A_845 : vector<128x128xi1> to vector<128x128xi32>
      %sign3A_847 = arith.subi %sign3A_842, %sign3A_846 : vector<128x128xi32>
      %sign3A_848 = arith.constant 0 : i32
      %sign3A_849 = arith.cmpi sgt, %jit3A_836, %sign3A_848 : i32
      %sign3A_850 = arith.extui %sign3A_849 : i1 to i32
      %sign3A_851 = arith.constant 0 : i32
      %sign3A_852 = arith.cmpi slt, %jit3A_836, %sign3A_851 : i32
      %sign3A_853 = arith.extui %sign3A_852 : i1 to i32
      %sign3A_854 = arith.subi %sign3A_850, %sign3A_853 : i32
      %ne3A_855 = vector.broadcast %sign3A_854 : i32 to vector<128x128xi32>
      %ne3A_856 = arith.cmpi ne, %sign3A_847, %ne3A_855 : vector<128x128xi32>
      %rem3A_857 = vector.broadcast %jit3A_836 : i32 to vector<128x128xi32>
      %rem3A_858 = arith.remsi %iota3A_835, %rem3A_857 : vector<128x128xi32>
      %ne3A_859 = arith.constant 0 : i32
      %ne3A_860 = vector.broadcast %ne3A_859 : i32 to vector<128x128xi32>
      %ne3A_861 = arith.cmpi ne, %rem3A_858, %ne3A_860 : vector<128x128xi32>
      %and3A_862 = arith.andi %ne3A_856, %ne3A_861 : vector<128x128xi1>
      %sub3A_863 = arith.constant 1 : i32
      %sub3A_864 = vector.broadcast %sub3A_863 : i32 to vector<128x128xi32>
      %sub3A_865 = arith.subi %div3A_838, %sub3A_864 : vector<128x128xi32>
      %select_n3A_866 = arith.select %and3A_862, %sub3A_865, %div3A_838 : vector<128x128xi1>, vector<128x128xi32>
      %iota3A_867 = tpu.iota {dimensions = array<i32: 1>} : vector<128x128xi32>
      %jit3A_868 = arith.constant 16 : i32
      %div3A_869 = vector.broadcast %jit3A_868 : i32 to vector<128x128xi32>
      %div3A_870 = arith.divsi %iota3A_867, %div3A_869 : vector<128x128xi32>
      %sign3A_871 = arith.constant 0 : i32
      %sign3A_872 = vector.broadcast %sign3A_871 : i32 to vector<128x128xi32>
      %sign3A_873 = arith.cmpi sgt, %iota3A_867, %sign3A_872 : vector<128x128xi32>
      %sign3A_874 = arith.extui %sign3A_873 : vector<128x128xi1> to vector<128x128xi32>
      %sign3A_875 = arith.constant 0 : i32
      %sign3A_876 = vector.broadcast %sign3A_875 : i32 to vector<128x128xi32>
      %sign3A_877 = arith.cmpi slt, %iota3A_867, %sign3A_876 : vector<128x128xi32>
      %sign3A_878 = arith.extui %sign3A_877 : vector<128x128xi1> to vector<128x128xi32>
      %sign3A_879 = arith.subi %sign3A_874, %sign3A_878 : vector<128x128xi32>
      %sign3A_880 = arith.constant 0 : i32
      %sign3A_881 = arith.cmpi sgt, %jit3A_868, %sign3A_880 : i32
      %sign3A_882 = arith.extui %sign3A_881 : i1 to i32
      %sign3A_883 = arith.constant 0 : i32
      %sign3A_884 = arith.cmpi slt, %jit3A_868, %sign3A_883 : i32
      %sign3A_885 = arith.extui %sign3A_884 : i1 to i32
      %sign3A_886 = arith.subi %sign3A_882, %sign3A_885 : i32
      %ne3A_887 = vector.broadcast %sign3A_886 : i32 to vector<128x128xi32>
      %ne3A_888 = arith.cmpi ne, %sign3A_879, %ne3A_887 : vector<128x128xi32>
      %rem3A_889 = vector.broadcast %jit3A_868 : i32 to vector<128x128xi32>
      %rem3A_890 = arith.remsi %iota3A_867, %rem3A_889 : vector<128x128xi32>
      %ne3A_891 = arith.constant 0 : i32
      %ne3A_892 = vector.broadcast %ne3A_891 : i32 to vector<128x128xi32>
      %ne3A_893 = arith.cmpi ne, %rem3A_890, %ne3A_892 : vector<128x128xi32>
      %and3A_894 = arith.andi %ne3A_888, %ne3A_893 : vector<128x128xi1>
      %sub3A_895 = arith.constant 1 : i32
      %sub3A_896 = vector.broadcast %sub3A_895 : i32 to vector<128x128xi32>
      %sub3A_897 = arith.subi %div3A_870, %sub3A_896 : vector<128x128xi32>
      %select_n3A_898 = arith.select %and3A_894, %sub3A_897, %div3A_870 : vector<128x128xi1>, vector<128x128xi32>
      %eq3A_899 = arith.cmpi eq, %select_n3A_866, %select_n3A_898 : vector<128x128xi32>
      %jit3A_900 = arith.constant 1.000000e+00 : f32
      %jit3A_901 = arith.constant 0.000000e+00 : f32
      %broadcast_in_dim3A_902 = vector.broadcast %jit3A_900 : f32 to vector<128x128xf32>
      %broadcast_in_dim3A_903 = vector.broadcast %jit3A_901 : f32 to vector<128x128xf32>
      %select_n3A_904 = arith.select %eq3A_899, %broadcast_in_dim3A_902, %broadcast_in_dim3A_903 : vector<128x128xi1>, vector<128x128xf32>
      %dot_general3A_905 = arith.constant dense<0.000000e+00> : vector<128x16xf32>
      %dot_general3A_906 = tpu.matmul %select_n3A_804, %get3A_774, %dot_general3A_905 {dimension_numbers = #tpu.dot_dimension_numbers<[1], [0], [0], [1], [0, 0, 1, 1], [], []>, transpose_lhs_hint = false} : vector<128x16xf32>, vector<16x16xf32>, vector<128x16xf32> -> vector<128x16xf32>
      %dot_general3A_907 = arith.constant dense<0.000000e+00> : vector<128x128xf32>
      %dot_general3A_908 = tpu.matmul %dot_general3A_906, %select_n3A_834, %dot_general3A_907 {dimension_numbers = #tpu.dot_dimension_numbers<[1], [0], [0], [1], [0, 0, 1, 1], [], []>, transpose_lhs_hint = false} : vector<128x16xf32>, vector<16x128xf32>, vector<128x128xf32> -> vector<128x128xf32>
      %mul3A_909 = arith.mulf %dot_general3A_908, %select_n3A_904 : vector<128x128xf32>
      %swap3A_910 = arith.constant 2 : index
      %swap3A_911 = arith.constant 0 : index
      %swap3A_912 = arith.constant 0 : index
      %swap3A_913 = vector.load %arg19[%swap3A_910, %swap3A_911, %swap3A_912] : memref<7x128x128xf32, #tpu.memory_space<vmem>>, vector<1x128x128xf32>
      %swap3A_914 = vector.shape_cast %swap3A_913 : vector<1x128x128xf32> to vector<128x128xf32>
      %swap3A_915 = vector.shape_cast %mul3A_909 : vector<128x128xf32> to vector<1x128x128xf32>
      tpu.vector_store %arg19[%swap3A_910, %swap3A_911, %swap3A_912], %swap3A_915 {strides = array<i32>} : memref<7x128x128xf32, #tpu.memory_space<vmem>>, vector<1x128x128xf32>,
      %get3A_916 = arith.constant 0 : index
      %get3A_917 = arith.constant 0 : index
      %get3A_918 = vector.load %arg8[%get3A_916, %get3A_917] : memref<16x16xf32, #tpu.memory_space<vmem>>, vector<16x16xf32>
      %iota3A_919 = tpu.iota {dimensions = array<i32: 0>} : vector<128x16xi32>
      %iota3A_920 = tpu.iota {dimensions = array<i32: 1>} : vector<128x16xi32>
      %jit3A_921 = arith.constant 16 : i32
      %eq3A_922 = arith.constant 0 : i32
      %eq3A_923 = arith.cmpi eq, %jit3A_921, %eq3A_922 : i32
      %jit3A_924 = arith.constant 1 : i32
      %select_n3A_925 = arith.select %eq3A_923, %jit3A_924, %jit3A_921 : i32
      %rem3A_926 = vector.broadcast %select_n3A_925 : i32 to vector<128x16xi32>
      %rem3A_927 = arith.remsi %iota3A_919, %rem3A_926 : vector<128x16xi32>
      %ne3A_928 = arith.constant 0 : i32
      %ne3A_929 = vector.broadcast %ne3A_928 : i32 to vector<128x16xi32>
      %ne3A_930 = arith.cmpi ne, %rem3A_927, %ne3A_929 : vector<128x16xi32>
      %lt3A_931 = arith.constant 0 : i32
      %lt3A_932 = vector.broadcast %lt3A_931 : i32 to vector<128x16xi32>
      %lt3A_933 = arith.cmpi slt, %rem3A_927, %lt3A_932 : vector<128x16xi32>
      %lt3A_934 = arith.constant 0 : i32
      %lt3A_935 = arith.cmpi slt, %select_n3A_925, %lt3A_934 : i32
      %ne3A_936 = vector.broadcast %lt3A_935 : i1 to vector<128x16xi1>
      %ne3A_937 = vector.broadcast %ne3A_936 : vector<128x16xi1> to vector<128x16xi1>
      %ne3A_938 = arith.xori %lt3A_933, %ne3A_937 : vector<128x16xi1>
      %and3A_939 = arith.andi %ne3A_938, %ne3A_930 : vector<128x16xi1>
      %add3A_940 = vector.broadcast %select_n3A_925 : i32 to vector<128x16xi32>
      %add3A_941 = arith.addi %rem3A_927, %add3A_940 : vector<128x16xi32>
      %select_n3A_942 = arith.select %and3A_939, %add3A_941, %rem3A_927 : vector<128x16xi1>, vector<128x16xi32>
      %eq3A_943 = arith.cmpi eq, %select_n3A_942, %iota3A_920 : vector<128x16xi32>
      %jit3A_944 = arith.constant 1.000000e+00 : f32
      %jit3A_945 = arith.constant 0.000000e+00 : f32
      %broadcast_in_dim3A_946 = vector.broadcast %jit3A_944 : f32 to vector<128x16xf32>
      %broadcast_in_dim3A_947 = vector.broadcast %jit3A_945 : f32 to vector<128x16xf32>
      %select_n3A_948 = arith.select %eq3A_943, %broadcast_in_dim3A_946, %broadcast_in_dim3A_947 : vector<128x16xi1>, vector<128x16xf32>
      %iota3A_949 = tpu.iota {dimensions = array<i32: 0>} : vector<16x128xi32>
      %iota3A_950 = tpu.iota {dimensions = array<i32: 1>} : vector<16x128xi32>
      %jit3A_951 = arith.constant 16 : i32
      %eq3A_952 = arith.constant 0 : i32
      %eq3A_953 = arith.cmpi eq, %jit3A_951, %eq3A_952 : i32
      %jit3A_954 = arith.constant 1 : i32
      %select_n3A_955 = arith.select %eq3A_953, %jit3A_954, %jit3A_951 : i32
      %rem3A_956 = vector.broadcast %select_n3A_955 : i32 to vector<16x128xi32>
      %rem3A_957 = arith.remsi %iota3A_950, %rem3A_956 : vector<16x128xi32>
      %ne3A_958 = arith.constant 0 : i32
      %ne3A_959 = vector.broadcast %ne3A_958 : i32 to vector<16x128xi32>
      %ne3A_960 = arith.cmpi ne, %rem3A_957, %ne3A_959 : vector<16x128xi32>
      %lt3A_961 = arith.constant 0 : i32
      %lt3A_962 = vector.broadcast %lt3A_961 : i32 to vector<16x128xi32>
      %lt3A_963 = arith.cmpi slt, %rem3A_957, %lt3A_962 : vector<16x128xi32>
      %lt3A_964 = arith.constant 0 : i32
      %lt3A_965 = arith.cmpi slt, %select_n3A_955, %lt3A_964 : i32
      %ne3A_966 = vector.broadcast %lt3A_965 : i1 to vector<16x128xi1>
      %ne3A_967 = vector.broadcast %ne3A_966 : vector<16x128xi1> to vector<16x128xi1>
      %ne3A_968 = arith.xori %lt3A_963, %ne3A_967 : vector<16x128xi1>
      %and3A_969 = arith.andi %ne3A_968, %ne3A_960 : vector<16x128xi1>
      %add3A_970 = vector.broadcast %select_n3A_955 : i32 to vector<16x128xi32>
      %add3A_971 = arith.addi %rem3A_957, %add3A_970 : vector<16x128xi32>
      %select_n3A_972 = arith.select %and3A_969, %add3A_971, %rem3A_957 : vector<16x128xi1>, vector<16x128xi32>
      %eq3A_973 = arith.cmpi eq, %select_n3A_972, %iota3A_949 : vector<16x128xi32>
      %jit3A_974 = arith.constant 1.000000e+00 : f32
      %jit3A_975 = arith.constant 0.000000e+00 : f32
      %broadcast_in_dim3A_976 = vector.broadcast %jit3A_974 : f32 to vector<16x128xf32>
      %broadcast_in_dim3A_977 = vector.broadcast %jit3A_975 : f32 to vector<16x128xf32>
      %select_n3A_978 = arith.select %eq3A_973, %broadcast_in_dim3A_976, %broadcast_in_dim3A_977 : vector<16x128xi1>, vector<16x128xf32>
      %iota3A_979 = tpu.iota {dimensions = array<i32: 0>} : vector<128x128xi32>
      %jit3A_980 = arith.constant 16 : i32
      %div3A_981 = vector.broadcast %jit3A_980 : i32 to vector<128x128xi32>
      %div3A_982 = arith.divsi %iota3A_979, %div3A_981 : vector<128x128xi32>
      %sign3A_983 = arith.constant 0 : i32
      %sign3A_984 = vector.broadcast %sign3A_983 : i32 to vector<128x128xi32>
      %sign3A_985 = arith.cmpi sgt, %iota3A_979, %sign3A_984 : vector<128x128xi32>
      %sign3A_986 = arith.extui %sign3A_985 : vector<128x128xi1> to vector<128x128xi32>
      %sign3A_987 = arith.constant 0 : i32
      %sign3A_988 = vector.broadcast %sign3A_987 : i32 to vector<128x128xi32>
      %sign3A_989 = arith.cmpi slt, %iota3A_979, %sign3A_988 : vector<128x128xi32>
      %sign3A_990 = arith.extui %sign3A_989 : vector<128x128xi1> to vector<128x128xi32>
      %sign3A_991 = arith.subi %sign3A_986, %sign3A_990 : vector<128x128xi32>
      %sign3A_992 = arith.constant 0 : i32
      %sign3A_993 = arith.cmpi sgt, %jit3A_980, %sign3A_992 : i32
      %sign3A_994 = arith.extui %sign3A_993 : i1 to i32
      %sign3A_995 = arith.constant 0 : i32
      %sign3A_996 = arith.cmpi slt, %jit3A_980, %sign3A_995 : i32
      %sign3A_997 = arith.extui %sign3A_996 : i1 to i32
      %sign3A_998 = arith.subi %sign3A_994, %sign3A_997 : i32
      %ne3A_999 = vector.broadcast %sign3A_998 : i32 to vector<128x128xi32>
      %ne3A_1000 = arith.cmpi ne, %sign3A_991, %ne3A_999 : vector<128x128xi32>
      %rem3A_1001 = vector.broadcast %jit3A_980 : i32 to vector<128x128xi32>
      %rem3A_1002 = arith.remsi %iota3A_979, %rem3A_1001 : vector<128x128xi32>
      %ne3A_1003 = arith.constant 0 : i32
      %ne3A_1004 = vector.broadcast %ne3A_1003 : i32 to vector<128x128xi32>
      %ne3A_1005 = arith.cmpi ne, %rem3A_1002, %ne3A_1004 : vector<128x128xi32>
      %and3A_1006 = arith.andi %ne3A_1000, %ne3A_1005 : vector<128x128xi1>
      %sub3A_1007 = arith.constant 1 : i32
      %sub3A_1008 = vector.broadcast %sub3A_1007 : i32 to vector<128x128xi32>
      %sub3A_1009 = arith.subi %div3A_982, %sub3A_1008 : vector<128x128xi32>
      %select_n3A_1010 = arith.select %and3A_1006, %sub3A_1009, %div3A_982 : vector<128x128xi1>, vector<128x128xi32>
      %iota3A_1011 = tpu.iota {dimensions = array<i32: 1>} : vector<128x128xi32>
      %jit3A_1012 = arith.constant 16 : i32
      %div3A_1013 = vector.broadcast %jit3A_1012 : i32 to vector<128x128xi32>
      %div3A_1014 = arith.divsi %iota3A_1011, %div3A_1013 : vector<128x128xi32>
      %sign3A_1015 = arith.constant 0 : i32
      %sign3A_1016 = vector.broadcast %sign3A_1015 : i32 to vector<128x128xi32>
      %sign3A_1017 = arith.cmpi sgt, %iota3A_1011, %sign3A_1016 : vector<128x128xi32>
      %sign3A_1018 = arith.extui %sign3A_1017 : vector<128x128xi1> to vector<128x128xi32>
      %sign3A_1019 = arith.constant 0 : i32
      %sign3A_1020 = vector.broadcast %sign3A_1019 : i32 to vector<128x128xi32>
      %sign3A_1021 = arith.cmpi slt, %iota3A_1011, %sign3A_1020 : vector<128x128xi32>
      %sign3A_1022 = arith.extui %sign3A_1021 : vector<128x128xi1> to vector<128x128xi32>
      %sign3A_1023 = arith.subi %sign3A_1018, %sign3A_1022 : vector<128x128xi32>
      %sign3A_1024 = arith.constant 0 : i32
      %sign3A_1025 = arith.cmpi sgt, %jit3A_1012, %sign3A_1024 : i32
      %sign3A_1026 = arith.extui %sign3A_1025 : i1 to i32
      %sign3A_1027 = arith.constant 0 : i32
      %sign3A_1028 = arith.cmpi slt, %jit3A_1012, %sign3A_1027 : i32
      %sign3A_1029 = arith.extui %sign3A_1028 : i1 to i32
      %sign3A_1030 = arith.subi %sign3A_1026, %sign3A_1029 : i32
      %ne3A_1031 = vector.broadcast %sign3A_1030 : i32 to vector<128x128xi32>
      %ne3A_1032 = arith.cmpi ne, %sign3A_1023, %ne3A_1031 : vector<128x128xi32>
      %rem3A_1033 = vector.broadcast %jit3A_1012 : i32 to vector<128x128xi32>
      %rem3A_1034 = arith.remsi %iota3A_1011, %rem3A_1033 : vector<128x128xi32>
      %ne3A_1035 = arith.constant 0 : i32
      %ne3A_1036 = vector.broadcast %ne3A_1035 : i32 to vector<128x128xi32>
      %ne3A_1037 = arith.cmpi ne, %rem3A_1034, %ne3A_1036 : vector<128x128xi32>
      %and3A_1038 = arith.andi %ne3A_1032, %ne3A_1037 : vector<128x128xi1>
      %sub3A_1039 = arith.constant 1 : i32
      %sub3A_1040 = vector.broadcast %sub3A_1039 : i32 to vector<128x128xi32>
      %sub3A_1041 = arith.subi %div3A_1014, %sub3A_1040 : vector<128x128xi32>
      %select_n3A_1042 = arith.select %and3A_1038, %sub3A_1041, %div3A_1014 : vector<128x128xi1>, vector<128x128xi32>
      %eq3A_1043 = arith.cmpi eq, %select_n3A_1010, %select_n3A_1042 : vector<128x128xi32>
      %jit3A_1044 = arith.constant 1.000000e+00 : f32
      %jit3A_1045 = arith.constant 0.000000e+00 : f32
      %broadcast_in_dim3A_1046 = vector.broadcast %jit3A_1044 : f32 to vector<128x128xf32>
      %broadcast_in_dim3A_1047 = vector.broadcast %jit3A_1045 : f32 to vector<128x128xf32>
      %select_n3A_1048 = arith.select %eq3A_1043, %broadcast_in_dim3A_1046, %broadcast_in_dim3A_1047 : vector<128x128xi1>, vector<128x128xf32>
      %dot_general3A_1049 = arith.constant dense<0.000000e+00> : vector<128x16xf32>
      %dot_general3A_1050 = tpu.matmul %select_n3A_948, %get3A_918, %dot_general3A_1049 {dimension_numbers = #tpu.dot_dimension_numbers<[1], [0], [0], [1], [0, 0, 1, 1], [], []>, transpose_lhs_hint = false} : vector<128x16xf32>, vector<16x16xf32>, vector<128x16xf32> -> vector<128x16xf32>
      %dot_general3A_1051 = arith.constant dense<0.000000e+00> : vector<128x128xf32>
      %dot_general3A_1052 = tpu.matmul %dot_general3A_1050, %select_n3A_978, %dot_general3A_1051 {dimension_numbers = #tpu.dot_dimension_numbers<[1], [0], [0], [1], [0, 0, 1, 1], [], []>, transpose_lhs_hint = false} : vector<128x16xf32>, vector<16x128xf32>, vector<128x128xf32> -> vector<128x128xf32>
      %mul3A_1053 = arith.mulf %dot_general3A_1052, %select_n3A_1048 : vector<128x128xf32>
      %swap3A_1054 = arith.constant 3 : index
      %swap3A_1055 = arith.constant 0 : index
      %swap3A_1056 = arith.constant 0 : index
      %swap3A_1057 = vector.load %arg19[%swap3A_1054, %swap3A_1055, %swap3A_1056] : memref<7x128x128xf32, #tpu.memory_space<vmem>>, vector<1x128x128xf32>
      %swap3A_1058 = vector.shape_cast %swap3A_1057 : vector<1x128x128xf32> to vector<128x128xf32>
      %swap3A_1059 = vector.shape_cast %mul3A_1053 : vector<128x128xf32> to vector<1x128x128xf32>
      tpu.vector_store %arg19[%swap3A_1054, %swap3A_1055, %swap3A_1056], %swap3A_1059 {strides = array<i32>} : memref<7x128x128xf32, #tpu.memory_space<vmem>>, vector<1x128x128xf32>,
      %get3A_1060 = arith.constant 0 : index
      %get3A_1061 = arith.constant 0 : index
      %get3A_1062 = vector.load %arg9[%get3A_1060, %get3A_1061] : memref<16x16xf32, #tpu.memory_space<vmem>>, vector<16x16xf32>
      %iota3A_1063 = tpu.iota {dimensions = array<i32: 0>} : vector<128x16xi32>
      %iota3A_1064 = tpu.iota {dimensions = array<i32: 1>} : vector<128x16xi32>
      %jit3A_1065 = arith.constant 16 : i32
      %eq3A_1066 = arith.constant 0 : i32
      %eq3A_1067 = arith.cmpi eq, %jit3A_1065, %eq3A_1066 : i32
      %jit3A_1068 = arith.constant 1 : i32
      %select_n3A_1069 = arith.select %eq3A_1067, %jit3A_1068, %jit3A_1065 : i32
      %rem3A_1070 = vector.broadcast %select_n3A_1069 : i32 to vector<128x16xi32>
      %rem3A_1071 = arith.remsi %iota3A_1063, %rem3A_1070 : vector<128x16xi32>
      %ne3A_1072 = arith.constant 0 : i32
      %ne3A_1073 = vector.broadcast %ne3A_1072 : i32 to vector<128x16xi32>
      %ne3A_1074 = arith.cmpi ne, %rem3A_1071, %ne3A_1073 : vector<128x16xi32>
      %lt3A_1075 = arith.constant 0 : i32
      %lt3A_1076 = vector.broadcast %lt3A_1075 : i32 to vector<128x16xi32>
      %lt3A_1077 = arith.cmpi slt, %rem3A_1071, %lt3A_1076 : vector<128x16xi32>
      %lt3A_1078 = arith.constant 0 : i32
      %lt3A_1079 = arith.cmpi slt, %select_n3A_1069, %lt3A_1078 : i32
      %ne3A_1080 = vector.broadcast %lt3A_1079 : i1 to vector<128x16xi1>
      %ne3A_1081 = vector.broadcast %ne3A_1080 : vector<128x16xi1> to vector<128x16xi1>
      %ne3A_1082 = arith.xori %lt3A_1077, %ne3A_1081 : vector<128x16xi1>
      %and3A_1083 = arith.andi %ne3A_1082, %ne3A_1074 : vector<128x16xi1>
      %add3A_1084 = vector.broadcast %select_n3A_1069 : i32 to vector<128x16xi32>
      %add3A_1085 = arith.addi %rem3A_1071, %add3A_1084 : vector<128x16xi32>
      %select_n3A_1086 = arith.select %and3A_1083, %add3A_1085, %rem3A_1071 : vector<128x16xi1>, vector<128x16xi32>
      %eq3A_1087 = arith.cmpi eq, %select_n3A_1086, %iota3A_1064 : vector<128x16xi32>
      %jit3A_1088 = arith.constant 1.000000e+00 : f32
      %jit3A_1089 = arith.constant 0.000000e+00 : f32
      %broadcast_in_dim3A_1090 = vector.broadcast %jit3A_1088 : f32 to vector<128x16xf32>
      %broadcast_in_dim3A_1091 = vector.broadcast %jit3A_1089 : f32 to vector<128x16xf32>
      %select_n3A_1092 = arith.select %eq3A_1087, %broadcast_in_dim3A_1090, %broadcast_in_dim3A_1091 : vector<128x16xi1>, vector<128x16xf32>
      %iota3A_1093 = tpu.iota {dimensions = array<i32: 0>} : vector<16x128xi32>
      %iota3A_1094 = tpu.iota {dimensions = array<i32: 1>} : vector<16x128xi32>
      %jit3A_1095 = arith.constant 16 : i32
      %eq3A_1096 = arith.constant 0 : i32
      %eq3A_1097 = arith.cmpi eq, %jit3A_1095, %eq3A_1096 : i32
      %jit3A_1098 = arith.constant 1 : i32
      %select_n3A_1099 = arith.select %eq3A_1097, %jit3A_1098, %jit3A_1095 : i32
      %rem3A_1100 = vector.broadcast %select_n3A_1099 : i32 to vector<16x128xi32>
      %rem3A_1101 = arith.remsi %iota3A_1094, %rem3A_1100 : vector<16x128xi32>
      %ne3A_1102 = arith.constant 0 : i32
      %ne3A_1103 = vector.broadcast %ne3A_1102 : i32 to vector<16x128xi32>
      %ne3A_1104 = arith.cmpi ne, %rem3A_1101, %ne3A_1103 : vector<16x128xi32>
      %lt3A_1105 = arith.constant 0 : i32
      %lt3A_1106 = vector.broadcast %lt3A_1105 : i32 to vector<16x128xi32>
      %lt3A_1107 = arith.cmpi slt, %rem3A_1101, %lt3A_1106 : vector<16x128xi32>
      %lt3A_1108 = arith.constant 0 : i32
      %lt3A_1109 = arith.cmpi slt, %select_n3A_1099, %lt3A_1108 : i32
      %ne3A_1110 = vector.broadcast %lt3A_1109 : i1 to vector<16x128xi1>
      %ne3A_1111 = vector.broadcast %ne3A_1110 : vector<16x128xi1> to vector<16x128xi1>
      %ne3A_1112 = arith.xori %lt3A_1107, %ne3A_1111 : vector<16x128xi1>
      %and3A_1113 = arith.andi %ne3A_1112, %ne3A_1104 : vector<16x128xi1>
      %add3A_1114 = vector.broadcast %select_n3A_1099 : i32 to vector<16x128xi32>
      %add3A_1115 = arith.addi %rem3A_1101, %add3A_1114 : vector<16x128xi32>
      %select_n3A_1116 = arith.select %and3A_1113, %add3A_1115, %rem3A_1101 : vector<16x128xi1>, vector<16x128xi32>
      %eq3A_1117 = arith.cmpi eq, %select_n3A_1116, %iota3A_1093 : vector<16x128xi32>
      %jit3A_1118 = arith.constant 1.000000e+00 : f32
      %jit3A_1119 = arith.constant 0.000000e+00 : f32
      %broadcast_in_dim3A_1120 = vector.broadcast %jit3A_1118 : f32 to vector<16x128xf32>
      %broadcast_in_dim3A_1121 = vector.broadcast %jit3A_1119 : f32 to vector<16x128xf32>
      %select_n3A_1122 = arith.select %eq3A_1117, %broadcast_in_dim3A_1120, %broadcast_in_dim3A_1121 : vector<16x128xi1>, vector<16x128xf32>
      %iota3A_1123 = tpu.iota {dimensions = array<i32: 0>} : vector<128x128xi32>
      %jit3A_1124 = arith.constant 16 : i32
      %div3A_1125 = vector.broadcast %jit3A_1124 : i32 to vector<128x128xi32>
      %div3A_1126 = arith.divsi %iota3A_1123, %div3A_1125 : vector<128x128xi32>
      %sign3A_1127 = arith.constant 0 : i32
      %sign3A_1128 = vector.broadcast %sign3A_1127 : i32 to vector<128x128xi32>
      %sign3A_1129 = arith.cmpi sgt, %iota3A_1123, %sign3A_1128 : vector<128x128xi32>
      %sign3A_1130 = arith.extui %sign3A_1129 : vector<128x128xi1> to vector<128x128xi32>
      %sign3A_1131 = arith.constant 0 : i32
      %sign3A_1132 = vector.broadcast %sign3A_1131 : i32 to vector<128x128xi32>
      %sign3A_1133 = arith.cmpi slt, %iota3A_1123, %sign3A_1132 : vector<128x128xi32>
      %sign3A_1134 = arith.extui %sign3A_1133 : vector<128x128xi1> to vector<128x128xi32>
      %sign3A_1135 = arith.subi %sign3A_1130, %sign3A_1134 : vector<128x128xi32>
      %sign3A_1136 = arith.constant 0 : i32
      %sign3A_1137 = arith.cmpi sgt, %jit3A_1124, %sign3A_1136 : i32
      %sign3A_1138 = arith.extui %sign3A_1137 : i1 to i32
      %sign3A_1139 = arith.constant 0 : i32
      %sign3A_1140 = arith.cmpi slt, %jit3A_1124, %sign3A_1139 : i32
      %sign3A_1141 = arith.extui %sign3A_1140 : i1 to i32
      %sign3A_1142 = arith.subi %sign3A_1138, %sign3A_1141 : i32
      %ne3A_1143 = vector.broadcast %sign3A_1142 : i32 to vector<128x128xi32>
      %ne3A_1144 = arith.cmpi ne, %sign3A_1135, %ne3A_1143 : vector<128x128xi32>
      %rem3A_1145 = vector.broadcast %jit3A_1124 : i32 to vector<128x128xi32>
      %rem3A_1146 = arith.remsi %iota3A_1123, %rem3A_1145 : vector<128x128xi32>
      %ne3A_1147 = arith.constant 0 : i32
      %ne3A_1148 = vector.broadcast %ne3A_1147 : i32 to vector<128x128xi32>
      %ne3A_1149 = arith.cmpi ne, %rem3A_1146, %ne3A_1148 : vector<128x128xi32>
      %and3A_1150 = arith.andi %ne3A_1144, %ne3A_1149 : vector<128x128xi1>
      %sub3A_1151 = arith.constant 1 : i32
      %sub3A_1152 = vector.broadcast %sub3A_1151 : i32 to vector<128x128xi32>
      %sub3A_1153 = arith.subi %div3A_1126, %sub3A_1152 : vector<128x128xi32>
      %select_n3A_1154 = arith.select %and3A_1150, %sub3A_1153, %div3A_1126 : vector<128x128xi1>, vector<128x128xi32>
      %iota3A_1155 = tpu.iota {dimensions = array<i32: 1>} : vector<128x128xi32>
      %jit3A_1156 = arith.constant 16 : i32
      %div3A_1157 = vector.broadcast %jit3A_1156 : i32 to vector<128x128xi32>
      %div3A_1158 = arith.divsi %iota3A_1155, %div3A_1157 : vector<128x128xi32>
      %sign3A_1159 = arith.constant 0 : i32
      %sign3A_1160 = vector.broadcast %sign3A_1159 : i32 to vector<128x128xi32>
      %sign3A_1161 = arith.cmpi sgt, %iota3A_1155, %sign3A_1160 : vector<128x128xi32>
      %sign3A_1162 = arith.extui %sign3A_1161 : vector<128x128xi1> to vector<128x128xi32>
      %sign3A_1163 = arith.constant 0 : i32
      %sign3A_1164 = vector.broadcast %sign3A_1163 : i32 to vector<128x128xi32>
      %sign3A_1165 = arith.cmpi slt, %iota3A_1155, %sign3A_1164 : vector<128x128xi32>
      %sign3A_1166 = arith.extui %sign3A_1165 : vector<128x128xi1> to vector<128x128xi32>
      %sign3A_1167 = arith.subi %sign3A_1162, %sign3A_1166 : vector<128x128xi32>
      %sign3A_1168 = arith.constant 0 : i32
      %sign3A_1169 = arith.cmpi sgt, %jit3A_1156, %sign3A_1168 : i32
      %sign3A_1170 = arith.extui %sign3A_1169 : i1 to i32
      %sign3A_1171 = arith.constant 0 : i32
      %sign3A_1172 = arith.cmpi slt, %jit3A_1156, %sign3A_1171 : i32
      %sign3A_1173 = arith.extui %sign3A_1172 : i1 to i32
      %sign3A_1174 = arith.subi %sign3A_1170, %sign3A_1173 : i32
      %ne3A_1175 = vector.broadcast %sign3A_1174 : i32 to vector<128x128xi32>
      %ne3A_1176 = arith.cmpi ne, %sign3A_1167, %ne3A_1175 : vector<128x128xi32>
      %rem3A_1177 = vector.broadcast %jit3A_1156 : i32 to vector<128x128xi32>
      %rem3A_1178 = arith.remsi %iota3A_1155, %rem3A_1177 : vector<128x128xi32>
      %ne3A_1179 = arith.constant 0 : i32
      %ne3A_1180 = vector.broadcast %ne3A_1179 : i32 to vector<128x128xi32>
      %ne3A_1181 = arith.cmpi ne, %rem3A_1178, %ne3A_1180 : vector<128x128xi32>
      %and3A_1182 = arith.andi %ne3A_1176, %ne3A_1181 : vector<128x128xi1>
      %sub3A_1183 = arith.constant 1 : i32
      %sub3A_1184 = vector.broadcast %sub3A_1183 : i32 to vector<128x128xi32>
      %sub3A_1185 = arith.subi %div3A_1158, %sub3A_1184 : vector<128x128xi32>
      %select_n3A_1186 = arith.select %and3A_1182, %sub3A_1185, %div3A_1158 : vector<128x128xi1>, vector<128x128xi32>
      %eq3A_1187 = arith.cmpi eq, %select_n3A_1154, %select_n3A_1186 : vector<128x128xi32>
      %jit3A_1188 = arith.constant 1.000000e+00 : f32
      %jit3A_1189 = arith.constant 0.000000e+00 : f32
      %broadcast_in_dim3A_1190 = vector.broadcast %jit3A_1188 : f32 to vector<128x128xf32>
      %broadcast_in_dim3A_1191 = vector.broadcast %jit3A_1189 : f32 to vector<128x128xf32>
      %select_n3A_1192 = arith.select %eq3A_1187, %broadcast_in_dim3A_1190, %broadcast_in_dim3A_1191 : vector<128x128xi1>, vector<128x128xf32>
      %dot_general3A_1193 = arith.constant dense<0.000000e+00> : vector<128x16xf32>
      %dot_general3A_1194 = tpu.matmul %select_n3A_1092, %get3A_1062, %dot_general3A_1193 {dimension_numbers = #tpu.dot_dimension_numbers<[1], [0], [0], [1], [0, 0, 1, 1], [], []>, transpose_lhs_hint = false} : vector<128x16xf32>, vector<16x16xf32>, vector<128x16xf32> -> vector<128x16xf32>
      %dot_general3A_1195 = arith.constant dense<0.000000e+00> : vector<128x128xf32>
      %dot_general3A_1196 = tpu.matmul %dot_general3A_1194, %select_n3A_1122, %dot_general3A_1195 {dimension_numbers = #tpu.dot_dimension_numbers<[1], [0], [0], [1], [0, 0, 1, 1], [], []>, transpose_lhs_hint = false} : vector<128x16xf32>, vector<16x128xf32>, vector<128x128xf32> -> vector<128x128xf32>
      %mul3A_1197 = arith.mulf %dot_general3A_1196, %select_n3A_1192 : vector<128x128xf32>
      %swap3A_1198 = arith.constant 4 : index
      %swap3A_1199 = arith.constant 0 : index
      %swap3A_1200 = arith.constant 0 : index
      %swap3A_1201 = vector.load %arg19[%swap3A_1198, %swap3A_1199, %swap3A_1200] : memref<7x128x128xf32, #tpu.memory_space<vmem>>, vector<1x128x128xf32>
      %swap3A_1202 = vector.shape_cast %swap3A_1201 : vector<1x128x128xf32> to vector<128x128xf32>
      %swap3A_1203 = vector.shape_cast %mul3A_1197 : vector<128x128xf32> to vector<1x128x128xf32>
      tpu.vector_store %arg19[%swap3A_1198, %swap3A_1199, %swap3A_1200], %swap3A_1203 {strides = array<i32>} : memref<7x128x128xf32, #tpu.memory_space<vmem>>, vector<1x128x128xf32>,
      %get3A_1204 = arith.constant 0 : index
      %get3A_1205 = arith.constant 0 : index
      %get3A_1206 = vector.load %arg10[%get3A_1204, %get3A_1205] : memref<16x16xf32, #tpu.memory_space<vmem>>, vector<16x16xf32>
      %iota3A_1207 = tpu.iota {dimensions = array<i32: 0>} : vector<128x16xi32>
      %iota3A_1208 = tpu.iota {dimensions = array<i32: 1>} : vector<128x16xi32>
      %jit3A_1209 = arith.constant 16 : i32
      %eq3A_1210 = arith.constant 0 : i32
      %eq3A_1211 = arith.cmpi eq, %jit3A_1209, %eq3A_1210 : i32
      %jit3A_1212 = arith.constant 1 : i32
      %select_n3A_1213 = arith.select %eq3A_1211, %jit3A_1212, %jit3A_1209 : i32
      %rem3A_1214 = vector.broadcast %select_n3A_1213 : i32 to vector<128x16xi32>
      %rem3A_1215 = arith.remsi %iota3A_1207, %rem3A_1214 : vector<128x16xi32>
      %ne3A_1216 = arith.constant 0 : i32
      %ne3A_1217 = vector.broadcast %ne3A_1216 : i32 to vector<128x16xi32>
      %ne3A_1218 = arith.cmpi ne, %rem3A_1215, %ne3A_1217 : vector<128x16xi32>
      %lt3A_1219 = arith.constant 0 : i32
      %lt3A_1220 = vector.broadcast %lt3A_1219 : i32 to vector<128x16xi32>
      %lt3A_1221 = arith.cmpi slt, %rem3A_1215, %lt3A_1220 : vector<128x16xi32>
      %lt3A_1222 = arith.constant 0 : i32
      %lt3A_1223 = arith.cmpi slt, %select_n3A_1213, %lt3A_1222 : i32
      %ne3A_1224 = vector.broadcast %lt3A_1223 : i1 to vector<128x16xi1>
      %ne3A_1225 = vector.broadcast %ne3A_1224 : vector<128x16xi1> to vector<128x16xi1>
      %ne3A_1226 = arith.xori %lt3A_1221, %ne3A_1225 : vector<128x16xi1>
      %and3A_1227 = arith.andi %ne3A_1226, %ne3A_1218 : vector<128x16xi1>
      %add3A_1228 = vector.broadcast %select_n3A_1213 : i32 to vector<128x16xi32>
      %add3A_1229 = arith.addi %rem3A_1215, %add3A_1228 : vector<128x16xi32>
      %select_n3A_1230 = arith.select %and3A_1227, %add3A_1229, %rem3A_1215 : vector<128x16xi1>, vector<128x16xi32>
      %eq3A_1231 = arith.cmpi eq, %select_n3A_1230, %iota3A_1208 : vector<128x16xi32>
      %jit3A_1232 = arith.constant 1.000000e+00 : f32
      %jit3A_1233 = arith.constant 0.000000e+00 : f32
      %broadcast_in_dim3A_1234 = vector.broadcast %jit3A_1232 : f32 to vector<128x16xf32>
      %broadcast_in_dim3A_1235 = vector.broadcast %jit3A_1233 : f32 to vector<128x16xf32>
      %select_n3A_1236 = arith.select %eq3A_1231, %broadcast_in_dim3A_1234, %broadcast_in_dim3A_1235 : vector<128x16xi1>, vector<128x16xf32>
      %iota3A_1237 = tpu.iota {dimensions = array<i32: 0>} : vector<16x128xi32>
      %iota3A_1238 = tpu.iota {dimensions = array<i32: 1>} : vector<16x128xi32>
      %jit3A_1239 = arith.constant 16 : i32
      %eq3A_1240 = arith.constant 0 : i32
      %eq3A_1241 = arith.cmpi eq, %jit3A_1239, %eq3A_1240 : i32
      %jit3A_1242 = arith.constant 1 : i32
      %select_n3A_1243 = arith.select %eq3A_1241, %jit3A_1242, %jit3A_1239 : i32
      %rem3A_1244 = vector.broadcast %select_n3A_1243 : i32 to vector<16x128xi32>
      %rem3A_1245 = arith.remsi %iota3A_1238, %rem3A_1244 : vector<16x128xi32>
      %ne3A_1246 = arith.constant 0 : i32
      %ne3A_1247 = vector.broadcast %ne3A_1246 : i32 to vector<16x128xi32>
      %ne3A_1248 = arith.cmpi ne, %rem3A_1245, %ne3A_1247 : vector<16x128xi32>
      %lt3A_1249 = arith.constant 0 : i32
      %lt3A_1250 = vector.broadcast %lt3A_1249 : i32 to vector<16x128xi32>
      %lt3A_1251 = arith.cmpi slt, %rem3A_1245, %lt3A_1250 : vector<16x128xi32>
      %lt3A_1252 = arith.constant 0 : i32
      %lt3A_1253 = arith.cmpi slt, %select_n3A_1243, %lt3A_1252 : i32
      %ne3A_1254 = vector.broadcast %lt3A_1253 : i1 to vector<16x128xi1>
      %ne3A_1255 = vector.broadcast %ne3A_1254 : vector<16x128xi1> to vector<16x128xi1>
      %ne3A_1256 = arith.xori %lt3A_1251, %ne3A_1255 : vector<16x128xi1>
      %and3A_1257 = arith.andi %ne3A_1256, %ne3A_1248 : vector<16x128xi1>
      %add3A_1258 = vector.broadcast %select_n3A_1243 : i32 to vector<16x128xi32>
      %add3A_1259 = arith.addi %rem3A_1245, %add3A_1258 : vector<16x128xi32>
      %select_n3A_1260 = arith.select %and3A_1257, %add3A_1259, %rem3A_1245 : vector<16x128xi1>, vector<16x128xi32>
      %eq3A_1261 = arith.cmpi eq, %select_n3A_1260, %iota3A_1237 : vector<16x128xi32>
      %jit3A_1262 = arith.constant 1.000000e+00 : f32
      %jit3A_1263 = arith.constant 0.000000e+00 : f32
      %broadcast_in_dim3A_1264 = vector.broadcast %jit3A_1262 : f32 to vector<16x128xf32>
      %broadcast_in_dim3A_1265 = vector.broadcast %jit3A_1263 : f32 to vector<16x128xf32>
      %select_n3A_1266 = arith.select %eq3A_1261, %broadcast_in_dim3A_1264, %broadcast_in_dim3A_1265 : vector<16x128xi1>, vector<16x128xf32>
      %iota3A_1267 = tpu.iota {dimensions = array<i32: 0>} : vector<128x128xi32>
      %jit3A_1268 = arith.constant 16 : i32
      %div3A_1269 = vector.broadcast %jit3A_1268 : i32 to vector<128x128xi32>
      %div3A_1270 = arith.divsi %iota3A_1267, %div3A_1269 : vector<128x128xi32>
      %sign3A_1271 = arith.constant 0 : i32
      %sign3A_1272 = vector.broadcast %sign3A_1271 : i32 to vector<128x128xi32>
      %sign3A_1273 = arith.cmpi sgt, %iota3A_1267, %sign3A_1272 : vector<128x128xi32>
      %sign3A_1274 = arith.extui %sign3A_1273 : vector<128x128xi1> to vector<128x128xi32>
      %sign3A_1275 = arith.constant 0 : i32
      %sign3A_1276 = vector.broadcast %sign3A_1275 : i32 to vector<128x128xi32>
      %sign3A_1277 = arith.cmpi slt, %iota3A_1267, %sign3A_1276 : vector<128x128xi32>
      %sign3A_1278 = arith.extui %sign3A_1277 : vector<128x128xi1> to vector<128x128xi32>
      %sign3A_1279 = arith.subi %sign3A_1274, %sign3A_1278 : vector<128x128xi32>
      %sign3A_1280 = arith.constant 0 : i32
      %sign3A_1281 = arith.cmpi sgt, %jit3A_1268, %sign3A_1280 : i32
      %sign3A_1282 = arith.extui %sign3A_1281 : i1 to i32
      %sign3A_1283 = arith.constant 0 : i32
      %sign3A_1284 = arith.cmpi slt, %jit3A_1268, %sign3A_1283 : i32
      %sign3A_1285 = arith.extui %sign3A_1284 : i1 to i32
      %sign3A_1286 = arith.subi %sign3A_1282, %sign3A_1285 : i32
      %ne3A_1287 = vector.broadcast %sign3A_1286 : i32 to vector<128x128xi32>
      %ne3A_1288 = arith.cmpi ne, %sign3A_1279, %ne3A_1287 : vector<128x128xi32>
      %rem3A_1289 = vector.broadcast %jit3A_1268 : i32 to vector<128x128xi32>
      %rem3A_1290 = arith.remsi %iota3A_1267, %rem3A_1289 : vector<128x128xi32>
      %ne3A_1291 = arith.constant 0 : i32
      %ne3A_1292 = vector.broadcast %ne3A_1291 : i32 to vector<128x128xi32>
      %ne3A_1293 = arith.cmpi ne, %rem3A_1290, %ne3A_1292 : vector<128x128xi32>
      %and3A_1294 = arith.andi %ne3A_1288, %ne3A_1293 : vector<128x128xi1>
      %sub3A_1295 = arith.constant 1 : i32
      %sub3A_1296 = vector.broadcast %sub3A_1295 : i32 to vector<128x128xi32>
      %sub3A_1297 = arith.subi %div3A_1270, %sub3A_1296 : vector<128x128xi32>
      %select_n3A_1298 = arith.select %and3A_1294, %sub3A_1297, %div3A_1270 : vector<128x128xi1>, vector<128x128xi32>
      %iota3A_1299 = tpu.iota {dimensions = array<i32: 1>} : vector<128x128xi32>
      %jit3A_1300 = arith.constant 16 : i32
      %div3A_1301 = vector.broadcast %jit3A_1300 : i32 to vector<128x128xi32>
      %div3A_1302 = arith.divsi %iota3A_1299, %div3A_1301 : vector<128x128xi32>
      %sign3A_1303 = arith.constant 0 : i32
      %sign3A_1304 = vector.broadcast %sign3A_1303 : i32 to vector<128x128xi32>
      %sign3A_1305 = arith.cmpi sgt, %iota3A_1299, %sign3A_1304 : vector<128x128xi32>
      %sign3A_1306 = arith.extui %sign3A_1305 : vector<128x128xi1> to vector<128x128xi32>
      %sign3A_1307 = arith.constant 0 : i32
      %sign3A_1308 = vector.broadcast %sign3A_1307 : i32 to vector<128x128xi32>
      %sign3A_1309 = arith.cmpi slt, %iota3A_1299, %sign3A_1308 : vector<128x128xi32>
      %sign3A_1310 = arith.extui %sign3A_1309 : vector<128x128xi1> to vector<128x128xi32>
      %sign3A_1311 = arith.subi %sign3A_1306, %sign3A_1310 : vector<128x128xi32>
      %sign3A_1312 = arith.constant 0 : i32
      %sign3A_1313 = arith.cmpi sgt, %jit3A_1300, %sign3A_1312 : i32
      %sign3A_1314 = arith.extui %sign3A_1313 : i1 to i32
      %sign3A_1315 = arith.constant 0 : i32
      %sign3A_1316 = arith.cmpi slt, %jit3A_1300, %sign3A_1315 : i32
      %sign3A_1317 = arith.extui %sign3A_1316 : i1 to i32
      %sign3A_1318 = arith.subi %sign3A_1314, %sign3A_1317 : i32
      %ne3A_1319 = vector.broadcast %sign3A_1318 : i32 to vector<128x128xi32>
      %ne3A_1320 = arith.cmpi ne, %sign3A_1311, %ne3A_1319 : vector<128x128xi32>
      %rem3A_1321 = vector.broadcast %jit3A_1300 : i32 to vector<128x128xi32>
      %rem3A_1322 = arith.remsi %iota3A_1299, %rem3A_1321 : vector<128x128xi32>
      %ne3A_1323 = arith.constant 0 : i32
      %ne3A_1324 = vector.broadcast %ne3A_1323 : i32 to vector<128x128xi32>
      %ne3A_1325 = arith.cmpi ne, %rem3A_1322, %ne3A_1324 : vector<128x128xi32>
      %and3A_1326 = arith.andi %ne3A_1320, %ne3A_1325 : vector<128x128xi1>
      %sub3A_1327 = arith.constant 1 : i32
      %sub3A_1328 = vector.broadcast %sub3A_1327 : i32 to vector<128x128xi32>
      %sub3A_1329 = arith.subi %div3A_1302, %sub3A_1328 : vector<128x128xi32>
      %select_n3A_1330 = arith.select %and3A_1326, %sub3A_1329, %div3A_1302 : vector<128x128xi1>, vector<128x128xi32>
      %eq3A_1331 = arith.cmpi eq, %select_n3A_1298, %select_n3A_1330 : vector<128x128xi32>
      %jit3A_1332 = arith.constant 1.000000e+00 : f32
      %jit3A_1333 = arith.constant 0.000000e+00 : f32
      %broadcast_in_dim3A_1334 = vector.broadcast %jit3A_1332 : f32 to vector<128x128xf32>
      %broadcast_in_dim3A_1335 = vector.broadcast %jit3A_1333 : f32 to vector<128x128xf32>
      %select_n3A_1336 = arith.select %eq3A_1331, %broadcast_in_dim3A_1334, %broadcast_in_dim3A_1335 : vector<128x128xi1>, vector<128x128xf32>
      %dot_general3A_1337 = arith.constant dense<0.000000e+00> : vector<128x16xf32>
      %dot_general3A_1338 = tpu.matmul %select_n3A_1236, %get3A_1206, %dot_general3A_1337 {dimension_numbers = #tpu.dot_dimension_numbers<[1], [0], [0], [1], [0, 0, 1, 1], [], []>, transpose_lhs_hint = false} : vector<128x16xf32>, vector<16x16xf32>, vector<128x16xf32> -> vector<128x16xf32>
      %dot_general3A_1339 = arith.constant dense<0.000000e+00> : vector<128x128xf32>
      %dot_general3A_1340 = tpu.matmul %dot_general3A_1338, %select_n3A_1266, %dot_general3A_1339 {dimension_numbers = #tpu.dot_dimension_numbers<[1], [0], [0], [1], [0, 0, 1, 1], [], []>, transpose_lhs_hint = false} : vector<128x16xf32>, vector<16x128xf32>, vector<128x128xf32> -> vector<128x128xf32>
      %mul3A_1341 = arith.mulf %dot_general3A_1340, %select_n3A_1336 : vector<128x128xf32>
      %swap3A_1342 = arith.constant 5 : index
      %swap3A_1343 = arith.constant 0 : index
      %swap3A_1344 = arith.constant 0 : index
      %swap3A_1345 = vector.load %arg19[%swap3A_1342, %swap3A_1343, %swap3A_1344] : memref<7x128x128xf32, #tpu.memory_space<vmem>>, vector<1x128x128xf32>
      %swap3A_1346 = vector.shape_cast %swap3A_1345 : vector<1x128x128xf32> to vector<128x128xf32>
      %swap3A_1347 = vector.shape_cast %mul3A_1341 : vector<128x128xf32> to vector<1x128x128xf32>
      tpu.vector_store %arg19[%swap3A_1342, %swap3A_1343, %swap3A_1344], %swap3A_1347 {strides = array<i32>} : memref<7x128x128xf32, #tpu.memory_space<vmem>>, vector<1x128x128xf32>,
      %get3A_1348 = arith.constant 0 : index
      %get3A_1349 = arith.constant 0 : index
      %get3A_1350 = vector.load %arg11[%get3A_1348, %get3A_1349] : memref<16x16xf32, #tpu.memory_space<vmem>>, vector<16x16xf32>
      %iota3A_1351 = tpu.iota {dimensions = array<i32: 0>} : vector<128x16xi32>
      %iota3A_1352 = tpu.iota {dimensions = array<i32: 1>} : vector<128x16xi32>
      %jit3A_1353 = arith.constant 16 : i32
      %eq3A_1354 = arith.constant 0 : i32
      %eq3A_1355 = arith.cmpi eq, %jit3A_1353, %eq3A_1354 : i32
      %jit3A_1356 = arith.constant 1 : i32
      %select_n3A_1357 = arith.select %eq3A_1355, %jit3A_1356, %jit3A_1353 : i32
      %rem3A_1358 = vector.broadcast %select_n3A_1357 : i32 to vector<128x16xi32>
      %rem3A_1359 = arith.remsi %iota3A_1351, %rem3A_1358 : vector<128x16xi32>
      %ne3A_1360 = arith.constant 0 : i32
      %ne3A_1361 = vector.broadcast %ne3A_1360 : i32 to vector<128x16xi32>
      %ne3A_1362 = arith.cmpi ne, %rem3A_1359, %ne3A_1361 : vector<128x16xi32>
      %lt3A_1363 = arith.constant 0 : i32
      %lt3A_1364 = vector.broadcast %lt3A_1363 : i32 to vector<128x16xi32>
      %lt3A_1365 = arith.cmpi slt, %rem3A_1359, %lt3A_1364 : vector<128x16xi32>
      %lt3A_1366 = arith.constant 0 : i32
      %lt3A_1367 = arith.cmpi slt, %select_n3A_1357, %lt3A_1366 : i32
      %ne3A_1368 = vector.broadcast %lt3A_1367 : i1 to vector<128x16xi1>
      %ne3A_1369 = vector.broadcast %ne3A_1368 : vector<128x16xi1> to vector<128x16xi1>
      %ne3A_1370 = arith.xori %lt3A_1365, %ne3A_1369 : vector<128x16xi1>
      %and3A_1371 = arith.andi %ne3A_1370, %ne3A_1362 : vector<128x16xi1>
      %add3A_1372 = vector.broadcast %select_n3A_1357 : i32 to vector<128x16xi32>
      %add3A_1373 = arith.addi %rem3A_1359, %add3A_1372 : vector<128x16xi32>
      %select_n3A_1374 = arith.select %and3A_1371, %add3A_1373, %rem3A_1359 : vector<128x16xi1>, vector<128x16xi32>
      %eq3A_1375 = arith.cmpi eq, %select_n3A_1374, %iota3A_1352 : vector<128x16xi32>
      %jit3A_1376 = arith.constant 1.000000e+00 : f32
      %jit3A_1377 = arith.constant 0.000000e+00 : f32
      %broadcast_in_dim3A_1378 = vector.broadcast %jit3A_1376 : f32 to vector<128x16xf32>
      %broadcast_in_dim3A_1379 = vector.broadcast %jit3A_1377 : f32 to vector<128x16xf32>
      %select_n3A_1380 = arith.select %eq3A_1375, %broadcast_in_dim3A_1378, %broadcast_in_dim3A_1379 : vector<128x16xi1>, vector<128x16xf32>
      %iota3A_1381 = tpu.iota {dimensions = array<i32: 0>} : vector<16x128xi32>
      %iota3A_1382 = tpu.iota {dimensions = array<i32: 1>} : vector<16x128xi32>
      %jit3A_1383 = arith.constant 16 : i32
      %eq3A_1384 = arith.constant 0 : i32
      %eq3A_1385 = arith.cmpi eq, %jit3A_1383, %eq3A_1384 : i32
      %jit3A_1386 = arith.constant 1 : i32
      %select_n3A_1387 = arith.select %eq3A_1385, %jit3A_1386, %jit3A_1383 : i32
      %rem3A_1388 = vector.broadcast %select_n3A_1387 : i32 to vector<16x128xi32>
      %rem3A_1389 = arith.remsi %iota3A_1382, %rem3A_1388 : vector<16x128xi32>
      %ne3A_1390 = arith.constant 0 : i32
      %ne3A_1391 = vector.broadcast %ne3A_1390 : i32 to vector<16x128xi32>
      %ne3A_1392 = arith.cmpi ne, %rem3A_1389, %ne3A_1391 : vector<16x128xi32>
      %lt3A_1393 = arith.constant 0 : i32
      %lt3A_1394 = vector.broadcast %lt3A_1393 : i32 to vector<16x128xi32>
      %lt3A_1395 = arith.cmpi slt, %rem3A_1389, %lt3A_1394 : vector<16x128xi32>
      %lt3A_1396 = arith.constant 0 : i32
      %lt3A_1397 = arith.cmpi slt, %select_n3A_1387, %lt3A_1396 : i32
      %ne3A_1398 = vector.broadcast %lt3A_1397 : i1 to vector<16x128xi1>
      %ne3A_1399 = vector.broadcast %ne3A_1398 : vector<16x128xi1> to vector<16x128xi1>
      %ne3A_1400 = arith.xori %lt3A_1395, %ne3A_1399 : vector<16x128xi1>
      %and3A_1401 = arith.andi %ne3A_1400, %ne3A_1392 : vector<16x128xi1>
      %add3A_1402 = vector.broadcast %select_n3A_1387 : i32 to vector<16x128xi32>
      %add3A_1403 = arith.addi %rem3A_1389, %add3A_1402 : vector<16x128xi32>
      %select_n3A_1404 = arith.select %and3A_1401, %add3A_1403, %rem3A_1389 : vector<16x128xi1>, vector<16x128xi32>
      %eq3A_1405 = arith.cmpi eq, %select_n3A_1404, %iota3A_1381 : vector<16x128xi32>
      %jit3A_1406 = arith.constant 1.000000e+00 : f32
      %jit3A_1407 = arith.constant 0.000000e+00 : f32
      %broadcast_in_dim3A_1408 = vector.broadcast %jit3A_1406 : f32 to vector<16x128xf32>
      %broadcast_in_dim3A_1409 = vector.broadcast %jit3A_1407 : f32 to vector<16x128xf32>
      %select_n3A_1410 = arith.select %eq3A_1405, %broadcast_in_dim3A_1408, %broadcast_in_dim3A_1409 : vector<16x128xi1>, vector<16x128xf32>
      %iota3A_1411 = tpu.iota {dimensions = array<i32: 0>} : vector<128x128xi32>
      %jit3A_1412 = arith.constant 16 : i32
      %div3A_1413 = vector.broadcast %jit3A_1412 : i32 to vector<128x128xi32>
      %div3A_1414 = arith.divsi %iota3A_1411, %div3A_1413 : vector<128x128xi32>
      %sign3A_1415 = arith.constant 0 : i32
      %sign3A_1416 = vector.broadcast %sign3A_1415 : i32 to vector<128x128xi32>
      %sign3A_1417 = arith.cmpi sgt, %iota3A_1411, %sign3A_1416 : vector<128x128xi32>
      %sign3A_1418 = arith.extui %sign3A_1417 : vector<128x128xi1> to vector<128x128xi32>
      %sign3A_1419 = arith.constant 0 : i32
      %sign3A_1420 = vector.broadcast %sign3A_1419 : i32 to vector<128x128xi32>
      %sign3A_1421 = arith.cmpi slt, %iota3A_1411, %sign3A_1420 : vector<128x128xi32>
      %sign3A_1422 = arith.extui %sign3A_1421 : vector<128x128xi1> to vector<128x128xi32>
      %sign3A_1423 = arith.subi %sign3A_1418, %sign3A_1422 : vector<128x128xi32>
      %sign3A_1424 = arith.constant 0 : i32
      %sign3A_1425 = arith.cmpi sgt, %jit3A_1412, %sign3A_1424 : i32
      %sign3A_1426 = arith.extui %sign3A_1425 : i1 to i32
      %sign3A_1427 = arith.constant 0 : i32
      %sign3A_1428 = arith.cmpi slt, %jit3A_1412, %sign3A_1427 : i32
      %sign3A_1429 = arith.extui %sign3A_1428 : i1 to i32
      %sign3A_1430 = arith.subi %sign3A_1426, %sign3A_1429 : i32
      %ne3A_1431 = vector.broadcast %sign3A_1430 : i32 to vector<128x128xi32>
      %ne3A_1432 = arith.cmpi ne, %sign3A_1423, %ne3A_1431 : vector<128x128xi32>
      %rem3A_1433 = vector.broadcast %jit3A_1412 : i32 to vector<128x128xi32>
      %rem3A_1434 = arith.remsi %iota3A_1411, %rem3A_1433 : vector<128x128xi32>
      %ne3A_1435 = arith.constant 0 : i32
      %ne3A_1436 = vector.broadcast %ne3A_1435 : i32 to vector<128x128xi32>
      %ne3A_1437 = arith.cmpi ne, %rem3A_1434, %ne3A_1436 : vector<128x128xi32>
      %and3A_1438 = arith.andi %ne3A_1432, %ne3A_1437 : vector<128x128xi1>
      %sub3A_1439 = arith.constant 1 : i32
      %sub3A_1440 = vector.broadcast %sub3A_1439 : i32 to vector<128x128xi32>
      %sub3A_1441 = arith.subi %div3A_1414, %sub3A_1440 : vector<128x128xi32>
      %select_n3A_1442 = arith.select %and3A_1438, %sub3A_1441, %div3A_1414 : vector<128x128xi1>, vector<128x128xi32>
      %iota3A_1443 = tpu.iota {dimensions = array<i32: 1>} : vector<128x128xi32>
      %jit3A_1444 = arith.constant 16 : i32
      %div3A_1445 = vector.broadcast %jit3A_1444 : i32 to vector<128x128xi32>
      %div3A_1446 = arith.divsi %iota3A_1443, %div3A_1445 : vector<128x128xi32>
      %sign3A_1447 = arith.constant 0 : i32
      %sign3A_1448 = vector.broadcast %sign3A_1447 : i32 to vector<128x128xi32>
      %sign3A_1449 = arith.cmpi sgt, %iota3A_1443, %sign3A_1448 : vector<128x128xi32>
      %sign3A_1450 = arith.extui %sign3A_1449 : vector<128x128xi1> to vector<128x128xi32>
      %sign3A_1451 = arith.constant 0 : i32
      %sign3A_1452 = vector.broadcast %sign3A_1451 : i32 to vector<128x128xi32>
      %sign3A_1453 = arith.cmpi slt, %iota3A_1443, %sign3A_1452 : vector<128x128xi32>
      %sign3A_1454 = arith.extui %sign3A_1453 : vector<128x128xi1> to vector<128x128xi32>
      %sign3A_1455 = arith.subi %sign3A_1450, %sign3A_1454 : vector<128x128xi32>
      %sign3A_1456 = arith.constant 0 : i32
      %sign3A_1457 = arith.cmpi sgt, %jit3A_1444, %sign3A_1456 : i32
      %sign3A_1458 = arith.extui %sign3A_1457 : i1 to i32
      %sign3A_1459 = arith.constant 0 : i32
      %sign3A_1460 = arith.cmpi slt, %jit3A_1444, %sign3A_1459 : i32
      %sign3A_1461 = arith.extui %sign3A_1460 : i1 to i32
      %sign3A_1462 = arith.subi %sign3A_1458, %sign3A_1461 : i32
      %ne3A_1463 = vector.broadcast %sign3A_1462 : i32 to vector<128x128xi32>
      %ne3A_1464 = arith.cmpi ne, %sign3A_1455, %ne3A_1463 : vector<128x128xi32>
      %rem3A_1465 = vector.broadcast %jit3A_1444 : i32 to vector<128x128xi32>
      %rem3A_1466 = arith.remsi %iota3A_1443, %rem3A_1465 : vector<128x128xi32>
      %ne3A_1467 = arith.constant 0 : i32
      %ne3A_1468 = vector.broadcast %ne3A_1467 : i32 to vector<128x128xi32>
      %ne3A_1469 = arith.cmpi ne, %rem3A_1466, %ne3A_1468 : vector<128x128xi32>
      %and3A_1470 = arith.andi %ne3A_1464, %ne3A_1469 : vector<128x128xi1>
      %sub3A_1471 = arith.constant 1 : i32
      %sub3A_1472 = vector.broadcast %sub3A_1471 : i32 to vector<128x128xi32>
      %sub3A_1473 = arith.subi %div3A_1446, %sub3A_1472 : vector<128x128xi32>
      %select_n3A_1474 = arith.select %and3A_1470, %sub3A_1473, %div3A_1446 : vector<128x128xi1>, vector<128x128xi32>
      %eq3A_1475 = arith.cmpi eq, %select_n3A_1442, %select_n3A_1474 : vector<128x128xi32>
      %jit3A_1476 = arith.constant 1.000000e+00 : f32
      %jit3A_1477 = arith.constant 0.000000e+00 : f32
      %broadcast_in_dim3A_1478 = vector.broadcast %jit3A_1476 : f32 to vector<128x128xf32>
      %broadcast_in_dim3A_1479 = vector.broadcast %jit3A_1477 : f32 to vector<128x128xf32>
      %select_n3A_1480 = arith.select %eq3A_1475, %broadcast_in_dim3A_1478, %broadcast_in_dim3A_1479 : vector<128x128xi1>, vector<128x128xf32>
      %dot_general3A_1481 = arith.constant dense<0.000000e+00> : vector<128x16xf32>
      %dot_general3A_1482 = tpu.matmul %select_n3A_1380, %get3A_1350, %dot_general3A_1481 {dimension_numbers = #tpu.dot_dimension_numbers<[1], [0], [0], [1], [0, 0, 1, 1], [], []>, transpose_lhs_hint = false} : vector<128x16xf32>, vector<16x16xf32>, vector<128x16xf32> -> vector<128x16xf32>
      %dot_general3A_1483 = arith.constant dense<0.000000e+00> : vector<128x128xf32>
      %dot_general3A_1484 = tpu.matmul %dot_general3A_1482, %select_n3A_1410, %dot_general3A_1483 {dimension_numbers = #tpu.dot_dimension_numbers<[1], [0], [0], [1], [0, 0, 1, 1], [], []>, transpose_lhs_hint = false} : vector<128x16xf32>, vector<16x128xf32>, vector<128x128xf32> -> vector<128x128xf32>
      %mul3A_1485 = arith.mulf %dot_general3A_1484, %select_n3A_1480 : vector<128x128xf32>
      %swap3A_1486 = arith.constant 6 : index
      %swap3A_1487 = arith.constant 0 : index
      %swap3A_1488 = arith.constant 0 : index
      %swap3A_1489 = vector.load %arg19[%swap3A_1486, %swap3A_1487, %swap3A_1488] : memref<7x128x128xf32, #tpu.memory_space<vmem>>, vector<1x128x128xf32>
      %swap3A_1490 = vector.shape_cast %swap3A_1489 : vector<1x128x128xf32> to vector<128x128xf32>
      %swap3A_1491 = vector.shape_cast %mul3A_1485 : vector<128x128xf32> to vector<1x128x128xf32>
      tpu.vector_store %arg19[%swap3A_1486, %swap3A_1487, %swap3A_1488], %swap3A_1491 {strides = array<i32>} : memref<7x128x128xf32, #tpu.memory_space<vmem>>, vector<1x128x128xf32>,
    } else {
    }
    %get3A = arith.constant 0 : index
    %get3A_2 = arith.constant 0 : index
    %get3A_3 = arith.constant 0 : index
    %get3A_4 = vector.load %arg2[%get3A, %get3A_2, %get3A_3] : memref<2x1250x128xf32, #tpu.memory_space<vmem>>, vector<1x1250x128xf32>
    %get3A_5 = vector.shape_cast %get3A_4 : vector<1x1250x128xf32> to vector<1250x128xf32>
    %get3A_6 = arith.constant 1 : index
    %get3A_7 = arith.constant 0 : index
    %get3A_8 = arith.constant 0 : index
    %get3A_9 = vector.load %arg2[%get3A_6, %get3A_7, %get3A_8] : memref<2x1250x128xf32, #tpu.memory_space<vmem>>, vector<1x1250x128xf32>
    %get3A_10 = vector.shape_cast %get3A_9 : vector<1x1250x128xf32> to vector<1250x128xf32>
    %add3A = arith.addf %get3A_5, %get3A_10 : vector<1250x128xf32>
    %get3A_11 = arith.constant 0 : index
    %get3A_12 = arith.constant 0 : index
    %get3A_13 = arith.constant 0 : index
    %get3A_14 = vector.load %arg3[%get3A_11, %get3A_12, %get3A_13] : memref<1x1250x128xf32, #tpu.memory_space<vmem>>, vector<1x1250x128xf32>
    %get3A_15 = vector.shape_cast %get3A_14 : vector<1x1250x128xf32> to vector<1250x128xf32>
    %get3A_16 = arith.constant 0 : index
    %get3A_17 = arith.constant 0 : index
    %get3A_18 = arith.constant 0 : index
    %get3A_19 = vector.load %arg1[%get3A_16, %get3A_17, %get3A_18] : memref<4x1250x128xf32, #tpu.memory_space<vmem>>, vector<1x1250x128xf32>
    %get3A_20 = vector.shape_cast %get3A_19 : vector<1x1250x128xf32> to vector<1250x128xf32>
    %get3A_21 = arith.constant 0 : index
    %get3A_22 = arith.constant 0 : index
    %get3A_23 = arith.constant 0 : index
    %get3A_24 = vector.load %arg19[%get3A_21, %get3A_22, %get3A_23] : memref<7x128x128xf32, #tpu.memory_space<vmem>>, vector<1x128x128xf32>
    %get3A_25 = vector.shape_cast %get3A_24 : vector<1x128x128xf32> to vector<128x128xf32>
    %dot_general3A = arith.constant dense<0.000000e+00> : vector<1250x128xf32>
    %dot_general3A_26 = tpu.matmul %get3A_20, %get3A_25, %dot_general3A {dimension_numbers = #tpu.dot_dimension_numbers<[1], [0], [0], [1], [0, 0, 1, 1], [], []>, transpose_lhs_hint = false} : vector<1250x128xf32>, vector<128x128xf32>, vector<1250x128xf32> -> vector<1250x128xf32>
    %get3A_27 = arith.constant 0 : index
    %get3A_28 = arith.constant 0 : index
    %get3A_29 = vector.load %arg5[%get3A_27, %get3A_28] : memref<1x128xf32, #tpu.memory_space<vmem>>, vector<1x128xf32>
    %add3A_30 = vector.broadcast %get3A_29 : vector<1x128xf32> to vector<1250x128xf32>
    %add3A_31 = arith.addf %dot_general3A_26, %add3A_30 : vector<1250x128xf32>
    %add3A_32 = arith.addf %add3A_31, %add3A : vector<1250x128xf32>
    %max3A = arith.constant 0.000000e+00 : f32
    %max3A_33 = vector.broadcast %max3A : f32 to vector<1250x128xf32>
    %max3A_34 = arith.maximumf %add3A_32, %max3A_33 : vector<1250x128xf32>
    %get3A_35 = arith.constant 1 : index
    %get3A_36 = arith.constant 0 : index
    %get3A_37 = arith.constant 0 : index
    %get3A_38 = vector.load %arg19[%get3A_35, %get3A_36, %get3A_37] : memref<7x128x128xf32, #tpu.memory_space<vmem>>, vector<1x128x128xf32>
    %get3A_39 = vector.shape_cast %get3A_38 : vector<1x128x128xf32> to vector<128x128xf32>
    %dot_general3A_40 = arith.constant dense<0.000000e+00> : vector<1250x128xf32>
    %dot_general3A_41 = tpu.matmul %max3A_34, %get3A_39, %dot_general3A_40 {dimension_numbers = #tpu.dot_dimension_numbers<[1], [0], [0], [1], [0, 0, 1, 1], [], []>, transpose_lhs_hint = false} : vector<1250x128xf32>, vector<128x128xf32>, vector<1250x128xf32> -> vector<1250x128xf32>
    %get3A_42 = arith.constant 0 : index
    %get3A_43 = arith.constant 0 : index
    %get3A_44 = vector.load %arg12[%get3A_42, %get3A_43] : memref<1x128xf32, #tpu.memory_space<vmem>>, vector<1x128xf32>
    %add3A_45 = vector.broadcast %get3A_44 : vector<1x128xf32> to vector<1250x128xf32>
    %add3A_46 = arith.addf %dot_general3A_41, %add3A_45 : vector<1250x128xf32>
    %get3A_47 = arith.constant 4 : index
    %get3A_48 = arith.constant 0 : index
    %get3A_49 = arith.constant 0 : index
    %get3A_50 = vector.load %arg19[%get3A_47, %get3A_48, %get3A_49] : memref<7x128x128xf32, #tpu.memory_space<vmem>>, vector<1x128x128xf32>
    %get3A_51 = vector.shape_cast %get3A_50 : vector<1x128x128xf32> to vector<128x128xf32>
    %dot_general3A_52 = arith.constant dense<0.000000e+00> : vector<1250x128xf32>
    %dot_general3A_53 = tpu.matmul %get3A_15, %get3A_51, %dot_general3A_52 {dimension_numbers = #tpu.dot_dimension_numbers<[1], [0], [0], [1], [0, 0, 1, 1], [], []>, transpose_lhs_hint = false} : vector<1250x128xf32>, vector<128x128xf32>, vector<1250x128xf32> -> vector<1250x128xf32>
    %add3A_54 = arith.addf %add3A_46, %dot_general3A_53 : vector<1250x128xf32>
    %get3A_55 = arith.constant 0 : index
    %get3A_56 = arith.constant 0 : index
    %get3A_57 = vector.load %arg15[%get3A_55, %get3A_56] : memref<1x128xf32, #tpu.memory_space<vmem>>, vector<1x128xf32>
    %add3A_58 = vector.broadcast %get3A_57 : vector<1x128xf32> to vector<1250x128xf32>
    %add3A_59 = arith.addf %add3A_54, %add3A_58 : vector<1250x128xf32>
    %logistic3A = arith.negf %add3A_59 : vector<1250x128xf32>
    %logistic3A_60 = math.exp %logistic3A : vector<1250x128xf32>
    %logistic3A_61 = arith.constant 1.000000e+00 : f32
    %logistic3A_62 = vector.broadcast %logistic3A_61 : f32 to vector<1250x128xf32>
    %logistic3A_63 = arith.addf %logistic3A_62, %logistic3A_60 : vector<1250x128xf32>
    %logistic3A_64 = arith.divf %logistic3A_62, %logistic3A_63 : vector<1250x128xf32>
    %get3A_65 = arith.constant 2 : index
    %get3A_66 = arith.constant 0 : index
    %get3A_67 = arith.constant 0 : index
    %get3A_68 = vector.load %arg19[%get3A_65, %get3A_66, %get3A_67] : memref<7x128x128xf32, #tpu.memory_space<vmem>>, vector<1x128x128xf32>
    %get3A_69 = vector.shape_cast %get3A_68 : vector<1x128x128xf32> to vector<128x128xf32>
    %dot_general3A_70 = arith.constant dense<0.000000e+00> : vector<1250x128xf32>
    %dot_general3A_71 = tpu.matmul %max3A_34, %get3A_69, %dot_general3A_70 {dimension_numbers = #tpu.dot_dimension_numbers<[1], [0], [0], [1], [0, 0, 1, 1], [], []>, transpose_lhs_hint = false} : vector<1250x128xf32>, vector<128x128xf32>, vector<1250x128xf32> -> vector<1250x128xf32>
    %get3A_72 = arith.constant 0 : index
    %get3A_73 = arith.constant 0 : index
    %get3A_74 = vector.load %arg13[%get3A_72, %get3A_73] : memref<1x128xf32, #tpu.memory_space<vmem>>, vector<1x128xf32>
    %add3A_75 = vector.broadcast %get3A_74 : vector<1x128xf32> to vector<1250x128xf32>
    %add3A_76 = arith.addf %dot_general3A_71, %add3A_75 : vector<1250x128xf32>
    %get3A_77 = arith.constant 5 : index
    %get3A_78 = arith.constant 0 : index
    %get3A_79 = arith.constant 0 : index
    %get3A_80 = vector.load %arg19[%get3A_77, %get3A_78, %get3A_79] : memref<7x128x128xf32, #tpu.memory_space<vmem>>, vector<1x128x128xf32>
    %get3A_81 = vector.shape_cast %get3A_80 : vector<1x128x128xf32> to vector<128x128xf32>
    %dot_general3A_82 = arith.constant dense<0.000000e+00> : vector<1250x128xf32>
    %dot_general3A_83 = tpu.matmul %get3A_15, %get3A_81, %dot_general3A_82 {dimension_numbers = #tpu.dot_dimension_numbers<[1], [0], [0], [1], [0, 0, 1, 1], [], []>, transpose_lhs_hint = false} : vector<1250x128xf32>, vector<128x128xf32>, vector<1250x128xf32> -> vector<1250x128xf32>
    %add3A_84 = arith.addf %add3A_76, %dot_general3A_83 : vector<1250x128xf32>
    %get3A_85 = arith.constant 0 : index
    %get3A_86 = arith.constant 0 : index
    %get3A_87 = vector.load %arg16[%get3A_85, %get3A_86] : memref<1x128xf32, #tpu.memory_space<vmem>>, vector<1x128xf32>
    %add3A_88 = vector.broadcast %get3A_87 : vector<1x128xf32> to vector<1250x128xf32>
    %add3A_89 = arith.addf %add3A_84, %add3A_88 : vector<1250x128xf32>
    %logistic3A_90 = arith.negf %add3A_89 : vector<1250x128xf32>
    %logistic3A_91 = math.exp %logistic3A_90 : vector<1250x128xf32>
    %logistic3A_92 = arith.constant 1.000000e+00 : f32
    %logistic3A_93 = vector.broadcast %logistic3A_92 : f32 to vector<1250x128xf32>
    %logistic3A_94 = arith.addf %logistic3A_93, %logistic3A_91 : vector<1250x128xf32>
    %logistic3A_95 = arith.divf %logistic3A_93, %logistic3A_94 : vector<1250x128xf32>
    %get3A_96 = arith.constant 3 : index
    %get3A_97 = arith.constant 0 : index
    %get3A_98 = arith.constant 0 : index
    %get3A_99 = vector.load %arg19[%get3A_96, %get3A_97, %get3A_98] : memref<7x128x128xf32, #tpu.memory_space<vmem>>, vector<1x128x128xf32>
    %get3A_100 = vector.shape_cast %get3A_99 : vector<1x128x128xf32> to vector<128x128xf32>
    %dot_general3A_101 = arith.constant dense<0.000000e+00> : vector<1250x128xf32>
    %dot_general3A_102 = tpu.matmul %max3A_34, %get3A_100, %dot_general3A_101 {dimension_numbers = #tpu.dot_dimension_numbers<[1], [0], [0], [1], [0, 0, 1, 1], [], []>, transpose_lhs_hint = false} : vector<1250x128xf32>, vector<128x128xf32>, vector<1250x128xf32> -> vector<1250x128xf32>
    %get3A_103 = arith.constant 0 : index
    %get3A_104 = arith.constant 0 : index
    %get3A_105 = vector.load %arg14[%get3A_103, %get3A_104] : memref<1x128xf32, #tpu.memory_space<vmem>>, vector<1x128xf32>
    %add3A_106 = vector.broadcast %get3A_105 : vector<1x128xf32> to vector<1250x128xf32>
    %add3A_107 = arith.addf %dot_general3A_102, %add3A_106 : vector<1250x128xf32>
    %get3A_108 = arith.constant 6 : index
    %get3A_109 = arith.constant 0 : index
    %get3A_110 = arith.constant 0 : index
    %get3A_111 = vector.load %arg19[%get3A_108, %get3A_109, %get3A_110] : memref<7x128x128xf32, #tpu.memory_space<vmem>>, vector<1x128x128xf32>
    %get3A_112 = vector.shape_cast %get3A_111 : vector<1x128x128xf32> to vector<128x128xf32>
    %dot_general3A_113 = arith.constant dense<0.000000e+00> : vector<1250x128xf32>
    %dot_general3A_114 = tpu.matmul %get3A_15, %get3A_112, %dot_general3A_113 {dimension_numbers = #tpu.dot_dimension_numbers<[1], [0], [0], [1], [0, 0, 1, 1], [], []>, transpose_lhs_hint = false} : vector<1250x128xf32>, vector<128x128xf32>, vector<1250x128xf32> -> vector<1250x128xf32>
    %get3A_115 = arith.constant 0 : index
    %get3A_116 = arith.constant 0 : index
    %get3A_117 = vector.load %arg17[%get3A_115, %get3A_116] : memref<1x128xf32, #tpu.memory_space<vmem>>, vector<1x128xf32>
    %add3A_118 = vector.broadcast %get3A_117 : vector<1x128xf32> to vector<1250x128xf32>
    %add3A_119 = arith.addf %dot_general3A_114, %add3A_118 : vector<1250x128xf32>
    %mul3A = arith.mulf %logistic3A_64, %add3A_119 : vector<1250x128xf32>
    %add3A_120 = arith.addf %add3A_107, %mul3A : vector<1250x128xf32>
    %tanh3A = math.tanh %add3A_120 : vector<1250x128xf32>
    %sub3A = arith.constant 1.000000e+00 : f32
    %sub3A_121 = vector.broadcast %sub3A : f32 to vector<1250x128xf32>
    %sub3A_122 = arith.subf %sub3A_121, %logistic3A_95 : vector<1250x128xf32>
    %mul3A_123 = arith.mulf %sub3A_122, %tanh3A : vector<1250x128xf32>
    %mul3A_124 = arith.mulf %logistic3A_95, %get3A_15 : vector<1250x128xf32>
    %add3A_125 = arith.addf %mul3A_123, %mul3A_124 : vector<1250x128xf32>
    %swap3A = arith.constant 0 : index
    %swap3A_126 = arith.constant 0 : index
    %swap3A_127 = arith.constant 0 : index
    %swap3A_128 = vector.load %arg18[%swap3A, %swap3A_126, %swap3A_127] : memref<4x1250x128xf32, #tpu.memory_space<vmem>>, vector<1x1250x128xf32>
    %swap3A_129 = vector.shape_cast %swap3A_128 : vector<1x1250x128xf32> to vector<1250x128xf32>
    %swap3A_130 = vector.shape_cast %add3A_125 : vector<1250x128xf32> to vector<1x1250x128xf32>
    tpu.vector_store %arg18[%swap3A, %swap3A_126, %swap3A_127], %swap3A_130 {strides = array<i32>} : memref<4x1250x128xf32, #tpu.memory_space<vmem>>, vector<1x1250x128xf32>,
    %get3A_131 = arith.constant 1 : index
    %get3A_132 = arith.constant 0 : index
    %get3A_133 = arith.constant 0 : index
    %get3A_134 = vector.load %arg1[%get3A_131, %get3A_132, %get3A_133] : memref<4x1250x128xf32, #tpu.memory_space<vmem>>, vector<1x1250x128xf32>
    %get3A_135 = vector.shape_cast %get3A_134 : vector<1x1250x128xf32> to vector<1250x128xf32>
    %get3A_136 = arith.constant 0 : index
    %get3A_137 = arith.constant 0 : index
    %get3A_138 = arith.constant 0 : index
    %get3A_139 = vector.load %arg19[%get3A_136, %get3A_137, %get3A_138] : memref<7x128x128xf32, #tpu.memory_space<vmem>>, vector<1x128x128xf32>
    %get3A_140 = vector.shape_cast %get3A_139 : vector<1x128x128xf32> to vector<128x128xf32>
    %dot_general3A_141 = arith.constant dense<0.000000e+00> : vector<1250x128xf32>
    %dot_general3A_142 = tpu.matmul %get3A_135, %get3A_140, %dot_general3A_141 {dimension_numbers = #tpu.dot_dimension_numbers<[1], [0], [0], [1], [0, 0, 1, 1], [], []>, transpose_lhs_hint = false} : vector<1250x128xf32>, vector<128x128xf32>, vector<1250x128xf32> -> vector<1250x128xf32>
    %get3A_143 = arith.constant 0 : index
    %get3A_144 = arith.constant 0 : index
    %get3A_145 = vector.load %arg5[%get3A_143, %get3A_144] : memref<1x128xf32, #tpu.memory_space<vmem>>, vector<1x128xf32>
    %add3A_146 = vector.broadcast %get3A_145 : vector<1x128xf32> to vector<1250x128xf32>
    %add3A_147 = arith.addf %dot_general3A_142, %add3A_146 : vector<1250x128xf32>
    %max3A_148 = arith.constant 0.000000e+00 : f32
    %max3A_149 = vector.broadcast %max3A_148 : f32 to vector<1250x128xf32>
    %max3A_150 = arith.maximumf %add3A_147, %max3A_149 : vector<1250x128xf32>
    %get3A_151 = arith.constant 1 : index
    %get3A_152 = arith.constant 0 : index
    %get3A_153 = arith.constant 0 : index
    %get3A_154 = vector.load %arg19[%get3A_151, %get3A_152, %get3A_153] : memref<7x128x128xf32, #tpu.memory_space<vmem>>, vector<1x128x128xf32>
    %get3A_155 = vector.shape_cast %get3A_154 : vector<1x128x128xf32> to vector<128x128xf32>
    %dot_general3A_156 = arith.constant dense<0.000000e+00> : vector<1250x128xf32>
    %dot_general3A_157 = tpu.matmul %max3A_150, %get3A_155, %dot_general3A_156 {dimension_numbers = #tpu.dot_dimension_numbers<[1], [0], [0], [1], [0, 0, 1, 1], [], []>, transpose_lhs_hint = false} : vector<1250x128xf32>, vector<128x128xf32>, vector<1250x128xf32> -> vector<1250x128xf32>
    %get3A_158 = arith.constant 0 : index
    %get3A_159 = arith.constant 0 : index
    %get3A_160 = vector.load %arg12[%get3A_158, %get3A_159] : memref<1x128xf32, #tpu.memory_space<vmem>>, vector<1x128xf32>
    %add3A_161 = vector.broadcast %get3A_160 : vector<1x128xf32> to vector<1250x128xf32>
    %add3A_162 = arith.addf %dot_general3A_157, %add3A_161 : vector<1250x128xf32>
    %get3A_163 = arith.constant 4 : index
    %get3A_164 = arith.constant 0 : index
    %get3A_165 = arith.constant 0 : index
    %get3A_166 = vector.load %arg19[%get3A_163, %get3A_164, %get3A_165] : memref<7x128x128xf32, #tpu.memory_space<vmem>>, vector<1x128x128xf32>
    %get3A_167 = vector.shape_cast %get3A_166 : vector<1x128x128xf32> to vector<128x128xf32>
    %dot_general3A_168 = arith.constant dense<0.000000e+00> : vector<1250x128xf32>
    %dot_general3A_169 = tpu.matmul %add3A_125, %get3A_167, %dot_general3A_168 {dimension_numbers = #tpu.dot_dimension_numbers<[1], [0], [0], [1], [0, 0, 1, 1], [], []>, transpose_lhs_hint = false} : vector<1250x128xf32>, vector<128x128xf32>, vector<1250x128xf32> -> vector<1250x128xf32>
    %add3A_170 = arith.addf %add3A_162, %dot_general3A_169 : vector<1250x128xf32>
    %get3A_171 = arith.constant 0 : index
    %get3A_172 = arith.constant 0 : index
    %get3A_173 = vector.load %arg15[%get3A_171, %get3A_172] : memref<1x128xf32, #tpu.memory_space<vmem>>, vector<1x128xf32>
    %add3A_174 = vector.broadcast %get3A_173 : vector<1x128xf32> to vector<1250x128xf32>
    %add3A_175 = arith.addf %add3A_170, %add3A_174 : vector<1250x128xf32>
    %logistic3A_176 = arith.negf %add3A_175 : vector<1250x128xf32>
    %logistic3A_177 = math.exp %logistic3A_176 : vector<1250x128xf32>
    %logistic3A_178 = arith.constant 1.000000e+00 : f32
    %logistic3A_179 = vector.broadcast %logistic3A_178 : f32 to vector<1250x128xf32>
    %logistic3A_180 = arith.addf %logistic3A_179, %logistic3A_177 : vector<1250x128xf32>
    %logistic3A_181 = arith.divf %logistic3A_179, %logistic3A_180 : vector<1250x128xf32>
    %get3A_182 = arith.constant 2 : index
    %get3A_183 = arith.constant 0 : index
    %get3A_184 = arith.constant 0 : index
    %get3A_185 = vector.load %arg19[%get3A_182, %get3A_183, %get3A_184] : memref<7x128x128xf32, #tpu.memory_space<vmem>>, vector<1x128x128xf32>
    %get3A_186 = vector.shape_cast %get3A_185 : vector<1x128x128xf32> to vector<128x128xf32>
    %dot_general3A_187 = arith.constant dense<0.000000e+00> : vector<1250x128xf32>
    %dot_general3A_188 = tpu.matmul %max3A_150, %get3A_186, %dot_general3A_187 {dimension_numbers = #tpu.dot_dimension_numbers<[1], [0], [0], [1], [0, 0, 1, 1], [], []>, transpose_lhs_hint = false} : vector<1250x128xf32>, vector<128x128xf32>, vector<1250x128xf32> -> vector<1250x128xf32>
    %get3A_189 = arith.constant 0 : index
    %get3A_190 = arith.constant 0 : index
    %get3A_191 = vector.load %arg13[%get3A_189, %get3A_190] : memref<1x128xf32, #tpu.memory_space<vmem>>, vector<1x128xf32>
    %add3A_192 = vector.broadcast %get3A_191 : vector<1x128xf32> to vector<1250x128xf32>
    %add3A_193 = arith.addf %dot_general3A_188, %add3A_192 : vector<1250x128xf32>
    %get3A_194 = arith.constant 5 : index
    %get3A_195 = arith.constant 0 : index
    %get3A_196 = arith.constant 0 : index
    %get3A_197 = vector.load %arg19[%get3A_194, %get3A_195, %get3A_196] : memref<7x128x128xf32, #tpu.memory_space<vmem>>, vector<1x128x128xf32>
    %get3A_198 = vector.shape_cast %get3A_197 : vector<1x128x128xf32> to vector<128x128xf32>
    %dot_general3A_199 = arith.constant dense<0.000000e+00> : vector<1250x128xf32>
    %dot_general3A_200 = tpu.matmul %add3A_125, %get3A_198, %dot_general3A_199 {dimension_numbers = #tpu.dot_dimension_numbers<[1], [0], [0], [1], [0, 0, 1, 1], [], []>, transpose_lhs_hint = false} : vector<1250x128xf32>, vector<128x128xf32>, vector<1250x128xf32> -> vector<1250x128xf32>
    %add3A_201 = arith.addf %add3A_193, %dot_general3A_200 : vector<1250x128xf32>
    %get3A_202 = arith.constant 0 : index
    %get3A_203 = arith.constant 0 : index
    %get3A_204 = vector.load %arg16[%get3A_202, %get3A_203] : memref<1x128xf32, #tpu.memory_space<vmem>>, vector<1x128xf32>
    %add3A_205 = vector.broadcast %get3A_204 : vector<1x128xf32> to vector<1250x128xf32>
    %add3A_206 = arith.addf %add3A_201, %add3A_205 : vector<1250x128xf32>
    %logistic3A_207 = arith.negf %add3A_206 : vector<1250x128xf32>
    %logistic3A_208 = math.exp %logistic3A_207 : vector<1250x128xf32>
    %logistic3A_209 = arith.constant 1.000000e+00 : f32
    %logistic3A_210 = vector.broadcast %logistic3A_209 : f32 to vector<1250x128xf32>
    %logistic3A_211 = arith.addf %logistic3A_210, %logistic3A_208 : vector<1250x128xf32>
    %logistic3A_212 = arith.divf %logistic3A_210, %logistic3A_211 : vector<1250x128xf32>
    %get3A_213 = arith.constant 3 : index
    %get3A_214 = arith.constant 0 : index
    %get3A_215 = arith.constant 0 : index
    %get3A_216 = vector.load %arg19[%get3A_213, %get3A_214, %get3A_215] : memref<7x128x128xf32, #tpu.memory_space<vmem>>, vector<1x128x128xf32>
    %get3A_217 = vector.shape_cast %get3A_216 : vector<1x128x128xf32> to vector<128x128xf32>
    %dot_general3A_218 = arith.constant dense<0.000000e+00> : vector<1250x128xf32>
    %dot_general3A_219 = tpu.matmul %max3A_150, %get3A_217, %dot_general3A_218 {dimension_numbers = #tpu.dot_dimension_numbers<[1], [0], [0], [1], [0, 0, 1, 1], [], []>, transpose_lhs_hint = false} : vector<1250x128xf32>, vector<128x128xf32>, vector<1250x128xf32> -> vector<1250x128xf32>
    %get3A_220 = arith.constant 0 : index
    %get3A_221 = arith.constant 0 : index
    %get3A_222 = vector.load %arg14[%get3A_220, %get3A_221] : memref<1x128xf32, #tpu.memory_space<vmem>>, vector<1x128xf32>
    %add3A_223 = vector.broadcast %get3A_222 : vector<1x128xf32> to vector<1250x128xf32>
    %add3A_224 = arith.addf %dot_general3A_219, %add3A_223 : vector<1250x128xf32>
    %get3A_225 = arith.constant 6 : index
    %get3A_226 = arith.constant 0 : index
    %get3A_227 = arith.constant 0 : index
    %get3A_228 = vector.load %arg19[%get3A_225, %get3A_226, %get3A_227] : memref<7x128x128xf32, #tpu.memory_space<vmem>>, vector<1x128x128xf32>
    %get3A_229 = vector.shape_cast %get3A_228 : vector<1x128x128xf32> to vector<128x128xf32>
    %dot_general3A_230 = arith.constant dense<0.000000e+00> : vector<1250x128xf32>
    %dot_general3A_231 = tpu.matmul %add3A_125, %get3A_229, %dot_general3A_230 {dimension_numbers = #tpu.dot_dimension_numbers<[1], [0], [0], [1], [0, 0, 1, 1], [], []>, transpose_lhs_hint = false} : vector<1250x128xf32>, vector<128x128xf32>, vector<1250x128xf32> -> vector<1250x128xf32>
    %get3A_232 = arith.constant 0 : index
    %get3A_233 = arith.constant 0 : index
    %get3A_234 = vector.load %arg17[%get3A_232, %get3A_233] : memref<1x128xf32, #tpu.memory_space<vmem>>, vector<1x128xf32>
    %add3A_235 = vector.broadcast %get3A_234 : vector<1x128xf32> to vector<1250x128xf32>
    %add3A_236 = arith.addf %dot_general3A_231, %add3A_235 : vector<1250x128xf32>
    %mul3A_237 = arith.mulf %logistic3A_181, %add3A_236 : vector<1250x128xf32>
    %add3A_238 = arith.addf %add3A_224, %mul3A_237 : vector<1250x128xf32>
    %tanh3A_239 = math.tanh %add3A_238 : vector<1250x128xf32>
    %sub3A_240 = arith.constant 1.000000e+00 : f32
    %sub3A_241 = vector.broadcast %sub3A_240 : f32 to vector<1250x128xf32>
    %sub3A_242 = arith.subf %sub3A_241, %logistic3A_212 : vector<1250x128xf32>
    %mul3A_243 = arith.mulf %sub3A_242, %tanh3A_239 : vector<1250x128xf32>
    %mul3A_244 = arith.mulf %logistic3A_212, %add3A_125 : vector<1250x128xf32>
    %add3A_245 = arith.addf %mul3A_243, %mul3A_244 : vector<1250x128xf32>
    %swap3A_246 = arith.constant 1 : index
    %swap3A_247 = arith.constant 0 : index
    %swap3A_248 = arith.constant 0 : index
    %swap3A_249 = vector.load %arg18[%swap3A_246, %swap3A_247, %swap3A_248] : memref<4x1250x128xf32, #tpu.memory_space<vmem>>, vector<1x1250x128xf32>
    %swap3A_250 = vector.shape_cast %swap3A_249 : vector<1x1250x128xf32> to vector<1250x128xf32>
    %swap3A_251 = vector.shape_cast %add3A_245 : vector<1250x128xf32> to vector<1x1250x128xf32>
    tpu.vector_store %arg18[%swap3A_246, %swap3A_247, %swap3A_248], %swap3A_251 {strides = array<i32>} : memref<4x1250x128xf32, #tpu.memory_space<vmem>>, vector<1x1250x128xf32>,
    %get3A_252 = arith.constant 2 : index
    %get3A_253 = arith.constant 0 : index
    %get3A_254 = arith.constant 0 : index
    %get3A_255 = vector.load %arg1[%get3A_252, %get3A_253, %get3A_254] : memref<4x1250x128xf32, #tpu.memory_space<vmem>>, vector<1x1250x128xf32>
    %get3A_256 = vector.shape_cast %get3A_255 : vector<1x1250x128xf32> to vector<1250x128xf32>
    %get3A_257 = arith.constant 0 : index
    %get3A_258 = arith.constant 0 : index
    %get3A_259 = arith.constant 0 : index
    %get3A_260 = vector.load %arg19[%get3A_257, %get3A_258, %get3A_259] : memref<7x128x128xf32, #tpu.memory_space<vmem>>, vector<1x128x128xf32>
    %get3A_261 = vector.shape_cast %get3A_260 : vector<1x128x128xf32> to vector<128x128xf32>
    %dot_general3A_262 = arith.constant dense<0.000000e+00> : vector<1250x128xf32>
    %dot_general3A_263 = tpu.matmul %get3A_256, %get3A_261, %dot_general3A_262 {dimension_numbers = #tpu.dot_dimension_numbers<[1], [0], [0], [1], [0, 0, 1, 1], [], []>, transpose_lhs_hint = false} : vector<1250x128xf32>, vector<128x128xf32>, vector<1250x128xf32> -> vector<1250x128xf32>
    %get3A_264 = arith.constant 0 : index
    %get3A_265 = arith.constant 0 : index
    %get3A_266 = vector.load %arg5[%get3A_264, %get3A_265] : memref<1x128xf32, #tpu.memory_space<vmem>>, vector<1x128xf32>
    %add3A_267 = vector.broadcast %get3A_266 : vector<1x128xf32> to vector<1250x128xf32>
    %add3A_268 = arith.addf %dot_general3A_263, %add3A_267 : vector<1250x128xf32>
    %max3A_269 = arith.constant 0.000000e+00 : f32
    %max3A_270 = vector.broadcast %max3A_269 : f32 to vector<1250x128xf32>
    %max3A_271 = arith.maximumf %add3A_268, %max3A_270 : vector<1250x128xf32>
    %get3A_272 = arith.constant 1 : index
    %get3A_273 = arith.constant 0 : index
    %get3A_274 = arith.constant 0 : index
    %get3A_275 = vector.load %arg19[%get3A_272, %get3A_273, %get3A_274] : memref<7x128x128xf32, #tpu.memory_space<vmem>>, vector<1x128x128xf32>
    %get3A_276 = vector.shape_cast %get3A_275 : vector<1x128x128xf32> to vector<128x128xf32>
    %dot_general3A_277 = arith.constant dense<0.000000e+00> : vector<1250x128xf32>
    %dot_general3A_278 = tpu.matmul %max3A_271, %get3A_276, %dot_general3A_277 {dimension_numbers = #tpu.dot_dimension_numbers<[1], [0], [0], [1], [0, 0, 1, 1], [], []>, transpose_lhs_hint = false} : vector<1250x128xf32>, vector<128x128xf32>, vector<1250x128xf32> -> vector<1250x128xf32>
    %get3A_279 = arith.constant 0 : index
    %get3A_280 = arith.constant 0 : index
    %get3A_281 = vector.load %arg12[%get3A_279, %get3A_280] : memref<1x128xf32, #tpu.memory_space<vmem>>, vector<1x128xf32>
    %add3A_282 = vector.broadcast %get3A_281 : vector<1x128xf32> to vector<1250x128xf32>
    %add3A_283 = arith.addf %dot_general3A_278, %add3A_282 : vector<1250x128xf32>
    %get3A_284 = arith.constant 4 : index
    %get3A_285 = arith.constant 0 : index
    %get3A_286 = arith.constant 0 : index
    %get3A_287 = vector.load %arg19[%get3A_284, %get3A_285, %get3A_286] : memref<7x128x128xf32, #tpu.memory_space<vmem>>, vector<1x128x128xf32>
    %get3A_288 = vector.shape_cast %get3A_287 : vector<1x128x128xf32> to vector<128x128xf32>
    %dot_general3A_289 = arith.constant dense<0.000000e+00> : vector<1250x128xf32>
    %dot_general3A_290 = tpu.matmul %add3A_245, %get3A_288, %dot_general3A_289 {dimension_numbers = #tpu.dot_dimension_numbers<[1], [0], [0], [1], [0, 0, 1, 1], [], []>, transpose_lhs_hint = false} : vector<1250x128xf32>, vector<128x128xf32>, vector<1250x128xf32> -> vector<1250x128xf32>
    %add3A_291 = arith.addf %add3A_283, %dot_general3A_290 : vector<1250x128xf32>
    %get3A_292 = arith.constant 0 : index
    %get3A_293 = arith.constant 0 : index
    %get3A_294 = vector.load %arg15[%get3A_292, %get3A_293] : memref<1x128xf32, #tpu.memory_space<vmem>>, vector<1x128xf32>
    %add3A_295 = vector.broadcast %get3A_294 : vector<1x128xf32> to vector<1250x128xf32>
    %add3A_296 = arith.addf %add3A_291, %add3A_295 : vector<1250x128xf32>
    %logistic3A_297 = arith.negf %add3A_296 : vector<1250x128xf32>
    %logistic3A_298 = math.exp %logistic3A_297 : vector<1250x128xf32>
    %logistic3A_299 = arith.constant 1.000000e+00 : f32
    %logistic3A_300 = vector.broadcast %logistic3A_299 : f32 to vector<1250x128xf32>
    %logistic3A_301 = arith.addf %logistic3A_300, %logistic3A_298 : vector<1250x128xf32>
    %logistic3A_302 = arith.divf %logistic3A_300, %logistic3A_301 : vector<1250x128xf32>
    %get3A_303 = arith.constant 2 : index
    %get3A_304 = arith.constant 0 : index
    %get3A_305 = arith.constant 0 : index
    %get3A_306 = vector.load %arg19[%get3A_303, %get3A_304, %get3A_305] : memref<7x128x128xf32, #tpu.memory_space<vmem>>, vector<1x128x128xf32>
    %get3A_307 = vector.shape_cast %get3A_306 : vector<1x128x128xf32> to vector<128x128xf32>
    %dot_general3A_308 = arith.constant dense<0.000000e+00> : vector<1250x128xf32>
    %dot_general3A_309 = tpu.matmul %max3A_271, %get3A_307, %dot_general3A_308 {dimension_numbers = #tpu.dot_dimension_numbers<[1], [0], [0], [1], [0, 0, 1, 1], [], []>, transpose_lhs_hint = false} : vector<1250x128xf32>, vector<128x128xf32>, vector<1250x128xf32> -> vector<1250x128xf32>
    %get3A_310 = arith.constant 0 : index
    %get3A_311 = arith.constant 0 : index
    %get3A_312 = vector.load %arg13[%get3A_310, %get3A_311] : memref<1x128xf32, #tpu.memory_space<vmem>>, vector<1x128xf32>
    %add3A_313 = vector.broadcast %get3A_312 : vector<1x128xf32> to vector<1250x128xf32>
    %add3A_314 = arith.addf %dot_general3A_309, %add3A_313 : vector<1250x128xf32>
    %get3A_315 = arith.constant 5 : index
    %get3A_316 = arith.constant 0 : index
    %get3A_317 = arith.constant 0 : index
    %get3A_318 = vector.load %arg19[%get3A_315, %get3A_316, %get3A_317] : memref<7x128x128xf32, #tpu.memory_space<vmem>>, vector<1x128x128xf32>
    %get3A_319 = vector.shape_cast %get3A_318 : vector<1x128x128xf32> to vector<128x128xf32>
    %dot_general3A_320 = arith.constant dense<0.000000e+00> : vector<1250x128xf32>
    %dot_general3A_321 = tpu.matmul %add3A_245, %get3A_319, %dot_general3A_320 {dimension_numbers = #tpu.dot_dimension_numbers<[1], [0], [0], [1], [0, 0, 1, 1], [], []>, transpose_lhs_hint = false} : vector<1250x128xf32>, vector<128x128xf32>, vector<1250x128xf32> -> vector<1250x128xf32>
    %add3A_322 = arith.addf %add3A_314, %dot_general3A_321 : vector<1250x128xf32>
    %get3A_323 = arith.constant 0 : index
    %get3A_324 = arith.constant 0 : index
    %get3A_325 = vector.load %arg16[%get3A_323, %get3A_324] : memref<1x128xf32, #tpu.memory_space<vmem>>, vector<1x128xf32>
    %add3A_326 = vector.broadcast %get3A_325 : vector<1x128xf32> to vector<1250x128xf32>
    %add3A_327 = arith.addf %add3A_322, %add3A_326 : vector<1250x128xf32>
    %logistic3A_328 = arith.negf %add3A_327 : vector<1250x128xf32>
    %logistic3A_329 = math.exp %logistic3A_328 : vector<1250x128xf32>
    %logistic3A_330 = arith.constant 1.000000e+00 : f32
    %logistic3A_331 = vector.broadcast %logistic3A_330 : f32 to vector<1250x128xf32>
    %logistic3A_332 = arith.addf %logistic3A_331, %logistic3A_329 : vector<1250x128xf32>
    %logistic3A_333 = arith.divf %logistic3A_331, %logistic3A_332 : vector<1250x128xf32>
    %get3A_334 = arith.constant 3 : index
    %get3A_335 = arith.constant 0 : index
    %get3A_336 = arith.constant 0 : index
    %get3A_337 = vector.load %arg19[%get3A_334, %get3A_335, %get3A_336] : memref<7x128x128xf32, #tpu.memory_space<vmem>>, vector<1x128x128xf32>
    %get3A_338 = vector.shape_cast %get3A_337 : vector<1x128x128xf32> to vector<128x128xf32>
    %dot_general3A_339 = arith.constant dense<0.000000e+00> : vector<1250x128xf32>
    %dot_general3A_340 = tpu.matmul %max3A_271, %get3A_338, %dot_general3A_339 {dimension_numbers = #tpu.dot_dimension_numbers<[1], [0], [0], [1], [0, 0, 1, 1], [], []>, transpose_lhs_hint = false} : vector<1250x128xf32>, vector<128x128xf32>, vector<1250x128xf32> -> vector<1250x128xf32>
    %get3A_341 = arith.constant 0 : index
    %get3A_342 = arith.constant 0 : index
    %get3A_343 = vector.load %arg14[%get3A_341, %get3A_342] : memref<1x128xf32, #tpu.memory_space<vmem>>, vector<1x128xf32>
    %add3A_344 = vector.broadcast %get3A_343 : vector<1x128xf32> to vector<1250x128xf32>
    %add3A_345 = arith.addf %dot_general3A_340, %add3A_344 : vector<1250x128xf32>
    %get3A_346 = arith.constant 6 : index
    %get3A_347 = arith.constant 0 : index
    %get3A_348 = arith.constant 0 : index
    %get3A_349 = vector.load %arg19[%get3A_346, %get3A_347, %get3A_348] : memref<7x128x128xf32, #tpu.memory_space<vmem>>, vector<1x128x128xf32>
    %get3A_350 = vector.shape_cast %get3A_349 : vector<1x128x128xf32> to vector<128x128xf32>
    %dot_general3A_351 = arith.constant dense<0.000000e+00> : vector<1250x128xf32>
    %dot_general3A_352 = tpu.matmul %add3A_245, %get3A_350, %dot_general3A_351 {dimension_numbers = #tpu.dot_dimension_numbers<[1], [0], [0], [1], [0, 0, 1, 1], [], []>, transpose_lhs_hint = false} : vector<1250x128xf32>, vector<128x128xf32>, vector<1250x128xf32> -> vector<1250x128xf32>
    %get3A_353 = arith.constant 0 : index
    %get3A_354 = arith.constant 0 : index
    %get3A_355 = vector.load %arg17[%get3A_353, %get3A_354] : memref<1x128xf32, #tpu.memory_space<vmem>>, vector<1x128xf32>
    %add3A_356 = vector.broadcast %get3A_355 : vector<1x128xf32> to vector<1250x128xf32>
    %add3A_357 = arith.addf %dot_general3A_352, %add3A_356 : vector<1250x128xf32>
    %mul3A_358 = arith.mulf %logistic3A_302, %add3A_357 : vector<1250x128xf32>
    %add3A_359 = arith.addf %add3A_345, %mul3A_358 : vector<1250x128xf32>
    %tanh3A_360 = math.tanh %add3A_359 : vector<1250x128xf32>
    %sub3A_361 = arith.constant 1.000000e+00 : f32
    %sub3A_362 = vector.broadcast %sub3A_361 : f32 to vector<1250x128xf32>
    %sub3A_363 = arith.subf %sub3A_362, %logistic3A_333 : vector<1250x128xf32>
    %mul3A_364 = arith.mulf %sub3A_363, %tanh3A_360 : vector<1250x128xf32>
    %mul3A_365 = arith.mulf %logistic3A_333, %add3A_245 : vector<1250x128xf32>
    %add3A_366 = arith.addf %mul3A_364, %mul3A_365 : vector<1250x128xf32>
    %swap3A_367 = arith.constant 2 : index
    %swap3A_368 = arith.constant 0 : index
    %swap3A_369 = arith.constant 0 : index
    %swap3A_370 = vector.load %arg18[%swap3A_367, %swap3A_368, %swap3A_369] : memref<4x1250x128xf32, #tpu.memory_space<vmem>>, vector<1x1250x128xf32>
    %swap3A_371 = vector.shape_cast %swap3A_370 : vector<1x1250x128xf32> to vector<1250x128xf32>
    %swap3A_372 = vector.shape_cast %add3A_366 : vector<1250x128xf32> to vector<1x1250x128xf32>
    tpu.vector_store %arg18[%swap3A_367, %swap3A_368, %swap3A_369], %swap3A_372 {strides = array<i32>} : memref<4x1250x128xf32, #tpu.memory_space<vmem>>, vector<1x1250x128xf32>,
    %get3A_373 = arith.constant 3 : index
    %get3A_374 = arith.constant 0 : index
    %get3A_375 = arith.constant 0 : index
    %get3A_376 = vector.load %arg1[%get3A_373, %get3A_374, %get3A_375] : memref<4x1250x128xf32, #tpu.memory_space<vmem>>, vector<1x1250x128xf32>
    %get3A_377 = vector.shape_cast %get3A_376 : vector<1x1250x128xf32> to vector<1250x128xf32>
    %get3A_378 = arith.constant 0 : index
    %get3A_379 = arith.constant 0 : index
    %get3A_380 = arith.constant 0 : index
    %get3A_381 = vector.load %arg19[%get3A_378, %get3A_379, %get3A_380] : memref<7x128x128xf32, #tpu.memory_space<vmem>>, vector<1x128x128xf32>
    %get3A_382 = vector.shape_cast %get3A_381 : vector<1x128x128xf32> to vector<128x128xf32>
    %dot_general3A_383 = arith.constant dense<0.000000e+00> : vector<1250x128xf32>
    %dot_general3A_384 = tpu.matmul %get3A_377, %get3A_382, %dot_general3A_383 {dimension_numbers = #tpu.dot_dimension_numbers<[1], [0], [0], [1], [0, 0, 1, 1], [], []>, transpose_lhs_hint = false} : vector<1250x128xf32>, vector<128x128xf32>, vector<1250x128xf32> -> vector<1250x128xf32>
    %get3A_385 = arith.constant 0 : index
    %get3A_386 = arith.constant 0 : index
    %get3A_387 = vector.load %arg5[%get3A_385, %get3A_386] : memref<1x128xf32, #tpu.memory_space<vmem>>, vector<1x128xf32>
    %add3A_388 = vector.broadcast %get3A_387 : vector<1x128xf32> to vector<1250x128xf32>
    %add3A_389 = arith.addf %dot_general3A_384, %add3A_388 : vector<1250x128xf32>
    %max3A_390 = arith.constant 0.000000e+00 : f32
    %max3A_391 = vector.broadcast %max3A_390 : f32 to vector<1250x128xf32>
    %max3A_392 = arith.maximumf %add3A_389, %max3A_391 : vector<1250x128xf32>
    %get3A_393 = arith.constant 1 : index
    %get3A_394 = arith.constant 0 : index
    %get3A_395 = arith.constant 0 : index
    %get3A_396 = vector.load %arg19[%get3A_393, %get3A_394, %get3A_395] : memref<7x128x128xf32, #tpu.memory_space<vmem>>, vector<1x128x128xf32>
    %get3A_397 = vector.shape_cast %get3A_396 : vector<1x128x128xf32> to vector<128x128xf32>
    %dot_general3A_398 = arith.constant dense<0.000000e+00> : vector<1250x128xf32>
    %dot_general3A_399 = tpu.matmul %max3A_392, %get3A_397, %dot_general3A_398 {dimension_numbers = #tpu.dot_dimension_numbers<[1], [0], [0], [1], [0, 0, 1, 1], [], []>, transpose_lhs_hint = false} : vector<1250x128xf32>, vector<128x128xf32>, vector<1250x128xf32> -> vector<1250x128xf32>
    %get3A_400 = arith.constant 0 : index
    %get3A_401 = arith.constant 0 : index
    %get3A_402 = vector.load %arg12[%get3A_400, %get3A_401] : memref<1x128xf32, #tpu.memory_space<vmem>>, vector<1x128xf32>
    %add3A_403 = vector.broadcast %get3A_402 : vector<1x128xf32> to vector<1250x128xf32>
    %add3A_404 = arith.addf %dot_general3A_399, %add3A_403 : vector<1250x128xf32>
    %get3A_405 = arith.constant 4 : index
    %get3A_406 = arith.constant 0 : index
    %get3A_407 = arith.constant 0 : index
    %get3A_408 = vector.load %arg19[%get3A_405, %get3A_406, %get3A_407] : memref<7x128x128xf32, #tpu.memory_space<vmem>>, vector<1x128x128xf32>
    %get3A_409 = vector.shape_cast %get3A_408 : vector<1x128x128xf32> to vector<128x128xf32>
    %dot_general3A_410 = arith.constant dense<0.000000e+00> : vector<1250x128xf32>
    %dot_general3A_411 = tpu.matmul %add3A_366, %get3A_409, %dot_general3A_410 {dimension_numbers = #tpu.dot_dimension_numbers<[1], [0], [0], [1], [0, 0, 1, 1], [], []>, transpose_lhs_hint = false} : vector<1250x128xf32>, vector<128x128xf32>, vector<1250x128xf32> -> vector<1250x128xf32>
    %add3A_412 = arith.addf %add3A_404, %dot_general3A_411 : vector<1250x128xf32>
    %get3A_413 = arith.constant 0 : index
    %get3A_414 = arith.constant 0 : index
    %get3A_415 = vector.load %arg15[%get3A_413, %get3A_414] : memref<1x128xf32, #tpu.memory_space<vmem>>, vector<1x128xf32>
    %add3A_416 = vector.broadcast %get3A_415 : vector<1x128xf32> to vector<1250x128xf32>
    %add3A_417 = arith.addf %add3A_412, %add3A_416 : vector<1250x128xf32>
    %logistic3A_418 = arith.negf %add3A_417 : vector<1250x128xf32>
    %logistic3A_419 = math.exp %logistic3A_418 : vector<1250x128xf32>
    %logistic3A_420 = arith.constant 1.000000e+00 : f32
    %logistic3A_421 = vector.broadcast %logistic3A_420 : f32 to vector<1250x128xf32>
    %logistic3A_422 = arith.addf %logistic3A_421, %logistic3A_419 : vector<1250x128xf32>
    %logistic3A_423 = arith.divf %logistic3A_421, %logistic3A_422 : vector<1250x128xf32>
    %get3A_424 = arith.constant 2 : index
    %get3A_425 = arith.constant 0 : index
    %get3A_426 = arith.constant 0 : index
    %get3A_427 = vector.load %arg19[%get3A_424, %get3A_425, %get3A_426] : memref<7x128x128xf32, #tpu.memory_space<vmem>>, vector<1x128x128xf32>
    %get3A_428 = vector.shape_cast %get3A_427 : vector<1x128x128xf32> to vector<128x128xf32>
    %dot_general3A_429 = arith.constant dense<0.000000e+00> : vector<1250x128xf32>
    %dot_general3A_430 = tpu.matmul %max3A_392, %get3A_428, %dot_general3A_429 {dimension_numbers = #tpu.dot_dimension_numbers<[1], [0], [0], [1], [0, 0, 1, 1], [], []>, transpose_lhs_hint = false} : vector<1250x128xf32>, vector<128x128xf32>, vector<1250x128xf32> -> vector<1250x128xf32>
    %get3A_431 = arith.constant 0 : index
    %get3A_432 = arith.constant 0 : index
    %get3A_433 = vector.load %arg13[%get3A_431, %get3A_432] : memref<1x128xf32, #tpu.memory_space<vmem>>, vector<1x128xf32>
    %add3A_434 = vector.broadcast %get3A_433 : vector<1x128xf32> to vector<1250x128xf32>
    %add3A_435 = arith.addf %dot_general3A_430, %add3A_434 : vector<1250x128xf32>
    %get3A_436 = arith.constant 5 : index
    %get3A_437 = arith.constant 0 : index
    %get3A_438 = arith.constant 0 : index
    %get3A_439 = vector.load %arg19[%get3A_436, %get3A_437, %get3A_438] : memref<7x128x128xf32, #tpu.memory_space<vmem>>, vector<1x128x128xf32>
    %get3A_440 = vector.shape_cast %get3A_439 : vector<1x128x128xf32> to vector<128x128xf32>
    %dot_general3A_441 = arith.constant dense<0.000000e+00> : vector<1250x128xf32>
    %dot_general3A_442 = tpu.matmul %add3A_366, %get3A_440, %dot_general3A_441 {dimension_numbers = #tpu.dot_dimension_numbers<[1], [0], [0], [1], [0, 0, 1, 1], [], []>, transpose_lhs_hint = false} : vector<1250x128xf32>, vector<128x128xf32>, vector<1250x128xf32> -> vector<1250x128xf32>
    %add3A_443 = arith.addf %add3A_435, %dot_general3A_442 : vector<1250x128xf32>
    %get3A_444 = arith.constant 0 : index
    %get3A_445 = arith.constant 0 : index
    %get3A_446 = vector.load %arg16[%get3A_444, %get3A_445] : memref<1x128xf32, #tpu.memory_space<vmem>>, vector<1x128xf32>
    %add3A_447 = vector.broadcast %get3A_446 : vector<1x128xf32> to vector<1250x128xf32>
    %add3A_448 = arith.addf %add3A_443, %add3A_447 : vector<1250x128xf32>
    %logistic3A_449 = arith.negf %add3A_448 : vector<1250x128xf32>
    %logistic3A_450 = math.exp %logistic3A_449 : vector<1250x128xf32>
    %logistic3A_451 = arith.constant 1.000000e+00 : f32
    %logistic3A_452 = vector.broadcast %logistic3A_451 : f32 to vector<1250x128xf32>
    %logistic3A_453 = arith.addf %logistic3A_452, %logistic3A_450 : vector<1250x128xf32>
    %logistic3A_454 = arith.divf %logistic3A_452, %logistic3A_453 : vector<1250x128xf32>
    %get3A_455 = arith.constant 3 : index
    %get3A_456 = arith.constant 0 : index
    %get3A_457 = arith.constant 0 : index
    %get3A_458 = vector.load %arg19[%get3A_455, %get3A_456, %get3A_457] : memref<7x128x128xf32, #tpu.memory_space<vmem>>, vector<1x128x128xf32>
    %get3A_459 = vector.shape_cast %get3A_458 : vector<1x128x128xf32> to vector<128x128xf32>
    %dot_general3A_460 = arith.constant dense<0.000000e+00> : vector<1250x128xf32>
    %dot_general3A_461 = tpu.matmul %max3A_392, %get3A_459, %dot_general3A_460 {dimension_numbers = #tpu.dot_dimension_numbers<[1], [0], [0], [1], [0, 0, 1, 1], [], []>, transpose_lhs_hint = false} : vector<1250x128xf32>, vector<128x128xf32>, vector<1250x128xf32> -> vector<1250x128xf32>
    %get3A_462 = arith.constant 0 : index
    %get3A_463 = arith.constant 0 : index
    %get3A_464 = vector.load %arg14[%get3A_462, %get3A_463] : memref<1x128xf32, #tpu.memory_space<vmem>>, vector<1x128xf32>
    %add3A_465 = vector.broadcast %get3A_464 : vector<1x128xf32> to vector<1250x128xf32>
    %add3A_466 = arith.addf %dot_general3A_461, %add3A_465 : vector<1250x128xf32>
    %get3A_467 = arith.constant 6 : index
    %get3A_468 = arith.constant 0 : index
    %get3A_469 = arith.constant 0 : index
    %get3A_470 = vector.load %arg19[%get3A_467, %get3A_468, %get3A_469] : memref<7x128x128xf32, #tpu.memory_space<vmem>>, vector<1x128x128xf32>
    %get3A_471 = vector.shape_cast %get3A_470 : vector<1x128x128xf32> to vector<128x128xf32>
    %dot_general3A_472 = arith.constant dense<0.000000e+00> : vector<1250x128xf32>
    %dot_general3A_473 = tpu.matmul %add3A_366, %get3A_471, %dot_general3A_472 {dimension_numbers = #tpu.dot_dimension_numbers<[1], [0], [0], [1], [0, 0, 1, 1], [], []>, transpose_lhs_hint = false} : vector<1250x128xf32>, vector<128x128xf32>, vector<1250x128xf32> -> vector<1250x128xf32>
    %get3A_474 = arith.constant 0 : index
    %get3A_475 = arith.constant 0 : index
    %get3A_476 = vector.load %arg17[%get3A_474, %get3A_475] : memref<1x128xf32, #tpu.memory_space<vmem>>, vector<1x128xf32>
    %add3A_477 = vector.broadcast %get3A_476 : vector<1x128xf32> to vector<1250x128xf32>
    %add3A_478 = arith.addf %dot_general3A_473, %add3A_477 : vector<1250x128xf32>
    %mul3A_479 = arith.mulf %logistic3A_423, %add3A_478 : vector<1250x128xf32>
    %add3A_480 = arith.addf %add3A_466, %mul3A_479 : vector<1250x128xf32>
    %tanh3A_481 = math.tanh %add3A_480 : vector<1250x128xf32>
    %sub3A_482 = arith.constant 1.000000e+00 : f32
    %sub3A_483 = vector.broadcast %sub3A_482 : f32 to vector<1250x128xf32>
    %sub3A_484 = arith.subf %sub3A_483, %logistic3A_454 : vector<1250x128xf32>
    %mul3A_485 = arith.mulf %sub3A_484, %tanh3A_481 : vector<1250x128xf32>
    %mul3A_486 = arith.mulf %logistic3A_454, %add3A_366 : vector<1250x128xf32>
    %add3A_487 = arith.addf %mul3A_485, %mul3A_486 : vector<1250x128xf32>
    %swap3A_488 = arith.constant 3 : index
    %swap3A_489 = arith.constant 0 : index
    %swap3A_490 = arith.constant 0 : index
    %swap3A_491 = vector.load %arg18[%swap3A_488, %swap3A_489, %swap3A_490] : memref<4x1250x128xf32, #tpu.memory_space<vmem>>, vector<1x1250x128xf32>
    %swap3A_492 = vector.shape_cast %swap3A_491 : vector<1x1250x128xf32> to vector<1250x128xf32>
    %swap3A_493 = vector.shape_cast %add3A_487 : vector<1250x128xf32> to vector<1x1250x128xf32>
    tpu.vector_store %arg18[%swap3A_488, %swap3A_489, %swap3A_490], %swap3A_493 {strides = array<i32>} : memref<4x1250x128xf32, #tpu.memory_space<vmem>>, vector<1x1250x128xf32>,
    return
  }
  func.func @transform_0(%arg0: i32) -> (i32, i32, i32) {
    %c0_i32 = arith.constant 0 : i32
    %c0_i32_0 = arith.constant 0 : i32
    %c0_i32_1 = arith.constant 0 : i32
    return %c0_i32, %arg0, %c0_i32_0 : i32, i32, i32
  }
  func.func @transform_1(%arg0: i32) -> (i32, i32, i32) {
    %c0_i32 = arith.constant 0 : i32
    %c0_i32_0 = arith.constant 0 : i32
    %c0_i32_1 = arith.constant 0 : i32
    return %c0_i32, %arg0, %c0_i32_0 : i32, i32, i32
  }
  func.func @transform_2(%arg0: i32) -> (i32, i32, i32) {
    %c0_i32 = arith.constant 0 : i32
    %c0_i32_0 = arith.constant 0 : i32
    %c0_i32_1 = arith.constant 0 : i32
    return %c0_i32, %arg0, %c0_i32_0 : i32, i32, i32
  }
  func.func @transform_3(%arg0: i32) -> (i32, i32) {
    %c0_i32 = arith.constant 0 : i32
    %c0_i32_0 = arith.constant 0 : i32
    %c0_i32_1 = arith.constant 0 : i32
    return %c0_i32, %c0_i32_0 : i32, i32
  }
  func.func @transform_4(%arg0: i32) -> (i32, i32) {
    %c0_i32 = arith.constant 0 : i32
    %c0_i32_0 = arith.constant 0 : i32
    %c0_i32_1 = arith.constant 0 : i32
    return %c0_i32, %c0_i32_0 : i32, i32
  }
  func.func @transform_5(%arg0: i32) -> (i32, i32) {
    %c0_i32 = arith.constant 0 : i32
    %c0_i32_0 = arith.constant 0 : i32
    %c0_i32_1 = arith.constant 0 : i32
    return %c0_i32, %c0_i32_0 : i32, i32
  }
  func.func @transform_6(%arg0: i32) -> (i32, i32) {
    %c0_i32 = arith.constant 0 : i32
    %c0_i32_0 = arith.constant 0 : i32
    %c0_i32_1 = arith.constant 0 : i32
    return %c0_i32, %c0_i32_0 : i32, i32
  }
  func.func @transform_7(%arg0: i32) -> (i32, i32) {
    %c0_i32 = arith.constant 0 : i32
    %c0_i32_0 = arith.constant 0 : i32
    %c0_i32_1 = arith.constant 0 : i32
    return %c0_i32, %c0_i32_0 : i32, i32
  }
  func.func @transform_8(%arg0: i32) -> (i32, i32) {
    %c0_i32 = arith.constant 0 : i32
    %c0_i32_0 = arith.constant 0 : i32
    %c0_i32_1 = arith.constant 0 : i32
    return %c0_i32, %c0_i32_0 : i32, i32
  }
  func.func @transform_9(%arg0: i32) -> (i32, i32) {
    %c0_i32 = arith.constant 0 : i32
    %c0_i32_0 = arith.constant 0 : i32
    %c0_i32_1 = arith.constant 0 : i32
    return %c0_i32, %c0_i32_0 : i32, i32
  }
  func.func @transform_10(%arg0: i32) -> (i32, i32) {
    %c0_i32 = arith.constant 0 : i32
    %c0_i32_0 = arith.constant 0 : i32
    %c0_i32_1 = arith.constant 0 : i32
    return %c0_i32, %c0_i32_0 : i32, i32
  }
  func.func @transform_11(%arg0: i32) -> (i32, i32) {
    %c0_i32 = arith.constant 0 : i32
    %c0_i32_0 = arith.constant 0 : i32
    %c0_i32_1 = arith.constant 0 : i32
    return %c0_i32, %c0_i32_0 : i32, i32
  }
  func.func @transform_12(%arg0: i32) -> (i32, i32) {
    %c0_i32 = arith.constant 0 : i32
    %c0_i32_0 = arith.constant 0 : i32
    %c0_i32_1 = arith.constant 0 : i32
    return %c0_i32, %c0_i32_0 : i32, i32
  }
  func.func @transform_13(%arg0: i32) -> (i32, i32) {
    %c0_i32 = arith.constant 0 : i32
    %c0_i32_0 = arith.constant 0 : i32
    %c0_i32_1 = arith.constant 0 : i32
    return %c0_i32, %c0_i32_0 : i32, i32
  }
  func.func @transform_14(%arg0: i32) -> (i32, i32) {
    %c0_i32 = arith.constant 0 : i32
    %c0_i32_0 = arith.constant 0 : i32
    %c0_i32_1 = arith.constant 0 : i32
    return %c0_i32, %c0_i32_0 : i32, i32
  }
  func.func @transform_15(%arg0: i32) -> (i32, i32) {
    %c0_i32 = arith.constant 0 : i32
    %c0_i32_0 = arith.constant 0 : i32
    %c0_i32_1 = arith.constant 0 : i32
    return %c0_i32, %c0_i32_0 : i32, i32
  }
  func.func @transform_16(%arg0: i32) -> (i32, i32) {
    %c0_i32 = arith.constant 0 : i32
    %c0_i32_0 = arith.constant 0 : i32
    %c0_i32_1 = arith.constant 0 : i32
    return %c0_i32, %c0_i32_0 : i32, i32
  }
  func.func @transform_17(%arg0: i32) -> (i32, i32, i32) {
    %c0_i32 = arith.constant 0 : i32
    %c0_i32_0 = arith.constant 0 : i32
    %c0_i32_1 = arith.constant 0 : i32
    return %c0_i32, %arg0, %c0_i32_0 : i32, i32, i32
  }
}

module attributes {stable_mosaic.version = 14 : i64} {
  func.func @_heads_body(%arg0: i32, %arg1: memref<4x32000xf32, #tpu.memory_space<vmem>>, %arg2: memref<30x32000xf32, #tpu.memory_space<vmem>>, %arg3: memref<64x32000xf32, #tpu.memory_space<vmem>>, %arg4: memref<1x30xf32, #tpu.memory_space<vmem>>, %arg5: memref<1x64xf32, #tpu.memory_space<vmem>>, %arg6: memref<64x64xf32, #tpu.memory_space<vmem>>, %arg7: memref<1x64xf32, #tpu.memory_space<vmem>>, %arg8: memref<64x1xf32, #tpu.memory_space<vmem>>, %arg9: memref<1x1xf32, #tpu.memory_space<vmem>>, %arg10: memref<4x30xf32, #tpu.memory_space<vmem>>, %arg11: memref<4x30xf32, #tpu.memory_space<vmem>>, %arg12: memref<4x64xf32, #tpu.memory_space<vmem>>) attributes {dimension_semantics = [#tpu.dimension_semantics<arbitrary>], iteration_bounds = array<i64: 5>, scalar_prefetch = 0 : i64, scratch_operands = 2 : i64, tpu.core_type = #tpu.core_type<tc>, window_params = [{transform_indices = @transform_0, window_bounds = array<i64: 4, 32000>}, {transform_indices = @transform_1, window_bounds = array<i64: 30, 32000>}, {transform_indices = @transform_2, window_bounds = array<i64: 64, 32000>}, {pipeline_mode = #tpu.pipeline_mode<synchronous>, transform_indices = @transform_3, window_bounds = array<i64: 1, 30>}, {pipeline_mode = #tpu.pipeline_mode<synchronous>, transform_indices = @transform_4, window_bounds = array<i64: 1, 64>}, {pipeline_mode = #tpu.pipeline_mode<synchronous>, transform_indices = @transform_5, window_bounds = array<i64: 64, 64>}, {pipeline_mode = #tpu.pipeline_mode<synchronous>, transform_indices = @transform_6, window_bounds = array<i64: 1, 64>}, {pipeline_mode = #tpu.pipeline_mode<synchronous>, transform_indices = @transform_7, window_bounds = array<i64: 64, 1>}, {pipeline_mode = #tpu.pipeline_mode<synchronous>, transform_indices = @transform_8, window_bounds = array<i64: 1, 1>}, {pipeline_mode = #tpu.pipeline_mode<synchronous>, transform_indices = @transform_9, window_bounds = array<i64: 4, 30>}]} {
    %eq3A = arith.constant 0 : i32
    %eq3A_0 = arith.cmpi eq, %arg0, %eq3A : i32
    %convert_element_type3A = arith.extui %eq3A_0 : i1 to i32
    %cond3A = arith.constant 0 : i32
    %cond3A_1 = arith.cmpi ne, %convert_element_type3A, %cond3A : i32
    scf.if %cond3A_1 {
      %broadcast_in_dim3A = arith.constant 0.000000e+00 : f32
      %broadcast_in_dim3A_30 = vector.broadcast %broadcast_in_dim3A : f32 to vector<4x30xf32>
      %swap3A_31 = arith.constant 0 : index
      %swap3A_32 = arith.constant 0 : index
      %swap3A_33 = vector.load %arg11[%swap3A_31, %swap3A_32] : memref<4x30xf32, #tpu.memory_space<vmem>>, vector<4x30xf32>
      tpu.vector_store %arg11[%swap3A_31, %swap3A_32], %broadcast_in_dim3A_30 {strides = array<i32>} : memref<4x30xf32, #tpu.memory_space<vmem>>, vector<4x30xf32>,
      %broadcast_in_dim3A_34 = arith.constant 0.000000e+00 : f32
      %broadcast_in_dim3A_35 = vector.broadcast %broadcast_in_dim3A_34 : f32 to vector<4x64xf32>
      %swap3A_36 = arith.constant 0 : index
      %swap3A_37 = arith.constant 0 : index
      %swap3A_38 = vector.load %arg12[%swap3A_36, %swap3A_37] : memref<4x64xf32, #tpu.memory_space<vmem>>, vector<4x64xf32>
      tpu.vector_store %arg12[%swap3A_36, %swap3A_37], %broadcast_in_dim3A_35 {strides = array<i32>} : memref<4x64xf32, #tpu.memory_space<vmem>>, vector<4x64xf32>,
    } else {
    }
    %get3A = arith.constant 0 : index
    %get3A_2 = arith.constant 0 : index
    %get3A_3 = vector.load %arg1[%get3A, %get3A_2] : memref<4x32000xf32, #tpu.memory_space<vmem>>, vector<4x32000xf32>
    %get3A_4 = arith.constant 0 : index
    %get3A_5 = arith.constant 0 : index
    %get3A_6 = vector.load %arg11[%get3A_4, %get3A_5] : memref<4x30xf32, #tpu.memory_space<vmem>>, vector<4x30xf32>
    %get3A_7 = arith.constant 0 : index
    %get3A_8 = arith.constant 0 : index
    %get3A_9 = vector.load %arg2[%get3A_7, %get3A_8] : memref<30x32000xf32, #tpu.memory_space<vmem>>, vector<30x32000xf32>
    %dot_general3A = arith.constant dense<0.000000e+00> : vector<4x30xf32>
    %dot_general3A_10 = tpu.matmul %get3A_3, %get3A_9, %dot_general3A {dimension_numbers = #tpu.dot_dimension_numbers<[1], [1], [0], [0], [0, 0, 1, 0], [], []>, precision = #tpu.contract_precision<fp32>, transpose_lhs_hint = false} : vector<4x32000xf32>, vector<30x32000xf32>, vector<4x30xf32> -> vector<4x30xf32>
    %add3A = arith.addf %get3A_6, %dot_general3A_10 : vector<4x30xf32>
    %swap3A = arith.constant 0 : index
    %swap3A_11 = arith.constant 0 : index
    %swap3A_12 = vector.load %arg11[%swap3A, %swap3A_11] : memref<4x30xf32, #tpu.memory_space<vmem>>, vector<4x30xf32>
    tpu.vector_store %arg11[%swap3A, %swap3A_11], %add3A {strides = array<i32>} : memref<4x30xf32, #tpu.memory_space<vmem>>, vector<4x30xf32>,
    %get3A_13 = arith.constant 0 : index
    %get3A_14 = arith.constant 0 : index
    %get3A_15 = vector.load %arg12[%get3A_13, %get3A_14] : memref<4x64xf32, #tpu.memory_space<vmem>>, vector<4x64xf32>
    %get3A_16 = arith.constant 0 : index
    %get3A_17 = arith.constant 0 : index
    %get3A_18 = vector.load %arg3[%get3A_16, %get3A_17] : memref<64x32000xf32, #tpu.memory_space<vmem>>, vector<64x32000xf32>
    %dot_general3A_19 = arith.constant dense<0.000000e+00> : vector<4x64xf32>
    %dot_general3A_20 = tpu.matmul %get3A_3, %get3A_18, %dot_general3A_19 {dimension_numbers = #tpu.dot_dimension_numbers<[1], [1], [0], [0], [0, 0, 1, 0], [], []>, precision = #tpu.contract_precision<fp32>, transpose_lhs_hint = false} : vector<4x32000xf32>, vector<64x32000xf32>, vector<4x64xf32> -> vector<4x64xf32>
    %add3A_21 = arith.addf %get3A_15, %dot_general3A_20 : vector<4x64xf32>
    %swap3A_22 = arith.constant 0 : index
    %swap3A_23 = arith.constant 0 : index
    %swap3A_24 = vector.load %arg12[%swap3A_22, %swap3A_23] : memref<4x64xf32, #tpu.memory_space<vmem>>, vector<4x64xf32>
    tpu.vector_store %arg12[%swap3A_22, %swap3A_23], %add3A_21 {strides = array<i32>} : memref<4x64xf32, #tpu.memory_space<vmem>>, vector<4x64xf32>,
    %eq3A_25 = arith.constant 4 : i32
    %eq3A_26 = arith.cmpi eq, %arg0, %eq3A_25 : i32
    %convert_element_type3A_27 = arith.extui %eq3A_26 : i1 to i32
    %cond3A_28 = arith.constant 0 : i32
    %cond3A_29 = arith.cmpi ne, %convert_element_type3A_27, %cond3A_28 : i32
    scf.if %cond3A_29 {
      %get3A_30 = arith.constant 0 : index
      %get3A_31 = arith.constant 0 : index
      %get3A_32 = vector.load %arg11[%get3A_30, %get3A_31] : memref<4x30xf32, #tpu.memory_space<vmem>>, vector<4x30xf32>
      %get3A_33 = arith.constant 0 : index
      %get3A_34 = arith.constant 0 : index
      %get3A_35 = vector.load %arg4[%get3A_33, %get3A_34] : memref<1x30xf32, #tpu.memory_space<vmem>>, vector<1x30xf32>
      %add3A_36 = vector.broadcast %get3A_35 : vector<1x30xf32> to vector<4x30xf32>
      %add3A_37 = arith.addf %get3A_32, %add3A_36 : vector<4x30xf32>
      %max3A = arith.constant 0.000000e+00 : f32
      %max3A_38 = vector.broadcast %max3A : f32 to vector<4x30xf32>
      %max3A_39 = arith.maximumf %add3A_37, %max3A_38 : vector<4x30xf32>
      %iota3A = tpu.iota {dimensions = array<i32: 0>} : vector<30x30xi32>
      %jit3A = arith.constant 10 : i32
      %div3A = vector.broadcast %jit3A : i32 to vector<30x30xi32>
      %div3A_40 = arith.divsi %iota3A, %div3A : vector<30x30xi32>
      %sign3A = arith.constant 0 : i32
      %sign3A_41 = vector.broadcast %sign3A : i32 to vector<30x30xi32>
      %sign3A_42 = arith.cmpi sgt, %iota3A, %sign3A_41 : vector<30x30xi32>
      %sign3A_43 = arith.extui %sign3A_42 : vector<30x30xi1> to vector<30x30xi32>
      %sign3A_44 = arith.constant 0 : i32
      %sign3A_45 = vector.broadcast %sign3A_44 : i32 to vector<30x30xi32>
      %sign3A_46 = arith.cmpi slt, %iota3A, %sign3A_45 : vector<30x30xi32>
      %sign3A_47 = arith.extui %sign3A_46 : vector<30x30xi1> to vector<30x30xi32>
      %sign3A_48 = arith.subi %sign3A_43, %sign3A_47 : vector<30x30xi32>
      %sign3A_49 = arith.constant 0 : i32
      %sign3A_50 = arith.cmpi sgt, %jit3A, %sign3A_49 : i32
      %sign3A_51 = arith.extui %sign3A_50 : i1 to i32
      %sign3A_52 = arith.constant 0 : i32
      %sign3A_53 = arith.cmpi slt, %jit3A, %sign3A_52 : i32
      %sign3A_54 = arith.extui %sign3A_53 : i1 to i32
      %sign3A_55 = arith.subi %sign3A_51, %sign3A_54 : i32
      %ne3A = vector.broadcast %sign3A_55 : i32 to vector<30x30xi32>
      %ne3A_56 = arith.cmpi ne, %sign3A_48, %ne3A : vector<30x30xi32>
      %rem3A = vector.broadcast %jit3A : i32 to vector<30x30xi32>
      %rem3A_57 = arith.remsi %iota3A, %rem3A : vector<30x30xi32>
      %ne3A_58 = arith.constant 0 : i32
      %ne3A_59 = vector.broadcast %ne3A_58 : i32 to vector<30x30xi32>
      %ne3A_60 = arith.cmpi ne, %rem3A_57, %ne3A_59 : vector<30x30xi32>
      %and3A = arith.andi %ne3A_56, %ne3A_60 : vector<30x30xi1>
      %sub3A = arith.constant 1 : i32
      %sub3A_61 = vector.broadcast %sub3A : i32 to vector<30x30xi32>
      %sub3A_62 = arith.subi %div3A_40, %sub3A_61 : vector<30x30xi32>
      %select_n3A = arith.select %and3A, %sub3A_62, %div3A_40 : vector<30x30xi1>, vector<30x30xi32>
      %iota3A_63 = tpu.iota {dimensions = array<i32: 1>} : vector<30x30xi32>
      %jit3A_64 = arith.constant 10 : i32
      %div3A_65 = vector.broadcast %jit3A_64 : i32 to vector<30x30xi32>
      %div3A_66 = arith.divsi %iota3A_63, %div3A_65 : vector<30x30xi32>
      %sign3A_67 = arith.constant 0 : i32
      %sign3A_68 = vector.broadcast %sign3A_67 : i32 to vector<30x30xi32>
      %sign3A_69 = arith.cmpi sgt, %iota3A_63, %sign3A_68 : vector<30x30xi32>
      %sign3A_70 = arith.extui %sign3A_69 : vector<30x30xi1> to vector<30x30xi32>
      %sign3A_71 = arith.constant 0 : i32
      %sign3A_72 = vector.broadcast %sign3A_71 : i32 to vector<30x30xi32>
      %sign3A_73 = arith.cmpi slt, %iota3A_63, %sign3A_72 : vector<30x30xi32>
      %sign3A_74 = arith.extui %sign3A_73 : vector<30x30xi1> to vector<30x30xi32>
      %sign3A_75 = arith.subi %sign3A_70, %sign3A_74 : vector<30x30xi32>
      %sign3A_76 = arith.constant 0 : i32
      %sign3A_77 = arith.cmpi sgt, %jit3A_64, %sign3A_76 : i32
      %sign3A_78 = arith.extui %sign3A_77 : i1 to i32
      %sign3A_79 = arith.constant 0 : i32
      %sign3A_80 = arith.cmpi slt, %jit3A_64, %sign3A_79 : i32
      %sign3A_81 = arith.extui %sign3A_80 : i1 to i32
      %sign3A_82 = arith.subi %sign3A_78, %sign3A_81 : i32
      %ne3A_83 = vector.broadcast %sign3A_82 : i32 to vector<30x30xi32>
      %ne3A_84 = arith.cmpi ne, %sign3A_75, %ne3A_83 : vector<30x30xi32>
      %rem3A_85 = vector.broadcast %jit3A_64 : i32 to vector<30x30xi32>
      %rem3A_86 = arith.remsi %iota3A_63, %rem3A_85 : vector<30x30xi32>
      %ne3A_87 = arith.constant 0 : i32
      %ne3A_88 = vector.broadcast %ne3A_87 : i32 to vector<30x30xi32>
      %ne3A_89 = arith.cmpi ne, %rem3A_86, %ne3A_88 : vector<30x30xi32>
      %and3A_90 = arith.andi %ne3A_84, %ne3A_89 : vector<30x30xi1>
      %sub3A_91 = arith.constant 1 : i32
      %sub3A_92 = vector.broadcast %sub3A_91 : i32 to vector<30x30xi32>
      %sub3A_93 = arith.subi %div3A_66, %sub3A_92 : vector<30x30xi32>
      %select_n3A_94 = arith.select %and3A_90, %sub3A_93, %div3A_66 : vector<30x30xi1>, vector<30x30xi32>
      %eq3A_95 = arith.cmpi eq, %select_n3A, %select_n3A_94 : vector<30x30xi32>
      %jit3A_96 = arith.constant 1.000000e-01 : f32
      %jit3A_97 = arith.constant 0.000000e+00 : f32
      %broadcast_in_dim3A = vector.broadcast %jit3A_96 : f32 to vector<30x30xf32>
      %broadcast_in_dim3A_98 = vector.broadcast %jit3A_97 : f32 to vector<30x30xf32>
      %select_n3A_99 = arith.select %eq3A_95, %broadcast_in_dim3A, %broadcast_in_dim3A_98 : vector<30x30xi1>, vector<30x30xf32>
      %dot_general3A_100 = arith.constant dense<0.000000e+00> : vector<4x30xf32>
      %dot_general3A_101 = tpu.matmul %max3A_39, %select_n3A_99, %dot_general3A_100 {dimension_numbers = #tpu.dot_dimension_numbers<[1], [0], [0], [1], [0, 0, 1, 1], [], []>, transpose_lhs_hint = false} : vector<4x30xf32>, vector<30x30xf32>, vector<4x30xf32> -> vector<4x30xf32>
      %get3A_102 = arith.constant 0 : index
      %get3A_103 = arith.constant 0 : index
      %get3A_104 = vector.load %arg12[%get3A_102, %get3A_103] : memref<4x64xf32, #tpu.memory_space<vmem>>, vector<4x64xf32>
      %get3A_105 = arith.constant 0 : index
      %get3A_106 = arith.constant 0 : index
      %get3A_107 = vector.load %arg5[%get3A_105, %get3A_106] : memref<1x64xf32, #tpu.memory_space<vmem>>, vector<1x64xf32>
      %add3A_108 = vector.broadcast %get3A_107 : vector<1x64xf32> to vector<4x64xf32>
      %add3A_109 = arith.addf %get3A_104, %add3A_108 : vector<4x64xf32>
      %max3A_110 = arith.constant 0.000000e+00 : f32
      %max3A_111 = vector.broadcast %max3A_110 : f32 to vector<4x64xf32>
      %max3A_112 = arith.maximumf %add3A_109, %max3A_111 : vector<4x64xf32>
      %get3A_113 = arith.constant 0 : index
      %get3A_114 = arith.constant 0 : index
      %get3A_115 = vector.load %arg6[%get3A_113, %get3A_114] : memref<64x64xf32, #tpu.memory_space<vmem>>, vector<64x64xf32>
      %dot_general3A_116 = arith.constant dense<0.000000e+00> : vector<4x64xf32>
      %dot_general3A_117 = tpu.matmul %max3A_112, %get3A_115, %dot_general3A_116 {dimension_numbers = #tpu.dot_dimension_numbers<[1], [0], [0], [1], [0, 0, 1, 1], [], []>, transpose_lhs_hint = false} : vector<4x64xf32>, vector<64x64xf32>, vector<4x64xf32> -> vector<4x64xf32>
      %get3A_118 = arith.constant 0 : index
      %get3A_119 = arith.constant 0 : index
      %get3A_120 = vector.load %arg7[%get3A_118, %get3A_119] : memref<1x64xf32, #tpu.memory_space<vmem>>, vector<1x64xf32>
      %add3A_121 = vector.broadcast %get3A_120 : vector<1x64xf32> to vector<4x64xf32>
      %add3A_122 = arith.addf %dot_general3A_117, %add3A_121 : vector<4x64xf32>
      %max3A_123 = arith.constant 0.000000e+00 : f32
      %max3A_124 = vector.broadcast %max3A_123 : f32 to vector<4x64xf32>
      %max3A_125 = arith.maximumf %add3A_122, %max3A_124 : vector<4x64xf32>
      %get3A_126 = arith.constant 0 : index
      %get3A_127 = arith.constant 0 : index
      %get3A_128 = vector.load %arg8[%get3A_126, %get3A_127] : memref<64x1xf32, #tpu.memory_space<vmem>>, vector<64x1xf32>
      %dot_general3A_129 = arith.constant dense<0.000000e+00> : vector<4x1xf32>
      %dot_general3A_130 = tpu.matmul %max3A_125, %get3A_128, %dot_general3A_129 {dimension_numbers = #tpu.dot_dimension_numbers<[1], [0], [0], [1], [0, 0, 1, 1], [], []>, transpose_lhs_hint = false} : vector<4x64xf32>, vector<64x1xf32>, vector<4x1xf32> -> vector<4x1xf32>
      %get3A_131 = arith.constant 0 : index
      %get3A_132 = arith.constant 0 : index
      %get3A_133 = vector.load %arg9[%get3A_131, %get3A_132] : memref<1x1xf32, #tpu.memory_space<vmem>>, vector<1x1xf32>
      %add3A_134 = vector.broadcast %get3A_133 : vector<1x1xf32> to vector<4x1xf32>
      %add3A_135 = arith.addf %dot_general3A_130, %add3A_134 : vector<4x1xf32>
      %add3A_136 = vector.broadcast %add3A_135 : vector<4x1xf32> to vector<4x30xf32>
      %add3A_137 = arith.addf %add3A_136, %max3A_39 : vector<4x30xf32>
      %sub3A_138 = arith.subf %add3A_137, %dot_general3A_101 : vector<4x30xf32>
      %swap3A_139 = arith.constant 0 : index
      %swap3A_140 = arith.constant 0 : index
      %swap3A_141 = vector.load %arg10[%swap3A_139, %swap3A_140] : memref<4x30xf32, #tpu.memory_space<vmem>>, vector<4x30xf32>
      tpu.vector_store %arg10[%swap3A_139, %swap3A_140], %sub3A_138 {strides = array<i32>} : memref<4x30xf32, #tpu.memory_space<vmem>>, vector<4x30xf32>,
    } else {
    }
    return
  }
  func.func @transform_0(%arg0: i32) -> (i32, i32) {
    %c0_i32 = arith.constant 0 : i32
    %c0_i32_0 = arith.constant 0 : i32
    return %c0_i32, %arg0 : i32, i32
  }
  func.func @transform_1(%arg0: i32) -> (i32, i32) {
    %c0_i32 = arith.constant 0 : i32
    %c0_i32_0 = arith.constant 0 : i32
    return %c0_i32, %arg0 : i32, i32
  }
  func.func @transform_2(%arg0: i32) -> (i32, i32) {
    %c0_i32 = arith.constant 0 : i32
    %c0_i32_0 = arith.constant 0 : i32
    return %c0_i32, %arg0 : i32, i32
  }
  func.func @transform_3(%arg0: i32) -> (i32, i32) {
    %c0_i32 = arith.constant 0 : i32
    %c0_i32_0 = arith.constant 0 : i32
    %c0_i32_1 = arith.constant 0 : i32
    return %c0_i32, %c0_i32_0 : i32, i32
  }
  func.func @transform_4(%arg0: i32) -> (i32, i32) {
    %c0_i32 = arith.constant 0 : i32
    %c0_i32_0 = arith.constant 0 : i32
    %c0_i32_1 = arith.constant 0 : i32
    return %c0_i32, %c0_i32_0 : i32, i32
  }
  func.func @transform_5(%arg0: i32) -> (i32, i32) {
    %c0_i32 = arith.constant 0 : i32
    %c0_i32_0 = arith.constant 0 : i32
    %c0_i32_1 = arith.constant 0 : i32
    return %c0_i32, %c0_i32_0 : i32, i32
  }
  func.func @transform_6(%arg0: i32) -> (i32, i32) {
    %c0_i32 = arith.constant 0 : i32
    %c0_i32_0 = arith.constant 0 : i32
    %c0_i32_1 = arith.constant 0 : i32
    return %c0_i32, %c0_i32_0 : i32, i32
  }
  func.func @transform_7(%arg0: i32) -> (i32, i32) {
    %c0_i32 = arith.constant 0 : i32
    %c0_i32_0 = arith.constant 0 : i32
    %c0_i32_1 = arith.constant 0 : i32
    return %c0_i32, %c0_i32_0 : i32, i32
  }
  func.func @transform_8(%arg0: i32) -> (i32, i32) {
    %c0_i32 = arith.constant 0 : i32
    %c0_i32_0 = arith.constant 0 : i32
    %c0_i32_1 = arith.constant 0 : i32
    return %c0_i32, %c0_i32_0 : i32, i32
  }
  func.func @transform_9(%arg0: i32) -> (i32, i32) {
    %c0_i32 = arith.constant 0 : i32
    %c0_i32_0 = arith.constant 0 : i32
    %c0_i32_1 = arith.constant 0 : i32
    return %c0_i32, %c0_i32_0 : i32, i32
  }
}

</mosaic_0001>

<sc_bundles>
// kernel: kernel.10.cloned.1.call-start
scs
__scs_entry_jumppad:
0x0: {  	(pc) =	sbr.rel $0x88, $3  }
0x1: {  	(tag) =	ssettag $0x0;
	lr =	simm.s32 $0x1  }
0x2: {  	[smem:$0x3F8C] =	sst lr;
	_ =	strace $0xD0000000  }
0x3: {  	_ = 	snop  }
0x4: {  	_ = 	snop  }
0x5: {  	_ = 	snop  }
0x6: {  	_ = 	snop  }
0x7: {  	_ = 	snop  }
__scs_overlays_trampoline_lowered:
0x8: {  	[smem:$0x3F9B] =	sst s0  }
0x9: {  	[smem:$0x3F9C] =	sst s1  }
0xa: {  	[smem:$0x3F9D] =	sst s2  }
0xb: {  	[smem:$0x3F9E] =	sst s3  }
0xc: {  	[smem:$0x3F9F] =	sst s4  }
0xd: {  	[smem:$0x3FA0] =	sst s5  }
0xe: {  	[smem:$0x3FA1] =	sst s6  }
0xf: {  	[smem:$0x3FA2] =	sst s7  }
0x10: {  	[smem:$0x3FA3] =	sst s8  }
0x11: {  	[smem:$0x3FA4] =	sst s9;
	s0 =	simm.s32 @!p0 $0x0  }
0x12: {  	s1 =	sld [smem:$0x3F8A];
	s0 =	simm.s32 @p0 $0x1  }
0x13: {  	[smem:$0x3FA5] =	sst s0;
	s0 =	simm.s32 @!p1 $0x0  }
0x14: {  	s2 =	sld [smem:$0x3F89];
	s0 =	simm.s32 @p1 $0x1  }
0x15: {  	[smem:$0x3FA6] =	sst s0;
	s0 =	simm.s32 @!p2 $0x0  }
0x16: {  	s3 =	sld [smem:$0x3FDB];
	s0 =	simm.s32 @p2 $0x1  }
0x17: {  	s4 =	simm.s32 $0x1BF5;
	[smem:$0x3FA8] =	sst s0  }
0x18: {  	s0 =	sld [smem:$0x3F8B];
	_ =	swait.ge [sflag:s4], $0x0  }
0x19: {  	s7 =	sld [smem:$0x3F8C]  }
0x1a: {  	s8 =	sadd.s32 $0xFFFFE003, lr  }
0x1b: {  	s9 =	sadd.s32 $0xFFFFFEF7, lr;
	s5 =	simm.s32 $0xFFFFFFFF;
	p2 =	slt.u32 s8, $0xFFFFF086  }
0x1c: {  	p1 =	slt.u32 s9, $0xF7A;
	s5 =	simm.s32 @!p2 $0x0  }
0x1d: {  	s5 =	simm.s32 @p1 $0x1;
	p0 =	seq.s32 s7, s2  }
0x1e: {  	s7 =	smul.u32 @!p0 $0xF7A, s2;
	p2 =	seq.s32 @!p0 s5, $0x0  }
0x1f: {  	s9 =	smul.u32 $0xF7A, s1;
	s8 =	simm.s32 @!p0 $0x1BF5;
	p2 =	por !p2, p0  }
0x20: {  	[sflag:s8] =	ssyncset.s32 @!p0 $0xFFFFF086;
	s6 =	sadd.s32 @!p0 s3, s7;
	s7 =	simm.s32 @!p0 $0x108  }
0x21: {  	s3 =	sadd.s32 s3, s9;
	s6 =	sadd.s32 @!p0 $0x88, s6;
	s7 =	simm.s32 @p2 $0x1082  }
0x22: {  	[simem:s7], [sflag:s8] =	dma.local @!p0 [hbm:s6], $0xF7A  }
0x23: {  	s9 =	sor.u32 $0xD0000000, s2;
	s6 =	simm.s32 $0x108;
	_ =	swait.ge @!p0 [sflag:s8], $0x0  }
0x24: {  	s3 =	sadd.s32 $0x88, s3;
	s6 =	simm.s32 @!p1 $0x1082;
	[sflag:s4] =	ssyncset.s32 $0xFFFFF086  }
0x25: {  	[simem:s6], [sflag:s4] =	dma.local [hbm:s3], $0xF7A  }
0x26: {  	[smem:$0x3F8C] =	sst s1;
	(tag) =	ssettag s2;
	_ =	strace s9  }
0x27: {  	s1 =	sld [smem:$0x3F9C]  }
0x28: {  	s2 =	sld [smem:$0x3F9D]  }
0x29: {  	s4 =	sld [smem:$0x3F9F]  }
0x2a: {  	p0 =	seq.s32 s5, $0x0;
	s5 =	sld [smem:$0x3FA0]  }
0x2b: {  	s6 =	sld [smem:$0x3FA1]  }
0x2c: {  	s7 =	sld [smem:$0x3FA2]  }
0x2d: {  	s3 =	simm.s32 $0x108;
	s8 =	sld [smem:$0x3FA3]  }
0x2e: {  	s3 =	simm.s32 @!p0 $0x1082;
	s9 =	sld [smem:$0x3FA4]  }
0x2f: {  	lr =	sadd.s32 s0, s3;
	s0 =	sld [smem:$0x3F9B]  }
0x30: {  	s3 =	sld [smem:$0x3F9E]  }
0x31: {  	[smem:$0x3FA7] =	sst s10  }
0x32: {  	s10 =	sld [smem:$0x3FA5];
	_ =	sdelay $0x3  }
0x33: {  	p0 =	seq.s32 s10, $0x1;
	s10 =	sld [smem:$0x3FA7];
	_ =	sdelay $0x3  }
0x34: {  	[smem:$0x3FA7] =	sst s10  }
0x35: {  	s10 =	sld [smem:$0x3FA6];
	_ =	sdelay $0x3  }
0x36: {  	p1 =	seq.s32 s10, $0x1;
	s10 =	sld [smem:$0x3FA7];
	_ =	sdelay $0x3  }
0x37: {  	[smem:$0x3FA7] =	sst s10  }
0x38: {  	s10 =	sld [smem:$0x3FA8]  }
0x39: {  	_ = 	snop;
	(pc) =	sbr.ind lr, $3  }
0x3a: {  	_ = 	snop  }
0x3b: {  	_ = 	snop  }
0x3c: {  	p2 =	seq.s32 s10, $0x1;
	s10 =	sld [smem:$0x3FA7]  }
0x3d: {  	_ =	shalt  }
0x3e: {  	_ =	shalt  }
0x3f: {  	_ =	shalt  }
0x40: {  	_ =	shalt  }
0x41: {  	_ =	shalt  }
0x42: {  	_ =	shalt  }
0x43: {  	_ =	shalt  }
0x44: {  	_ =	shalt  }
0x45: {  	_ =	shalt  }
0x46: {  	_ =	shalt  }
0x47: {  	_ =	shalt  }
0x48: {  	_ =	shalt  }
0x49: {  	_ =	shalt  }
0x4a: {  	_ =	shalt  }
0x4b: {  	_ =	shalt  }
0x4c: {  	_ =	shalt  }
0x4d: {  	_ =	shalt  }
0x4e: {  	_ =	shalt  }
0x4f: {  	_ =	shalt  }
0x50: {  	_ =	shalt  }
0x51: {  	_ =	shalt  }
0x52: {  	_ =	shalt  }
0x53: {  	_ =	shalt  }
0x54: {  	_ =	shalt  }
0x55: {  	_ =	shalt  }
0x56: {  	_ =	shalt  }
0x57: {  	_ =	shalt  }
0x58: {  	_ =	shalt  }
0x59: {  	_ =	shalt  }
0x5a: {  	_ =	shalt  }
0x5b: {  	_ =	shalt  }
0x5c: {  	_ =	shalt  }
0x5d: {  	_ =	shalt  }
0x5e: {  	_ =	shalt  }
0x5f: {  	_ =	shalt  }
0x60: {  	_ =	shalt  }
0x61: {  	_ =	shalt  }
0x62: {  	_ =	shalt  }
0x63: {  	_ =	shalt  }
0x64: {  	_ =	shalt  }
0x65: {  	_ =	shalt  }
0x66: {  	_ =	shalt  }
0x67: {  	_ =	shalt  }
0x68: {  	_ =	shalt  }
0x69: {  	_ =	shalt  }
0x6a: {  	_ =	shalt  }
0x6b: {  	_ =	shalt  }
0x6c: {  	_ =	shalt  }
0x6d: {  	_ =	shalt  }
0x6e: {  	_ =	shalt  }
0x6f: {  	_ =	shalt  }
0x70: {  	_ =	shalt  }
0x71: {  	_ =	shalt  }
0x72: {  	_ =	shalt  }
0x73: {  	_ =	shalt  }
0x74: {  	_ =	shalt  }
0x75: {  	_ =	shalt  }
0x76: {  	_ =	shalt  }
0x77: {  	_ =	shalt  }
0x78: {  	_ =	shalt  }
0x79: {  	_ =	shalt  }
0x7a: {  	_ =	shalt  }
0x7b: {  	_ =	shalt  }
0x7c: {  	_ =	shalt  }
0x7d: {  	_ =	shalt  }
0x7e: {  	_ =	shalt  }
0x7f: {  	_ =	shalt  }
0x80: {  	_ =	shalt  }
0x81: {  	_ =	shalt  }
0x82: {  	_ =	shalt  }
0x83: {  	_ =	shalt  }
0x84: {  	_ =	shalt  }
0x85: {  	_ =	shalt  }
0x86: {  	_ =	shalt  }
0x87: {  	_ =	shalt  }
.Lfunc_end0:
.L_simem_size_0:
called_computation.1_lowered:
.L_overlay_start_0:
0x88: {  	s2 =	sld [smem:$0x3FD9]  }
0x89: {  	s3 =	sld [smem:$0x3FFE];
	_ =	sdelay $0x1  }
0x8a: {  	s1 =	srdreg.scid  }
0x8b: {  	s0 =	sand.u32 $0x1, s1  }
0x8c: {  	s16 =	sshll.u32 s0, $0xA;
	s2 =	sadd.s32 s3, s2  }
0x8d: {  	s2 =	sadd.s32 s2, s16  }
0x8e: {  	[smem:$0x3FB3] =	sst s2  }
0x8f: {  	_ = 	snop  }
0x90: {  	(tm) =	ssettm $0x1  }
0x91: {  	s17 =	sld [smem:$0x3FFB];
	_ =	sdelay $0x3  }
0x92: {  	_ =	strace s17  }
0x93: {  	s2 =	sld [smem:$0x3FFC];
	_ =	sdelay $0x3  }
0x94: {  	_ =	strace s2  }
0x95: {  	s2 =	sld [smem:$0x3FFD];
	_ =	sdelay $0x3  }
0x96: {  	_ =	strace s2  }
0x97: {  	_ =	strace $0x8FFFFFFF  }
0x98: {  	s18 =	sld [smem:$0x3FDB];
	_ =	sdelay $0x1  }
0x99: {  	s19 =	simm.s32 $_scs_section_size  }
0x9a: {  	s4 =	simm.s32 $_size__tile_overlayer_lowered;
	s5 =	simm.s32 $_tile_overlayer_lowered  }
0x9b: {  	s22 =	simm.s32 $0x1BFF;
	s21 =	sshll.u32 s5, $0x1;
	s2 =	sadd.s32 s19, s18  }
0x9c: {  	s6 =	simm.s32 $0x0;
	s20 =	sshll.u32 s4, $0x1;
	s4 =	sadd.s32 s21, s2  }
0x9d: {  	[timem:s6], [sflag:s22] =	dma.local [hbm:s4], s20  }
0x9e: {  	_ =	swait.ge [sflag:s22], s20  }
0x9f: {  	s3 =	ssub.s32 $0x0, s20;
	[sflag:s22] =	ssyncset.done $0x0  }
0xa0: {  	[sflag:s22] =	ssyncadd.s32 s3;
	_ =	sdelay $0x1  }
0xa1: {  	s23 =	simm.s32 $0x1B8B  }
0xa2: {  	_ =	swait.ge [sflag:s23], $0x1  }
0xa3: {  	[sflag:s23] =	ssyncset.done $0x0  }
0xa4: {  	s25 =	simm.s32 $0x1B8E;
	s24 =	sld [smem:$0x3FFE];
	[sflag:s23] =	ssyncadd.s32 $0xFFFFFFFF  }
0xa5: {  	s26 =	simm.s32 $execute0_lowered;
	[smem:$0x3FD2] =	sst s25  }
0xa6: {  	s4 =	sshll.u32 s26, $0x1;
	_ =	strace $0x80000049;
	[dreg:$0x1] =	wrdreg $0xFFFFFFFF  }
0xa7: {  	s28 =	simm.s32 $_size_execute0_lowered;
	s2 =	sadd.s32 s2, s4;
	[dreg:$0x0] =	wrdreg $0x0  }
0xa8: {  	s4 =	sshll.u32 s28, $0x1;
	[dreg:$0x2] =	wrdreg s2  }
0xa9: {  	[dreg:$0x3] =	wrdreg s4  }
0xaa: {  	[dreg:$0x4] =	wrdreg $0xC0  }
0xab: {  	_ =	task [dreg:s6], $0x5FFFF  }
0xac: {  	[dreg:$0x1] =	wrdreg $0xFFFFFFFF  }
0xad: {  	[dreg:$0x0] =	wrdreg $0x60  }
0xae: {  	[dreg:$0x2] =	wrdreg s24  }
0xaf: {  	[dreg:$0x3] =	wrdreg $0x14C800  }
0xb0: {  	[dreg:$0x4] =	wrdreg $0x9  }
0xb1: {  	_ =	task.clear_ibuf [dreg:s6], $0x5FFFF;
	_ =	strace $0x90000049  }
0xb2: {  	s29 =	simm.s32 $0x9;
	_ =	strace $0x8000004B  }
0xb3: {  	_ =	swait.ge [sflag:s29], $0x1  }
0xb4: {  	[sflag:s29] =	ssyncadd.s32 $0xFFFFFFFF  }
0xb5: {  	_ =	strace $0x9000004B  }
0xb6: {  	_ =	sfence  }
0xb7: {  	s30 =	sld [smem:$0x0];
	_ =	sdelay $0x2  }
0xb8: {  	s31 =	sshll.u32 s1, $0xD;
	s1 =	sshrl.u32 s1, $0x2  }
0xb9: {  	s3 =	sand.u32 $0x4000, s31;
	s1 =	sadd.s32 s1, s30  }
0xba: {  	s0 =	sor.u32 s3, s0;
	s1 =	sshll.u32 s1, $0x11  }
0xbb: {  	s0 =	sor.u32 s1, s0  }
0xbc: {  	s0 =	sadd.s32 $0x8F2B, s0  }
0xbd: {  	[sflag:s0] =	ssyncadd.remote.s32 $0x1  }
0xbe: {  	_ =	sfence.sel $0xFFFF  }
0xbf: {  	[dreg:$0x0] =	wrdreg $0xFFFFFFFF;
	(pc) =	sbr.abs _section_cstart, $3  }
0xc0: {  	[dreg:$0x1] =	wrdreg $0xFFFFFFFF  }
0xc1: {  	_ =	task.clear_ibuf [dreg:s6], $0x2FFFF;
	_ =	strace $0x9FFFFFFF  }
0xc2: {  	(tm) =	ssettm $0x7FFFFFFF  }
0xc3: {  	_ =	shalt  }
tec
execute0_lowered:
.L_overlay_start_1:
0x0: {  	(tag) =	ssettag $0x1  }
0x1: {  	s0 =	srdreg.scid  }
0x2: {  	s13 =	stileid.u32;
	s4 =	rddreg [dreg:$0x0]  }
0x3: {  	s1 =	rddreg [dreg:$0x1];
	s2 =	simm.s32 $0x0;
	s11 =	simm.s32 $0x7D  }
0x4: {  	s12 =	simm.s32 $0x1;
	s3 =	sand.u32 $0x1, s0;
	s0 =	rddreg [dreg:$0x2]  }
0x5: {  	s15 =	simm.s32 $0x0;
	s31 =	sshll.u32 s13, $0x1;
	[smem:$0x7FF] =	sst s2  }
0x6: {  	s8 =	smul.u32 $0x2710, s13;
	p0 =	sne.s32 s13, $0x0;
	s13 =	sshll.u32 s13, $0x6  }
0x7: {  	s5 =	sor.u32 s3, s31;
	s7 =	smul.u32 $0x27100, s3;
	_ =	strace $0x8000004A  }
0x8: {  	s9 =	ssub.s32 $0x2, s3;
	s3 =	sadd.s32 $0x3800, s4;
	s6 =	smul.u32 $0x2710, s5  }
0x9: {  	s13 =	sor.u32 $0x1C02, s13;
	s5 =	smul.u32 $0x280, s5;
	s10 =	sshrl.u32 s9, $0x1  }
0xa: {  	s14 =	sadd.s32 s8, s1;
	s7 =	sadd.s32 s8, s7;
	s9 =	ssub.s32 s9, s10  }
0xb: {  	s8 =	simm.s32 $0x2;
	s10 =	sshrl.u32 @!p0 s1, $0x3;
	s14 =	sshrl.u32 s14, $0x3  }
0xc: {  	s6 =	sadd.s32 s6, s4;
	s5 =	sadd.s32 s5, s4;
	s7 =	sshrl.u32 s7, $0x3  }
0xd: {  	s7 =	sadd.s32 s7, s4;
	s4 =	sadd.s32 $0xF7E00, s5;
	s5 =	sadd.s32 $0xA4C00, s6  }
0xe: {  	s6 =	sadd.s32 $0xFCE00, s7;
	s7 =	smax.u32 s9, $0x1;
	s9 =	simm.s32 $0x1400  }
.LBB2_1:
0xf: {  	[tilespmem:s2], [sflag:$0x2] =	stream.linear.gather [hbm4b:s4+s2], $0x1400, $0x38;
	[tilespmem:$0x17390] =	vst v63  }
0x10: {  	_ =	swait.ge [sflag:s8], $0x1400  }
0x11: {  	[sflag:s8] =	ssyncset.done $0x0  }
0x12: {  	[sflag:s8] =	ssyncadd.s32 $0xFFFFEC00  }
0x13: {  	[tilespmem:s9], [sflag:$0x2] =	stream.linear.gather [hbm4b:s5+s2], $0x13880, $0x38;
	[tilespmem:$0x17390] =	vst v63  }
0x14: {  	_ =	swait.ge [sflag:s8], $0x13880  }
0x15: {  	[sflag:s8] =	ssyncset.done $0x0  }
0x16: {  	s16 =	simm.s32 @!p0 $0x1C02;
	[sflag:s8] =	ssyncadd.s32 $0xFFFEC780  }
0x17: {  	[spmem:s10], [sflag:s16] =	dma.local @!p0 [hbm:s3], $0x4E20  }
0x18: {  	s16 =	simm.s32 @!p0 $0x2  }
0x19: {  	_ =	swait.ge @!p0 [sflag:s16], $0x4E20  }
0x1a: {  	[sflag:s16] =	ssyncset.done @!p0 $0x0  }
0x1b: {  	[sflag:s16] =	ssyncadd.s32 @!p0 $0xFFFFB1E0  }
0x1c: {  	s17 =	simm.s32 $0x0;
	s16 =	simm.s32 $0x1400;
	[bflag:$0x0] =	sbarrier.arrive $0xFFFF  }
.LBB2_2:
0x1d: {  	p1 =	sne.s32 s17, $0x4E00  }
.Ltmp0:
0x1e: {  	_ = 	snop;
	(pc) =	sbr.rel @p1 .LBB2_2-.Ltmp0, $4  }
0x1f: {  	_ = 	snop  }
0x20: {  	s18 =	sshra.s32 s17, $0x2  }
0x21: {  	[spmem:s1] =	stream.indirect.scatter.add.f32 [tilespmem:s16], [sflag:$0x1], $0x10, s18, s11, $0xb8;
	[tilespmem:$0x17390] =	vst v63  }
0x22: {  	s17 =	sadd.s32 $0x200, s17;
	s16 =	sadd.s32 $0x7D0, s16  }
0x23: {  	_ =	swait.ge [sflag:s12], $0x7D0  }
0x24: {  	s16 =	simm.s32 $0x27;
	[sflag:s12] =	ssyncset.done $0x0  }
.LBB2_4:
0x25: {  	p1 =	sne.s32 s16, $0x1;
	s16 =	sadd.s32 $0xFFFFFFFF, s16;
	[sflag:s12] =	ssyncadd.s32 $0xFFFFF830  }
.Ltmp1:
0x26: {  	(pc) =	sbr.rel @p1 .LBB2_4-.Ltmp1, $3  }
0x27: {  	_ =	sdelay $0x1  }
0x28: {  	_ =	swait.ge [sflag:s12], $0x7D0  }
0x29: {  	[sflag:s12] =	ssyncset.done $0x0  }
0x2a: {  	s15 =	sadd.s32 $0x1, s15  }
0x2b: {  	[sflag:s12] =	ssyncadd.s32 $0xFFFFF830;
	p1 =	sne.s32 s15, s7  }
.Ltmp2:
0x2c: {  	[bflag:$0x0] =	sbarrier.arrive $0xFFFF;
	(pc) =	sbr.rel @p1 .LBB2_1-.Ltmp2, $4  }
0x2d: {  	[hbm:s6], [sflag:s13] =	dma.local [spmem:s14], $0x4E2  }
0x2e: {  	_ =	swait.ge [sflag:s8], $0x4E2  }
0x2f: {  	[sflag:s8] =	ssyncset.done $0x0  }
0x30: {  	[sflag:s8] =	ssyncadd.s32 $0xFFFFFB1E  }
0x31: {  	_ =	sfence.sel $0x180000  }
0x32: {  	[bflag:$0x0] =	sbarrier.arrive $0xFFFF  }
0x33: {  	_ =	strace $0x9000004A  }
0x34: {  	s0 =	sadd.s32 @!p0 $0x100000, s0;
	[bflag:$0x2] =	sbarrier.arrive $0xFFFF  }
0x35: {  	[sflag:s0] =	ssyncadd.tile.s32 @!p0 $0x1;
	_ =	shalt  }
.Lfunc_end2:
_tile_overlayer_lowered:
.L_overlay_start_2:
0x36: {  	(tag) =	ssettag $0x2  }
0x37: {  	s0 =	rddreg [dreg:$0x0];
	s2 =	stileid.u32  }
0x38: {  	s1 =	rddreg [dreg:$0x1];
	p0 =	sne.s32 s2, $0x0  }
0x39: {  	s3 =	rddreg [dreg:$0x2];
	[bflag:$0x3] =	sbarrier.arrive $0xFFFF;
	s2 =	simm.s32 @!p0 $0x1C02  }
0x3a: {  	[timem:s3], [sflag:s2] =	dma.local @!p0 [hbm:s0], s1  }
0x3b: {  	s0 =	simm.s32 @!p0 $0x2  }
0x3c: {  	_ =	swait.ge @!p0 [sflag:s0], s1  }
0x3d: {  	s1 =	ssub.s32 @!p0 $0x0, s1;
	[sflag:s0] =	ssyncset.done @!p0 $0x0  }
0x3e: {  	[sflag:s0] =	ssyncadd.s32 @!p0 s1  }
0x3f: {  	[bflag:$0x3] =	sbarrier.arrive $0xFFFF  }
0x40: {  	_ =	shalt  }

// kernel: kernel.7.cloned.1.call-start
scs
__scs_entry_jumppad:
0x0: {  	(pc) =	sbr.rel $0x88, $3  }
0x1: {  	(tag) =	ssettag $0x0;
	lr =	simm.s32 $0x1  }
0x2: {  	[smem:$0x3F8C] =	sst lr;
	_ =	strace $0xD0000000  }
0x3: {  	_ = 	snop  }
0x4: {  	_ = 	snop  }
0x5: {  	_ = 	snop  }
0x6: {  	_ = 	snop  }
0x7: {  	_ = 	snop  }
__scs_overlays_trampoline_lowered:
0x8: {  	[smem:$0x3F9B] =	sst s0  }
0x9: {  	[smem:$0x3F9C] =	sst s1  }
0xa: {  	[smem:$0x3F9D] =	sst s2  }
0xb: {  	[smem:$0x3F9E] =	sst s3  }
0xc: {  	[smem:$0x3F9F] =	sst s4  }
0xd: {  	[smem:$0x3FA0] =	sst s5  }
0xe: {  	[smem:$0x3FA1] =	sst s6  }
0xf: {  	[smem:$0x3FA2] =	sst s7  }
0x10: {  	[smem:$0x3FA3] =	sst s8  }
0x11: {  	[smem:$0x3FA4] =	sst s9;
	s0 =	simm.s32 @!p0 $0x0  }
0x12: {  	s1 =	sld [smem:$0x3F8A];
	s0 =	simm.s32 @p0 $0x1  }
0x13: {  	[smem:$0x3FA5] =	sst s0;
	s0 =	simm.s32 @!p1 $0x0  }
0x14: {  	s2 =	sld [smem:$0x3F89];
	s0 =	simm.s32 @p1 $0x1  }
0x15: {  	[smem:$0x3FA6] =	sst s0;
	s0 =	simm.s32 @!p2 $0x0  }
0x16: {  	s3 =	sld [smem:$0x3FDB];
	s0 =	simm.s32 @p2 $0x1  }
0x17: {  	s4 =	simm.s32 $0x1BF5;
	[smem:$0x3FA8] =	sst s0  }
0x18: {  	s0 =	sld [smem:$0x3F8B];
	_ =	swait.ge [sflag:s4], $0x0  }
0x19: {  	s7 =	sld [smem:$0x3F8C]  }
0x1a: {  	s8 =	sadd.s32 $0xFFFFE003, lr  }
0x1b: {  	s9 =	sadd.s32 $0xFFFFFEF7, lr;
	s5 =	simm.s32 $0xFFFFFFFF;
	p2 =	slt.u32 s8, $0xFFFFF086  }
0x1c: {  	p1 =	slt.u32 s9, $0xF7A;
	s5 =	simm.s32 @!p2 $0x0  }
0x1d: {  	s5 =	simm.s32 @p1 $0x1;
	p0 =	seq.s32 s7, s2  }
0x1e: {  	s7 =	smul.u32 @!p0 $0xF7A, s2;
	p2 =	seq.s32 @!p0 s5, $0x0  }
0x1f: {  	s9 =	smul.u32 $0xF7A, s1;
	s8 =	simm.s32 @!p0 $0x1BF5;
	p2 =	por !p2, p0  }
0x20: {  	[sflag:s8] =	ssyncset.s32 @!p0 $0xFFFFF086;
	s6 =	sadd.s32 @!p0 s3, s7;
	s7 =	simm.s32 @!p0 $0x108  }
0x21: {  	s3 =	sadd.s32 s3, s9;
	s6 =	sadd.s32 @!p0 $0x88, s6;
	s7 =	simm.s32 @p2 $0x1082  }
0x22: {  	[simem:s7], [sflag:s8] =	dma.local @!p0 [hbm:s6], $0xF7A  }
0x23: {  	s9 =	sor.u32 $0xD0000000, s2;
	s6 =	simm.s32 $0x108;
	_ =	swait.ge @!p0 [sflag:s8], $0x0  }
0x24: {  	s3 =	sadd.s32 $0x88, s3;
	s6 =	simm.s32 @!p1 $0x1082;
	[sflag:s4] =	ssyncset.s32 $0xFFFFF086  }
0x25: {  	[simem:s6], [sflag:s4] =	dma.local [hbm:s3], $0xF7A  }
0x26: {  	[smem:$0x3F8C] =	sst s1;
	(tag) =	ssettag s2;
	_ =	strace s9  }
0x27: {  	s1 =	sld [smem:$0x3F9C]  }
0x28: {  	s2 =	sld [smem:$0x3F9D]  }
0x29: {  	s4 =	sld [smem:$0x3F9F]  }
0x2a: {  	p0 =	seq.s32 s5, $0x0;
	s5 =	sld [smem:$0x3FA0]  }
0x2b: {  	s6 =	sld [smem:$0x3FA1]  }
0x2c: {  	s7 =	sld [smem:$0x3FA2]  }
0x2d: {  	s3 =	simm.s32 $0x108;
	s8 =	sld [smem:$0x3FA3]  }
0x2e: {  	s3 =	simm.s32 @!p0 $0x1082;
	s9 =	sld [smem:$0x3FA4]  }
0x2f: {  	lr =	sadd.s32 s0, s3;
	s0 =	sld [smem:$0x3F9B]  }
0x30: {  	s3 =	sld [smem:$0x3F9E]  }
0x31: {  	[smem:$0x3FA7] =	sst s10  }
0x32: {  	s10 =	sld [smem:$0x3FA5];
	_ =	sdelay $0x3  }
0x33: {  	p0 =	seq.s32 s10, $0x1;
	s10 =	sld [smem:$0x3FA7];
	_ =	sdelay $0x3  }
0x34: {  	[smem:$0x3FA7] =	sst s10  }
0x35: {  	s10 =	sld [smem:$0x3FA6];
	_ =	sdelay $0x3  }
0x36: {  	p1 =	seq.s32 s10, $0x1;
	s10 =	sld [smem:$0x3FA7];
	_ =	sdelay $0x3  }
0x37: {  	[smem:$0x3FA7] =	sst s10  }
0x38: {  	s10 =	sld [smem:$0x3FA8]  }
0x39: {  	_ = 	snop;
	(pc) =	sbr.ind lr, $3  }
0x3a: {  	_ = 	snop  }
0x3b: {  	_ = 	snop  }
0x3c: {  	p2 =	seq.s32 s10, $0x1;
	s10 =	sld [smem:$0x3FA7]  }
0x3d: {  	_ =	shalt  }
0x3e: {  	_ =	shalt  }
0x3f: {  	_ =	shalt  }
0x40: {  	_ =	shalt  }
0x41: {  	_ =	shalt  }
0x42: {  	_ =	shalt  }
0x43: {  	_ =	shalt  }
0x44: {  	_ =	shalt  }
0x45: {  	_ =	shalt  }
0x46: {  	_ =	shalt  }
0x47: {  	_ =	shalt  }
0x48: {  	_ =	shalt  }
0x49: {  	_ =	shalt  }
0x4a: {  	_ =	shalt  }
0x4b: {  	_ =	shalt  }
0x4c: {  	_ =	shalt  }
0x4d: {  	_ =	shalt  }
0x4e: {  	_ =	shalt  }
0x4f: {  	_ =	shalt  }
0x50: {  	_ =	shalt  }
0x51: {  	_ =	shalt  }
0x52: {  	_ =	shalt  }
0x53: {  	_ =	shalt  }
0x54: {  	_ =	shalt  }
0x55: {  	_ =	shalt  }
0x56: {  	_ =	shalt  }
0x57: {  	_ =	shalt  }
0x58: {  	_ =	shalt  }
0x59: {  	_ =	shalt  }
0x5a: {  	_ =	shalt  }
0x5b: {  	_ =	shalt  }
0x5c: {  	_ =	shalt  }
0x5d: {  	_ =	shalt  }
0x5e: {  	_ =	shalt  }
0x5f: {  	_ =	shalt  }
0x60: {  	_ =	shalt  }
0x61: {  	_ =	shalt  }
0x62: {  	_ =	shalt  }
0x63: {  	_ =	shalt  }
0x64: {  	_ =	shalt  }
0x65: {  	_ =	shalt  }
0x66: {  	_ =	shalt  }
0x67: {  	_ =	shalt  }
0x68: {  	_ =	shalt  }
0x69: {  	_ =	shalt  }
0x6a: {  	_ =	shalt  }
0x6b: {  	_ =	shalt  }
0x6c: {  	_ =	shalt  }
0x6d: {  	_ =	shalt  }
0x6e: {  	_ =	shalt  }
0x6f: {  	_ =	shalt  }
0x70: {  	_ =	shalt  }
0x71: {  	_ =	shalt  }
0x72: {  	_ =	shalt  }
0x73: {  	_ =	shalt  }
0x74: {  	_ =	shalt  }
0x75: {  	_ =	shalt  }
0x76: {  	_ =	shalt  }
0x77: {  	_ =	shalt  }
0x78: {  	_ =	shalt  }
0x79: {  	_ =	shalt  }
0x7a: {  	_ =	shalt  }
0x7b: {  	_ =	shalt  }
0x7c: {  	_ =	shalt  }
0x7d: {  	_ =	shalt  }
0x7e: {  	_ =	shalt  }
0x7f: {  	_ =	shalt  }
0x80: {  	_ =	shalt  }
0x81: {  	_ =	shalt  }
0x82: {  	_ =	shalt  }
0x83: {  	_ =	shalt  }
0x84: {  	_ =	shalt  }
0x85: {  	_ =	shalt  }
0x86: {  	_ =	shalt  }
0x87: {  	_ =	shalt  }
.Lfunc_end0:
.L_simem_size_0:
called_computation_lowered:
.L_overlay_start_0:
0x88: {  	s2 =	sld [smem:$0x3FD9]  }
0x89: {  	s3 =	sld [smem:$0x3FFE];
	_ =	sdelay $0x1  }
0x8a: {  	s1 =	srdreg.scid  }
0x8b: {  	s0 =	sand.u32 $0x1, s1  }
0x8c: {  	s16 =	sshll.u32 s0, $0xA;
	s2 =	sadd.s32 s3, s2  }
0x8d: {  	s2 =	sadd.s32 s2, s16  }
0x8e: {  	[smem:$0x3FB3] =	sst s2  }
0x8f: {  	_ = 	snop  }
0x90: {  	(tm) =	ssettm $0x1  }
0x91: {  	s17 =	sld [smem:$0x3FFB];
	_ =	sdelay $0x3  }
0x92: {  	_ =	strace s17  }
0x93: {  	s2 =	sld [smem:$0x3FFC];
	_ =	sdelay $0x3  }
0x94: {  	_ =	strace s2  }
0x95: {  	s2 =	sld [smem:$0x3FFD];
	_ =	sdelay $0x3  }
0x96: {  	_ =	strace s2  }
0x97: {  	_ =	strace $0x8FFFFFFF  }
0x98: {  	s18 =	sld [smem:$0x3FDB];
	_ =	sdelay $0x1  }
0x99: {  	s19 =	simm.s32 $_scs_section_size  }
0x9a: {  	s4 =	simm.s32 $_size__tile_overlayer_lowered;
	s5 =	simm.s32 $_tile_overlayer_lowered  }
0x9b: {  	s22 =	simm.s32 $0x1BFF;
	s21 =	sshll.u32 s5, $0x1;
	s2 =	sadd.s32 s19, s18  }
0x9c: {  	s6 =	simm.s32 $0x0;
	s20 =	sshll.u32 s4, $0x1;
	s4 =	sadd.s32 s21, s2  }
0x9d: {  	[timem:s6], [sflag:s22] =	dma.local [hbm:s4], s20  }
0x9e: {  	_ =	swait.ge [sflag:s22], s20  }
0x9f: {  	s3 =	ssub.s32 $0x0, s20;
	[sflag:s22] =	ssyncset.done $0x0  }
0xa0: {  	[sflag:s22] =	ssyncadd.s32 s3;
	_ =	sdelay $0x1  }
0xa1: {  	s23 =	simm.s32 $0x1B8B  }
0xa2: {  	_ =	swait.ge [sflag:s23], $0x1  }
0xa3: {  	[sflag:s23] =	ssyncset.done $0x0  }
0xa4: {  	s25 =	simm.s32 $0x1B8E;
	s24 =	sld [smem:$0x3FFE];
	[sflag:s23] =	ssyncadd.s32 $0xFFFFFFFF  }
0xa5: {  	s26 =	simm.s32 $execute0_lowered;
	[smem:$0x3FD2] =	sst s25  }
0xa6: {  	s4 =	sshll.u32 s26, $0x1;
	_ =	strace $0x80000046;
	[dreg:$0x1] =	wrdreg $0xFFFFFFFF  }
0xa7: {  	s28 =	simm.s32 $_size_execute0_lowered;
	s2 =	sadd.s32 s2, s4;
	[dreg:$0x0] =	wrdreg $0x0  }
0xa8: {  	s4 =	sshll.u32 s28, $0x1;
	[dreg:$0x2] =	wrdreg s2  }
0xa9: {  	[dreg:$0x3] =	wrdreg s4  }
0xaa: {  	[dreg:$0x4] =	wrdreg $0xC0  }
0xab: {  	_ =	task [dreg:s6], $0x5FFFF  }
0xac: {  	[dreg:$0x1] =	wrdreg $0xFFFFFFFF  }
0xad: {  	[dreg:$0x0] =	wrdreg $0x60  }
0xae: {  	[dreg:$0x2] =	wrdreg s24  }
0xaf: {  	[dreg:$0x3] =	wrdreg $0x9  }
0xb0: {  	_ =	task.clear_ibuf [dreg:s6], $0x4FFFF;
	_ =	strace $0x90000046  }
0xb1: {  	s29 =	simm.s32 $0x9;
	_ =	strace $0x80000048  }
0xb2: {  	_ =	swait.ge [sflag:s29], $0x1  }
0xb3: {  	[sflag:s29] =	ssyncadd.s32 $0xFFFFFFFF  }
0xb4: {  	_ =	strace $0x90000048  }
0xb5: {  	_ =	sfence  }
0xb6: {  	s30 =	sld [smem:$0x0];
	_ =	sdelay $0x2  }
0xb7: {  	s31 =	sshll.u32 s1, $0xD;
	s1 =	sshrl.u32 s1, $0x2  }
0xb8: {  	s3 =	sand.u32 $0x4000, s31;
	s1 =	sadd.s32 s1, s30  }
0xb9: {  	s0 =	sor.u32 s3, s0;
	s1 =	sshll.u32 s1, $0x11  }
0xba: {  	s0 =	sor.u32 s1, s0  }
0xbb: {  	s0 =	sadd.s32 $0x8F2B, s0  }
0xbc: {  	[sflag:s0] =	ssyncadd.remote.s32 $0x1  }
0xbd: {  	_ =	sfence.sel $0xFFFF  }
0xbe: {  	[dreg:$0x0] =	wrdreg $0xFFFFFFFF;
	(pc) =	sbr.abs _section_cstart, $3  }
0xbf: {  	[dreg:$0x1] =	wrdreg $0xFFFFFFFF  }
0xc0: {  	_ =	task.clear_ibuf [dreg:s6], $0x2FFFF;
	_ =	strace $0x9FFFFFFF  }
0xc1: {  	(tm) =	ssettm $0x7FFFFFFF  }
tec
execute0_lowered:
.L_overlay_start_1:
0x0: {  	(tag) =	ssettag $0x1  }
0x1: {  	s1 =	srdreg.scid;
	s0 =	stileid.u32  }
0x2: {  	s6 =	sand.u32 $0x1, s1;
	s30 =	sshll.u32 s0, $0x1  }
0x3: {  	s8 =	rddreg [dreg:$0x0];
	s7 =	sor.u32 s6, s30  }
0x4: {  	s2 =	simm.s32 $0x0;
	s1 =	rddreg [dreg:$0x1];
	s3 =	smul.u32 $0x271, s7  }
0x5: {  	[smem:$0x7FF] =	sst s2;
	s5 =	sadd.s32 $0xA4C00, s8  }
0x6: {  	_ =	strace $0x80000047;
	s10 =	ssub.s32 $0x2, s6;
	s3 =	sadd.s32 s3, s8  }
0x7: {  	s6 =	simm.s32 $0x1388;
	s4 =	sadd.s32 $0x3800, s3;
	s3 =	simm.s32 $0x2  }
0x8: {  	[tilespmem:s2], [sflag:$0x2] =	stream.linear.gather [hbm4b:s4+s2], $0x1388, $0x38;
	[tilespmem:$0x14C08] =	vst v63  }
0x9: {  	s9 =	smul.u32 $0x2710, s7;
	s11 =	sshrl.u32 s10, $0x1;
	_ =	swait.ge [sflag:s3], $0x1388  }
0xa: {  	s7 =	simm.s32 $0x1;
	s31 =	ssub.s32 s10, s11;
	[sflag:s3] =	ssyncset.done $0x0  }
0xb: {  	s8 =	sadd.s32 s9, s8;
	s9 =	smax.u32 s31, $0x1;
	[sflag:s3] =	ssyncadd.s32 $0xFFFFEC78  }
0xc: {  	[tilespmem:s6], [sflag:$0x1] =	stream.indirect.gather [hbm4b:s5+s6], $0x10, s2, s6, $0xb8;
	[tilespmem:$0x14C08] =	vst v63  }
0xd: {  	p0 =	sne.s32 s9, $0x1;
	_ =	swait.ge [sflag:s7], $0x13880  }
.Ltmp0:
0xe: {  	[sflag:s7] =	ssyncset.done $0x0;
	(pc) =	sbr.rel @!p0 .LBB2_2-.Ltmp0, $4  }
0xf: {  	s8 =	sadd.s32 $0xA9C00, s8;
	[sflag:s7] =	ssyncadd.s32 $0xFFFEC780  }
0x10: {  	[hbm4b:s8+s2] =	stream.linear.scatter [tilespmem:s6], [sflag:$0x2], $0x13880, $0x38;
	[tilespmem:$0x14C08] =	vst v63  }
0x11: {  	_ =	swait.ge [sflag:s3], $0x13880  }
0x12: {  	s9 =	sadd.s32 $0xFFFFFFFF, s9;
	[sflag:s3] =	ssyncset.done $0x0  }
.LBB2_1:
0x13: {  	p0 =	sne.s32 s9, $0x1;
	s9 =	sadd.s32 $0xFFFFFFFF, s9;
	[sflag:s3] =	ssyncadd.s32 $0xFFFEC780  }
0x14: {  	[tilespmem:s2], [sflag:$0x2] =	stream.linear.gather [hbm4b:s4+s2], $0x1388, $0x38;
	[tilespmem:$0x14C08] =	vst v63  }
0x15: {  	_ =	swait.ge [sflag:s3], $0x1388  }
0x16: {  	[sflag:s3] =	ssyncset.done $0x0  }
0x17: {  	[sflag:s3] =	ssyncadd.s32 $0xFFFFEC78  }
0x18: {  	[tilespmem:s6], [sflag:$0x1] =	stream.indirect.gather [hbm4b:s5+s6], $0x10, s2, s6, $0xb8;
	[tilespmem:$0x14C08] =	vst v63  }
0x19: {  	_ =	swait.ge [sflag:s7], $0x13880  }
.Ltmp1:
0x1a: {  	[sflag:s7] =	ssyncset.done $0x0;
	(pc) =	sbr.rel @p0 .LBB2_1-.Ltmp1, $4  }
0x1b: {  	[sflag:s7] =	ssyncadd.s32 $0xFFFEC780  }
0x1c: {  	[hbm4b:s8+s2] =	stream.linear.scatter [tilespmem:s6], [sflag:$0x2], $0x13880, $0x38;
	[tilespmem:$0x14C08] =	vst v63  }
0x1d: {  	_ =	swait.ge [sflag:s3], $0x13880  }
0x1e: {  	[sflag:s3] =	ssyncset.done $0x0  }
.LBB2_2:
0x1f: {  	[sflag:s3] =	ssyncadd.s32 $0xFFFEC780  }
0x20: {  	_ =	sfence.sel $0x180000  }
0x21: {  	[bflag:$0x0] =	sbarrier.arrive $0xFFFF  }
0x22: {  	p0 =	sne.s32 s0, $0x0;
	_ =	strace $0x90000047  }
0x23: {  	s0 =	sadd.s32 @!p0 $0x100000, s1;
	[bflag:$0x2] =	sbarrier.arrive $0xFFFF  }
0x24: {  	[sflag:s0] =	ssyncadd.tile.s32 @!p0 $0x1;
	_ =	shalt  }
.Lfunc_end2:
_tile_overlayer_lowered:
.L_overlay_start_2:
0x25: {  	(tag) =	ssettag $0x2  }
0x26: {  	s0 =	rddreg [dreg:$0x0];
	s2 =	stileid.u32  }
0x27: {  	s1 =	rddreg [dreg:$0x1];
	p0 =	sne.s32 s2, $0x0  }
0x28: {  	s3 =	rddreg [dreg:$0x2];
	[bflag:$0x3] =	sbarrier.arrive $0xFFFF;
	s2 =	simm.s32 @!p0 $0x1C02  }
0x29: {  	[timem:s3], [sflag:s2] =	dma.local @!p0 [hbm:s0], s1  }
0x2a: {  	s0 =	simm.s32 @!p0 $0x2  }
0x2b: {  	_ =	swait.ge @!p0 [sflag:s0], s1  }
0x2c: {  	s1 =	ssub.s32 @!p0 $0x0, s1;
	[sflag:s0] =	ssyncset.done @!p0 $0x0  }
0x2d: {  	[sflag:s0] =	ssyncadd.s32 @!p0 s1  }
0x2e: {  	[bflag:$0x3] =	sbarrier.arrive $0xFFFF  }
0x2f: {  	_ =	shalt  }

</sc_bundles>
